<compile_context>
chip_gen: v7x
topology: tpu7x:2x2x1
jax: 0.10.2.dev20260603
libtpu: 0.0.44.dev20260713+nightly
codegen_flags: <defaults>
</compile_context>

<pallas_src>
import jax
import jax.numpy as jnp
from jax import lax
from jax.experimental import pallas as pl
from jax.experimental.pallas import tpu as pltpu
from jax.experimental.pallas import tpu_sc as plsc

_NUM_EMB = 1_000_000
_DIM = 32
_BATCH = 16384
_NUM_CORES = 2
_NUM_SUBCORES = 16
_NUM_WORKERS = _NUM_CORES * _NUM_SUBCORES
_B_PER_W = _BATCH // _NUM_WORKERS
_GRP = 2
_NBUF = 8
_NGRP = _B_PER_W // _GRP
_SLIVER = 128

_mesh = plsc.VectorSubcoreMesh(core_axis_name="c", subcore_axis_name="s")


def _gather_body(table_hbm, idx_hbm, out_hbm, idx_v, fetch_v, stage_v,
                 *sems):
    wid = lax.axis_index("s") * _NUM_CORES + lax.axis_index("c")
    base = wid * _B_PER_W
    sems_f = sems[:_NBUF]
    sems_o = sems[_NBUF:]

    pltpu.sync_copy(idx_hbm.at[pl.ds(base, _B_PER_W)], idx_v.at[pl.ds(0, _B_PER_W)])

    rows_lo = lax.iota(jnp.int32, 16)
    rows_hi = rows_lo + 16

    def issue_fetch(g, buf):
        v = idx_v[pl.ds(g * _GRP, 16)]
        j0 = (v >> 7) << 7
        for k in range(_GRP):
            pltpu.async_copy(
                table_hbm.at[
                    pl.ds(0, _DIM),
                    pl.ds(pl.multiple_of(j0[k], 128), _SLIVER),
                ],
                fetch_v.at[buf, k],
                sems_f[buf],
            )

    def drain_fetch(buf):
        for k in range(_GRP):
            pltpu.make_async_copy(
                table_hbm.at[pl.ds(0, _DIM), pl.ds(0, _SLIVER)],
                fetch_v.at[buf, k],
                sems_f[buf],
            ).wait()

    def drain_out(g, buf):
        pltpu.make_async_copy(
            stage_v.at[buf], out_hbm.at[pl.ds(g * _GRP, _GRP)], sems_o[buf]
        ).wait()

    for b in range(_NBUF):
        issue_fetch(b, b)

    def step(t, _):
        for b in range(_NBUF):
            g = t * _NBUF + b
            drain_fetch(b)

            @pl.when(t >= 1)
            def _():
                drain_out(g - _NBUF, b)

            v = idx_v[pl.ds(g * _GRP, 16)]
            lane = v & 127
            for k in range(_GRP):
                sel_k = jnp.full((16,), k, jnp.int32)
                cols = jnp.full((16,), lane[k], jnp.int32)
                lo = plsc.load_gather(fetch_v.at[b], [sel_k, rows_lo, cols])
                hi = plsc.load_gather(fetch_v.at[b], [sel_k, rows_hi, cols])
                stage_v[b, k, pl.ds(0, 16)] = lo
                stage_v[b, k, pl.ds(16, 16)] = hi
            pltpu.async_copy(
                stage_v.at[b],
                out_hbm.at[pl.ds(base + g * _GRP, _GRP)],
                sems_o[b],
            )

            @pl.when(t < (_NGRP // _NBUF) - 1)
            def _():
                issue_fetch(g + _NBUF, b)

        return ()

    lax.fori_loop(0, _NGRP // _NBUF, step, (), unroll=False)

    for b in range(_NBUF):
        drain_out(0, b)


@jax.jit
def kernel(input_index, embeds):
    gather = pl.kernel(
        _gather_body,
        mesh=_mesh,
        out_type=jax.ShapeDtypeStruct((_BATCH, _DIM), jnp.float32),
        scratch_types=[
            pltpu.VMEM((_B_PER_W + 16,), jnp.int32),
            pltpu.VMEM((_NBUF, _GRP, _DIM, _SLIVER), jnp.float32),
            pltpu.VMEM((_NBUF, _GRP, _DIM), jnp.float32),
        ] + [pltpu.SemaphoreType.DMA] * (2 * _NBUF),
        compiler_params=pltpu.CompilerParams(
            use_tc_tiling_on_sc=True, needs_layout_passes=False
        ),
    )
    return gather(embeds.T, input_index.astype(jnp.int32))

# --- scband reference (transcript-rebuilt; emitter-appended) ---
"""Pipeline reference for scband-euclidean-embeddings-9826885173443 (READ-ONLY COPY).

The authoritative reference and input builder live on the scoring server;
editing this copy changes nothing except your own understanding.
"""

import jax, jax.numpy as jnp
import numpy as np

NUM_EMBEDDINGS = 1000000
EMBEDDING_DIM = 32
BATCH = 16384


def setup_inputs(seed: int = 0) -> dict:
    key = jax.random.key(seed)
    k_idx, k_tab = jax.random.split(key)
    input_index = jax.random.randint(k_idx, (BATCH,), 0, NUM_EMBEDDINGS, dtype=jnp.int64 if jax.config.jax_enable_x64 else jnp.int32)
    # learned parameter: embedding table (manifold is Euclidean -> plain table)
    embeds = jax.random.uniform(k_tab, (NUM_EMBEDDINGS, EMBEDDING_DIM), dtype=jnp.float32, minval=-1e-3, maxval=1e-3)
    return {"input_index": input_index, "embeds": embeds}


def reference(input_index, embeds):
    # Faithful translation: self.embeds[input_index]
    return jnp.take(embeds, input_index, axis=0)

if __name__ == "__main__":
    import jax
    _d = setup_inputs()
    print(jax.jit(kernel)(*tuple(_d.values())))

</pallas_src>

<mosaic_0001>
#map = affine_map<(d0, d1) -> (0, 0)>
#map1 = affine_map<(d0, d1) -> (0)>
module attributes {stable_mosaic.version = 14 : i64} {
  func.func @_gather_body(%arg0: i32, %arg1: i32, %arg2: memref<32x1000000xf32, #tpu.memory_space<hbm>>, %arg3: memref<16384xi32, #tpu.memory_space<hbm>>, %arg4: memref<16384x32xf32, #tpu.memory_space<hbm>>, %arg5: memref<528xi32, #tpu.memory_space<vmem>>, %arg6: memref<8x2x32x128xf32, #tpu.memory_space<vmem>>, %arg7: memref<8x2x32xf32, #tpu.memory_space<vmem>>, %arg8: memref<!tpu.dma_semaphore, #tpu.memory_space<semaphore_mem>>, %arg9: memref<!tpu.dma_semaphore, #tpu.memory_space<semaphore_mem>>, %arg10: memref<!tpu.dma_semaphore, #tpu.memory_space<semaphore_mem>>, %arg11: memref<!tpu.dma_semaphore, #tpu.memory_space<semaphore_mem>>, %arg12: memref<!tpu.dma_semaphore, #tpu.memory_space<semaphore_mem>>, %arg13: memref<!tpu.dma_semaphore, #tpu.memory_space<semaphore_mem>>, %arg14: memref<!tpu.dma_semaphore, #tpu.memory_space<semaphore_mem>>, %arg15: memref<!tpu.dma_semaphore, #tpu.memory_space<semaphore_mem>>, %arg16: memref<!tpu.dma_semaphore, #tpu.memory_space<semaphore_mem>>, %arg17: memref<!tpu.dma_semaphore, #tpu.memory_space<semaphore_mem>>, %arg18: memref<!tpu.dma_semaphore, #tpu.memory_space<semaphore_mem>>, %arg19: memref<!tpu.dma_semaphore, #tpu.memory_space<semaphore_mem>>, %arg20: memref<!tpu.dma_semaphore, #tpu.memory_space<semaphore_mem>>, %arg21: memref<!tpu.dma_semaphore, #tpu.memory_space<semaphore_mem>>, %arg22: memref<!tpu.dma_semaphore, #tpu.memory_space<semaphore_mem>>, %arg23: memref<!tpu.dma_semaphore, #tpu.memory_space<semaphore_mem>>) attributes {dimension_semantics = [#tpu.dimension_semantics<core_parallel>, #tpu.dimension_semantics<subcore_parallel>], iteration_bounds = array<i64: 2, 16>, scalar_prefetch = 0 : i64, scratch_operands = 19 : i64, tpu.core_type = #tpu.core_type<sc_vector_subcore>, window_params = [{transform_indices = #map}, {transform_indices = #map1}, {transform_indices = #map}]} {
    %mul3A = arith.constant 2 : i32
    %mul3A_0 = arith.muli %arg1, %mul3A : i32
    %add3A = arith.addi %mul3A_0, %arg0 : i32
    %mul3A_1 = arith.constant 512 : i32
    %mul3A_2 = arith.muli %add3A, %mul3A_1 : i32
    "tpu.region"() ({
      %run_scoped3A = tpu.sem_alloc : memref<!tpu.dma_semaphore, #tpu.memory_space<semaphore_mem>>
      %dma_start3A_458 = arith.constant 0 : i32
      %dma_start3A_459 = tpu.memref_slice %arg5[%dma_start3A_458] : memref<528xi32, #tpu.memory_space<vmem>> -> memref<512xi32, #tpu.memory_space<vmem>>
      %dma_start3A_460 = tpu.memref_slice %arg3[%mul3A_2] : memref<16384xi32, #tpu.memory_space<hbm>> -> memref<512xi32, #tpu.memory_space<hbm>>
      %dma_start3A_461 = arith.constant 0 : i32
      %dma_start3A_462 = tpu.memref_slice %arg5[%dma_start3A_461] : memref<528xi32, #tpu.memory_space<vmem>> -> memref<512xi32, #tpu.memory_space<vmem>>
      %dma_start3A_463 = tpu.memref_slice %arg3[%mul3A_2] : memref<16384xi32, #tpu.memory_space<hbm>> -> memref<512xi32, #tpu.memory_space<hbm>>
      tpu.enqueue_dma source(%dma_start3A_463 : memref<512xi32, #tpu.memory_space<hbm>>) target(%dma_start3A_462 : memref<512xi32, #tpu.memory_space<vmem>>) target_semaphore(%run_scoped3A : memref<!tpu.dma_semaphore, #tpu.memory_space<semaphore_mem>>)
      %dma_wait3A_464 = arith.constant 0 : i32
      %dma_wait3A_465 = tpu.memref_slice %arg5[%dma_wait3A_464] : memref<528xi32, #tpu.memory_space<vmem>> -> memref<512xi32, #tpu.memory_space<vmem>>
      %dma_wait3A_466 = tpu.memref_slice %arg3[%mul3A_2] : memref<16384xi32, #tpu.memory_space<hbm>> -> memref<512xi32, #tpu.memory_space<hbm>>
      %dma_wait3A_467 = arith.constant 0 : i32
      %dma_wait3A_468 = tpu.memref_slice %arg5[%dma_wait3A_467] : memref<528xi32, #tpu.memory_space<vmem>> -> memref<512xi32, #tpu.memory_space<vmem>>
      %dma_wait3A_469 = tpu.memref_slice %arg3[%mul3A_2] : memref<16384xi32, #tpu.memory_space<hbm>> -> memref<512xi32, #tpu.memory_space<hbm>>
      tpu.wait_dma2 semaphore(%run_scoped3A : memref<!tpu.dma_semaphore, #tpu.memory_space<semaphore_mem>>) src(%dma_wait3A_469 : memref<512xi32, #tpu.memory_space<hbm>>) dst(%dma_wait3A_468 : memref<512xi32, #tpu.memory_space<vmem>>)
      tpu.yield
    }) : () -> ()
    %iota3A = tpu.iota {dimensions = array<i32: 0>} : vector<16xi32>
    %add3A_3 = arith.constant 16 : i32
    %add3A_4 = vector.broadcast %add3A_3 : i32 to vector<16xi32>
    %add3A_5 = arith.addi %iota3A, %add3A_4 : vector<16xi32>
    %get3A = arith.constant 0 : index
    %get3A_6 = tpu.vector_load %arg5[%get3A] {strides = array<i32>} : memref<528xi32, #tpu.memory_space<vmem>>, vector<16xi32>,
    %shift_right_arithmetic3A = arith.constant 7 : i32
    %shift_right_arithmetic3A_7 = vector.broadcast %shift_right_arithmetic3A : i32 to vector<16xi32>
    %shift_right_arithmetic3A_8 = arith.shrsi %get3A_6, %shift_right_arithmetic3A_7 : vector<16xi32>
    %shift_left3A = arith.constant 7 : i32
    %shift_left3A_9 = vector.broadcast %shift_left3A : i32 to vector<16xi32>
    %shift_left3A_10 = arith.shli %shift_right_arithmetic3A_8, %shift_left3A_9 : vector<16xi32>
    %slice3A = vector.extract_strided_slice %shift_left3A_10 {offsets = [0], sizes = [1], strides = [1]} : vector<16xi32> to vector<1xi32>
    %squeeze3A = vector.extract %slice3A[0] : i32 from vector<1xi32>
    %multiple_of3A = tpu.assume_multiple %squeeze3A, 128 : i32
    %dma_start3A = arith.constant 0 : i32
    %dma_start3A_11 = arith.constant 0 : i32
    %dma_start3A_12 = arith.constant 0 : i32
    %dma_start3A_13 = arith.constant 0 : i32
    %dma_start3A_14 = tpu.memref_slice %arg6[%dma_start3A, %dma_start3A_11, %dma_start3A_12, %dma_start3A_13] : memref<8x2x32x128xf32, #tpu.memory_space<vmem>> -> memref<1x1x32x128xf32, #tpu.memory_space<vmem>>
    %dma_start3A_15 = tpu.memref_squeeze %dma_start3A_14 : memref<1x1x32x128xf32, #tpu.memory_space<vmem>> -> memref<32x128xf32, #tpu.memory_space<vmem>>
    %dma_start3A_16 = arith.constant 0 : i32
    %dma_start3A_17 = tpu.memref_slice %arg2[%dma_start3A_16, %multiple_of3A] : memref<32x1000000xf32, #tpu.memory_space<hbm>> -> memref<32x128xf32, #tpu.memory_space<hbm>>
    %dma_start3A_18 = arith.constant 0 : i32
    %dma_start3A_19 = arith.constant 0 : i32
    %dma_start3A_20 = tpu.memref_slice %arg6[%dma_start3A, %dma_start3A_11, %dma_start3A_18, %dma_start3A_19] : memref<8x2x32x128xf32, #tpu.memory_space<vmem>> -> memref<1x1x32x128xf32, #tpu.memory_space<vmem>>
    %dma_start3A_21 = tpu.memref_squeeze %dma_start3A_20 : memref<1x1x32x128xf32, #tpu.memory_space<vmem>> -> memref<32x128xf32, #tpu.memory_space<vmem>>
    %dma_start3A_22 = arith.constant 0 : i32
    %dma_start3A_23 = tpu.memref_slice %arg2[%dma_start3A_22, %multiple_of3A] : memref<32x1000000xf32, #tpu.memory_space<hbm>> -> memref<32x128xf32, #tpu.memory_space<hbm>>
    tpu.enqueue_dma source(%dma_start3A_23 : memref<32x128xf32, #tpu.memory_space<hbm>>) target(%dma_start3A_21 : memref<32x128xf32, #tpu.memory_space<vmem>>) target_semaphore(%arg8 : memref<!tpu.dma_semaphore, #tpu.memory_space<semaphore_mem>>)
    %slice3A_24 = vector.extract_strided_slice %shift_left3A_10 {offsets = [1], sizes = [1], strides = [1]} : vector<16xi32> to vector<1xi32>
    %squeeze3A_25 = vector.extract %slice3A_24[0] : i32 from vector<1xi32>
    %multiple_of3A_26 = tpu.assume_multiple %squeeze3A_25, 128 : i32
    %dma_start3A_27 = arith.constant 0 : i32
    %dma_start3A_28 = arith.constant 1 : i32
    %dma_start3A_29 = arith.constant 0 : i32
    %dma_start3A_30 = arith.constant 0 : i32
    %dma_start3A_31 = tpu.memref_slice %arg6[%dma_start3A_27, %dma_start3A_28, %dma_start3A_29, %dma_start3A_30] : memref<8x2x32x128xf32, #tpu.memory_space<vmem>> -> memref<1x1x32x128xf32, #tpu.memory_space<vmem>>
    %dma_start3A_32 = tpu.memref_squeeze %dma_start3A_31 : memref<1x1x32x128xf32, #tpu.memory_space<vmem>> -> memref<32x128xf32, #tpu.memory_space<vmem>>
    %dma_start3A_33 = arith.constant 0 : i32
    %dma_start3A_34 = tpu.memref_slice %arg2[%dma_start3A_33, %multiple_of3A_26] : memref<32x1000000xf32, #tpu.memory_space<hbm>> -> memref<32x128xf32, #tpu.memory_space<hbm>>
    %dma_start3A_35 = arith.constant 0 : i32
    %dma_start3A_36 = arith.constant 0 : i32
    %dma_start3A_37 = tpu.memref_slice %arg6[%dma_start3A_27, %dma_start3A_28, %dma_start3A_35, %dma_start3A_36] : memref<8x2x32x128xf32, #tpu.memory_space<vmem>> -> memref<1x1x32x128xf32, #tpu.memory_space<vmem>>
    %dma_start3A_38 = tpu.memref_squeeze %dma_start3A_37 : memref<1x1x32x128xf32, #tpu.memory_space<vmem>> -> memref<32x128xf32, #tpu.memory_space<vmem>>
    %dma_start3A_39 = arith.constant 0 : i32
    %dma_start3A_40 = tpu.memref_slice %arg2[%dma_start3A_39, %multiple_of3A_26] : memref<32x1000000xf32, #tpu.memory_space<hbm>> -> memref<32x128xf32, #tpu.memory_space<hbm>>
    tpu.enqueue_dma source(%dma_start3A_40 : memref<32x128xf32, #tpu.memory_space<hbm>>) target(%dma_start3A_38 : memref<32x128xf32, #tpu.memory_space<vmem>>) target_semaphore(%arg8 : memref<!tpu.dma_semaphore, #tpu.memory_space<semaphore_mem>>)
    %get3A_41 = arith.constant 2 : index
    %get3A_42 = tpu.vector_load %arg5[%get3A_41] {strides = array<i32>} : memref<528xi32, #tpu.memory_space<vmem>>, vector<16xi32>,
    %shift_right_arithmetic3A_43 = arith.constant 7 : i32
    %shift_right_arithmetic3A_44 = vector.broadcast %shift_right_arithmetic3A_43 : i32 to vector<16xi32>
    %shift_right_arithmetic3A_45 = arith.shrsi %get3A_42, %shift_right_arithmetic3A_44 : vector<16xi32>
    %shift_left3A_46 = arith.constant 7 : i32
    %shift_left3A_47 = vector.broadcast %shift_left3A_46 : i32 to vector<16xi32>
    %shift_left3A_48 = arith.shli %shift_right_arithmetic3A_45, %shift_left3A_47 : vector<16xi32>
    %slice3A_49 = vector.extract_strided_slice %shift_left3A_48 {offsets = [0], sizes = [1], strides = [1]} : vector<16xi32> to vector<1xi32>
    %squeeze3A_50 = vector.extract %slice3A_49[0] : i32 from vector<1xi32>
    %multiple_of3A_51 = tpu.assume_multiple %squeeze3A_50, 128 : i32
    %dma_start3A_52 = arith.constant 1 : i32
    %dma_start3A_53 = arith.constant 0 : i32
    %dma_start3A_54 = arith.constant 0 : i32
    %dma_start3A_55 = arith.constant 0 : i32
    %dma_start3A_56 = tpu.memref_slice %arg6[%dma_start3A_52, %dma_start3A_53, %dma_start3A_54, %dma_start3A_55] : memref<8x2x32x128xf32, #tpu.memory_space<vmem>> -> memref<1x1x32x128xf32, #tpu.memory_space<vmem>>
    %dma_start3A_57 = tpu.memref_squeeze %dma_start3A_56 : memref<1x1x32x128xf32, #tpu.memory_space<vmem>> -> memref<32x128xf32, #tpu.memory_space<vmem>>
    %dma_start3A_58 = arith.constant 0 : i32
    %dma_start3A_59 = tpu.memref_slice %arg2[%dma_start3A_58, %multiple_of3A_51] : memref<32x1000000xf32, #tpu.memory_space<hbm>> -> memref<32x128xf32, #tpu.memory_space<hbm>>
    %dma_start3A_60 = arith.constant 0 : i32
    %dma_start3A_61 = arith.constant 0 : i32
    %dma_start3A_62 = tpu.memref_slice %arg6[%dma_start3A_52, %dma_start3A_53, %dma_start3A_60, %dma_start3A_61] : memref<8x2x32x128xf32, #tpu.memory_space<vmem>> -> memref<1x1x32x128xf32, #tpu.memory_space<vmem>>
    %dma_start3A_63 = tpu.memref_squeeze %dma_start3A_62 : memref<1x1x32x128xf32, #tpu.memory_space<vmem>> -> memref<32x128xf32, #tpu.memory_space<vmem>>
    %dma_start3A_64 = arith.constant 0 : i32
    %dma_start3A_65 = tpu.memref_slice %arg2[%dma_start3A_64, %multiple_of3A_51] : memref<32x1000000xf32, #tpu.memory_space<hbm>> -> memref<32x128xf32, #tpu.memory_space<hbm>>
    tpu.enqueue_dma source(%dma_start3A_65 : memref<32x128xf32, #tpu.memory_space<hbm>>) target(%dma_start3A_63 : memref<32x128xf32, #tpu.memory_space<vmem>>) target_semaphore(%arg9 : memref<!tpu.dma_semaphore, #tpu.memory_space<semaphore_mem>>)
    %slice3A_66 = vector.extract_strided_slice %shift_left3A_48 {offsets = [1], sizes = [1], strides = [1]} : vector<16xi32> to vector<1xi32>
    %squeeze3A_67 = vector.extract %slice3A_66[0] : i32 from vector<1xi32>
    %multiple_of3A_68 = tpu.assume_multiple %squeeze3A_67, 128 : i32
    %dma_start3A_69 = arith.constant 1 : i32
    %dma_start3A_70 = arith.constant 1 : i32
    %dma_start3A_71 = arith.constant 0 : i32
    %dma_start3A_72 = arith.constant 0 : i32
    %dma_start3A_73 = tpu.memref_slice %arg6[%dma_start3A_69, %dma_start3A_70, %dma_start3A_71, %dma_start3A_72] : memref<8x2x32x128xf32, #tpu.memory_space<vmem>> -> memref<1x1x32x128xf32, #tpu.memory_space<vmem>>
    %dma_start3A_74 = tpu.memref_squeeze %dma_start3A_73 : memref<1x1x32x128xf32, #tpu.memory_space<vmem>> -> memref<32x128xf32, #tpu.memory_space<vmem>>
    %dma_start3A_75 = arith.constant 0 : i32
    %dma_start3A_76 = tpu.memref_slice %arg2[%dma_start3A_75, %multiple_of3A_68] : memref<32x1000000xf32, #tpu.memory_space<hbm>> -> memref<32x128xf32, #tpu.memory_space<hbm>>
    %dma_start3A_77 = arith.constant 0 : i32
    %dma_start3A_78 = arith.constant 0 : i32
    %dma_start3A_79 = tpu.memref_slice %arg6[%dma_start3A_69, %dma_start3A_70, %dma_start3A_77, %dma_start3A_78] : memref<8x2x32x128xf32, #tpu.memory_space<vmem>> -> memref<1x1x32x128xf32, #tpu.memory_space<vmem>>
    %dma_start3A_80 = tpu.memref_squeeze %dma_start3A_79 : memref<1x1x32x128xf32, #tpu.memory_space<vmem>> -> memref<32x128xf32, #tpu.memory_space<vmem>>
    %dma_start3A_81 = arith.constant 0 : i32
    %dma_start3A_82 = tpu.memref_slice %arg2[%dma_start3A_81, %multiple_of3A_68] : memref<32x1000000xf32, #tpu.memory_space<hbm>> -> memref<32x128xf32, #tpu.memory_space<hbm>>
    tpu.enqueue_dma source(%dma_start3A_82 : memref<32x128xf32, #tpu.memory_space<hbm>>) target(%dma_start3A_80 : memref<32x128xf32, #tpu.memory_space<vmem>>) target_semaphore(%arg9 : memref<!tpu.dma_semaphore, #tpu.memory_space<semaphore_mem>>)
    %get3A_83 = arith.constant 4 : index
    %get3A_84 = tpu.vector_load %arg5[%get3A_83] {strides = array<i32>} : memref<528xi32, #tpu.memory_space<vmem>>, vector<16xi32>,
    %shift_right_arithmetic3A_85 = arith.constant 7 : i32
    %shift_right_arithmetic3A_86 = vector.broadcast %shift_right_arithmetic3A_85 : i32 to vector<16xi32>
    %shift_right_arithmetic3A_87 = arith.shrsi %get3A_84, %shift_right_arithmetic3A_86 : vector<16xi32>
    %shift_left3A_88 = arith.constant 7 : i32
    %shift_left3A_89 = vector.broadcast %shift_left3A_88 : i32 to vector<16xi32>
    %shift_left3A_90 = arith.shli %shift_right_arithmetic3A_87, %shift_left3A_89 : vector<16xi32>
    %slice3A_91 = vector.extract_strided_slice %shift_left3A_90 {offsets = [0], sizes = [1], strides = [1]} : vector<16xi32> to vector<1xi32>
    %squeeze3A_92 = vector.extract %slice3A_91[0] : i32 from vector<1xi32>
    %multiple_of3A_93 = tpu.assume_multiple %squeeze3A_92, 128 : i32
    %dma_start3A_94 = arith.constant 2 : i32
    %dma_start3A_95 = arith.constant 0 : i32
    %dma_start3A_96 = arith.constant 0 : i32
    %dma_start3A_97 = arith.constant 0 : i32
    %dma_start3A_98 = tpu.memref_slice %arg6[%dma_start3A_94, %dma_start3A_95, %dma_start3A_96, %dma_start3A_97] : memref<8x2x32x128xf32, #tpu.memory_space<vmem>> -> memref<1x1x32x128xf32, #tpu.memory_space<vmem>>
    %dma_start3A_99 = tpu.memref_squeeze %dma_start3A_98 : memref<1x1x32x128xf32, #tpu.memory_space<vmem>> -> memref<32x128xf32, #tpu.memory_space<vmem>>
    %dma_start3A_100 = arith.constant 0 : i32
    %dma_start3A_101 = tpu.memref_slice %arg2[%dma_start3A_100, %multiple_of3A_93] : memref<32x1000000xf32, #tpu.memory_space<hbm>> -> memref<32x128xf32, #tpu.memory_space<hbm>>
    %dma_start3A_102 = arith.constant 0 : i32
    %dma_start3A_103 = arith.constant 0 : i32
    %dma_start3A_104 = tpu.memref_slice %arg6[%dma_start3A_94, %dma_start3A_95, %dma_start3A_102, %dma_start3A_103] : memref<8x2x32x128xf32, #tpu.memory_space<vmem>> -> memref<1x1x32x128xf32, #tpu.memory_space<vmem>>
    %dma_start3A_105 = tpu.memref_squeeze %dma_start3A_104 : memref<1x1x32x128xf32, #tpu.memory_space<vmem>> -> memref<32x128xf32, #tpu.memory_space<vmem>>
    %dma_start3A_106 = arith.constant 0 : i32
    %dma_start3A_107 = tpu.memref_slice %arg2[%dma_start3A_106, %multiple_of3A_93] : memref<32x1000000xf32, #tpu.memory_space<hbm>> -> memref<32x128xf32, #tpu.memory_space<hbm>>
    tpu.enqueue_dma source(%dma_start3A_107 : memref<32x128xf32, #tpu.memory_space<hbm>>) target(%dma_start3A_105 : memref<32x128xf32, #tpu.memory_space<vmem>>) target_semaphore(%arg10 : memref<!tpu.dma_semaphore, #tpu.memory_space<semaphore_mem>>)
    %slice3A_108 = vector.extract_strided_slice %shift_left3A_90 {offsets = [1], sizes = [1], strides = [1]} : vector<16xi32> to vector<1xi32>
    %squeeze3A_109 = vector.extract %slice3A_108[0] : i32 from vector<1xi32>
    %multiple_of3A_110 = tpu.assume_multiple %squeeze3A_109, 128 : i32
    %dma_start3A_111 = arith.constant 2 : i32
    %dma_start3A_112 = arith.constant 1 : i32
    %dma_start3A_113 = arith.constant 0 : i32
    %dma_start3A_114 = arith.constant 0 : i32
    %dma_start3A_115 = tpu.memref_slice %arg6[%dma_start3A_111, %dma_start3A_112, %dma_start3A_113, %dma_start3A_114] : memref<8x2x32x128xf32, #tpu.memory_space<vmem>> -> memref<1x1x32x128xf32, #tpu.memory_space<vmem>>
    %dma_start3A_116 = tpu.memref_squeeze %dma_start3A_115 : memref<1x1x32x128xf32, #tpu.memory_space<vmem>> -> memref<32x128xf32, #tpu.memory_space<vmem>>
    %dma_start3A_117 = arith.constant 0 : i32
    %dma_start3A_118 = tpu.memref_slice %arg2[%dma_start3A_117, %multiple_of3A_110] : memref<32x1000000xf32, #tpu.memory_space<hbm>> -> memref<32x128xf32, #tpu.memory_space<hbm>>
    %dma_start3A_119 = arith.constant 0 : i32
    %dma_start3A_120 = arith.constant 0 : i32
    %dma_start3A_121 = tpu.memref_slice %arg6[%dma_start3A_111, %dma_start3A_112, %dma_start3A_119, %dma_start3A_120] : memref<8x2x32x128xf32, #tpu.memory_space<vmem>> -> memref<1x1x32x128xf32, #tpu.memory_space<vmem>>
    %dma_start3A_122 = tpu.memref_squeeze %dma_start3A_121 : memref<1x1x32x128xf32, #tpu.memory_space<vmem>> -> memref<32x128xf32, #tpu.memory_space<vmem>>
    %dma_start3A_123 = arith.constant 0 : i32
    %dma_start3A_124 = tpu.memref_slice %arg2[%dma_start3A_123, %multiple_of3A_110] : memref<32x1000000xf32, #tpu.memory_space<hbm>> -> memref<32x128xf32, #tpu.memory_space<hbm>>
    tpu.enqueue_dma source(%dma_start3A_124 : memref<32x128xf32, #tpu.memory_space<hbm>>) target(%dma_start3A_122 : memref<32x128xf32, #tpu.memory_space<vmem>>) target_semaphore(%arg10 : memref<!tpu.dma_semaphore, #tpu.memory_space<semaphore_mem>>)
    %get3A_125 = arith.constant 6 : index
    %get3A_126 = tpu.vector_load %arg5[%get3A_125] {strides = array<i32>} : memref<528xi32, #tpu.memory_space<vmem>>, vector<16xi32>,
    %shift_right_arithmetic3A_127 = arith.constant 7 : i32
    %shift_right_arithmetic3A_128 = vector.broadcast %shift_right_arithmetic3A_127 : i32 to vector<16xi32>
    %shift_right_arithmetic3A_129 = arith.shrsi %get3A_126, %shift_right_arithmetic3A_128 : vector<16xi32>
    %shift_left3A_130 = arith.constant 7 : i32
    %shift_left3A_131 = vector.broadcast %shift_left3A_130 : i32 to vector<16xi32>
    %shift_left3A_132 = arith.shli %shift_right_arithmetic3A_129, %shift_left3A_131 : vector<16xi32>
    %slice3A_133 = vector.extract_strided_slice %shift_left3A_132 {offsets = [0], sizes = [1], strides = [1]} : vector<16xi32> to vector<1xi32>
    %squeeze3A_134 = vector.extract %slice3A_133[0] : i32 from vector<1xi32>
    %multiple_of3A_135 = tpu.assume_multiple %squeeze3A_134, 128 : i32
    %dma_start3A_136 = arith.constant 3 : i32
    %dma_start3A_137 = arith.constant 0 : i32
    %dma_start3A_138 = arith.constant 0 : i32
    %dma_start3A_139 = arith.constant 0 : i32
    %dma_start3A_140 = tpu.memref_slice %arg6[%dma_start3A_136, %dma_start3A_137, %dma_start3A_138, %dma_start3A_139] : memref<8x2x32x128xf32, #tpu.memory_space<vmem>> -> memref<1x1x32x128xf32, #tpu.memory_space<vmem>>
    %dma_start3A_141 = tpu.memref_squeeze %dma_start3A_140 : memref<1x1x32x128xf32, #tpu.memory_space<vmem>> -> memref<32x128xf32, #tpu.memory_space<vmem>>
    %dma_start3A_142 = arith.constant 0 : i32
    %dma_start3A_143 = tpu.memref_slice %arg2[%dma_start3A_142, %multiple_of3A_135] : memref<32x1000000xf32, #tpu.memory_space<hbm>> -> memref<32x128xf32, #tpu.memory_space<hbm>>
    %dma_start3A_144 = arith.constant 0 : i32
    %dma_start3A_145 = arith.constant 0 : i32
    %dma_start3A_146 = tpu.memref_slice %arg6[%dma_start3A_136, %dma_start3A_137, %dma_start3A_144, %dma_start3A_145] : memref<8x2x32x128xf32, #tpu.memory_space<vmem>> -> memref<1x1x32x128xf32, #tpu.memory_space<vmem>>
    %dma_start3A_147 = tpu.memref_squeeze %dma_start3A_146 : memref<1x1x32x128xf32, #tpu.memory_space<vmem>> -> memref<32x128xf32, #tpu.memory_space<vmem>>
    %dma_start3A_148 = arith.constant 0 : i32
    %dma_start3A_149 = tpu.memref_slice %arg2[%dma_start3A_148, %multiple_of3A_135] : memref<32x1000000xf32, #tpu.memory_space<hbm>> -> memref<32x128xf32, #tpu.memory_space<hbm>>
    tpu.enqueue_dma source(%dma_start3A_149 : memref<32x128xf32, #tpu.memory_space<hbm>>) target(%dma_start3A_147 : memref<32x128xf32, #tpu.memory_space<vmem>>) target_semaphore(%arg11 : memref<!tpu.dma_semaphore, #tpu.memory_space<semaphore_mem>>)
    %slice3A_150 = vector.extract_strided_slice %shift_left3A_132 {offsets = [1], sizes = [1], strides = [1]} : vector<16xi32> to vector<1xi32>
    %squeeze3A_151 = vector.extract %slice3A_150[0] : i32 from vector<1xi32>
    %multiple_of3A_152 = tpu.assume_multiple %squeeze3A_151, 128 : i32
    %dma_start3A_153 = arith.constant 3 : i32
    %dma_start3A_154 = arith.constant 1 : i32
    %dma_start3A_155 = arith.constant 0 : i32
    %dma_start3A_156 = arith.constant 0 : i32
    %dma_start3A_157 = tpu.memref_slice %arg6[%dma_start3A_153, %dma_start3A_154, %dma_start3A_155, %dma_start3A_156] : memref<8x2x32x128xf32, #tpu.memory_space<vmem>> -> memref<1x1x32x128xf32, #tpu.memory_space<vmem>>
    %dma_start3A_158 = tpu.memref_squeeze %dma_start3A_157 : memref<1x1x32x128xf32, #tpu.memory_space<vmem>> -> memref<32x128xf32, #tpu.memory_space<vmem>>
    %dma_start3A_159 = arith.constant 0 : i32
    %dma_start3A_160 = tpu.memref_slice %arg2[%dma_start3A_159, %multiple_of3A_152] : memref<32x1000000xf32, #tpu.memory_space<hbm>> -> memref<32x128xf32, #tpu.memory_space<hbm>>
    %dma_start3A_161 = arith.constant 0 : i32
    %dma_start3A_162 = arith.constant 0 : i32
    %dma_start3A_163 = tpu.memref_slice %arg6[%dma_start3A_153, %dma_start3A_154, %dma_start3A_161, %dma_start3A_162] : memref<8x2x32x128xf32, #tpu.memory_space<vmem>> -> memref<1x1x32x128xf32, #tpu.memory_space<vmem>>
    %dma_start3A_164 = tpu.memref_squeeze %dma_start3A_163 : memref<1x1x32x128xf32, #tpu.memory_space<vmem>> -> memref<32x128xf32, #tpu.memory_space<vmem>>
    %dma_start3A_165 = arith.constant 0 : i32
    %dma_start3A_166 = tpu.memref_slice %arg2[%dma_start3A_165, %multiple_of3A_152] : memref<32x1000000xf32, #tpu.memory_space<hbm>> -> memref<32x128xf32, #tpu.memory_space<hbm>>
    tpu.enqueue_dma source(%dma_start3A_166 : memref<32x128xf32, #tpu.memory_space<hbm>>) target(%dma_start3A_164 : memref<32x128xf32, #tpu.memory_space<vmem>>) target_semaphore(%arg11 : memref<!tpu.dma_semaphore, #tpu.memory_space<semaphore_mem>>)
    %get3A_167 = arith.constant 8 : index
    %get3A_168 = tpu.vector_load %arg5[%get3A_167] {strides = array<i32>} : memref<528xi32, #tpu.memory_space<vmem>>, vector<16xi32>,
    %shift_right_arithmetic3A_169 = arith.constant 7 : i32
    %shift_right_arithmetic3A_170 = vector.broadcast %shift_right_arithmetic3A_169 : i32 to vector<16xi32>
    %shift_right_arithmetic3A_171 = arith.shrsi %get3A_168, %shift_right_arithmetic3A_170 : vector<16xi32>
    %shift_left3A_172 = arith.constant 7 : i32
    %shift_left3A_173 = vector.broadcast %shift_left3A_172 : i32 to vector<16xi32>
    %shift_left3A_174 = arith.shli %shift_right_arithmetic3A_171, %shift_left3A_173 : vector<16xi32>
    %slice3A_175 = vector.extract_strided_slice %shift_left3A_174 {offsets = [0], sizes = [1], strides = [1]} : vector<16xi32> to vector<1xi32>
    %squeeze3A_176 = vector.extract %slice3A_175[0] : i32 from vector<1xi32>
    %multiple_of3A_177 = tpu.assume_multiple %squeeze3A_176, 128 : i32
    %dma_start3A_178 = arith.constant 4 : i32
    %dma_start3A_179 = arith.constant 0 : i32
    %dma_start3A_180 = arith.constant 0 : i32
    %dma_start3A_181 = arith.constant 0 : i32
    %dma_start3A_182 = tpu.memref_slice %arg6[%dma_start3A_178, %dma_start3A_179, %dma_start3A_180, %dma_start3A_181] : memref<8x2x32x128xf32, #tpu.memory_space<vmem>> -> memref<1x1x32x128xf32, #tpu.memory_space<vmem>>
    %dma_start3A_183 = tpu.memref_squeeze %dma_start3A_182 : memref<1x1x32x128xf32, #tpu.memory_space<vmem>> -> memref<32x128xf32, #tpu.memory_space<vmem>>
    %dma_start3A_184 = arith.constant 0 : i32
    %dma_start3A_185 = tpu.memref_slice %arg2[%dma_start3A_184, %multiple_of3A_177] : memref<32x1000000xf32, #tpu.memory_space<hbm>> -> memref<32x128xf32, #tpu.memory_space<hbm>>
    %dma_start3A_186 = arith.constant 0 : i32
    %dma_start3A_187 = arith.constant 0 : i32
    %dma_start3A_188 = tpu.memref_slice %arg6[%dma_start3A_178, %dma_start3A_179, %dma_start3A_186, %dma_start3A_187] : memref<8x2x32x128xf32, #tpu.memory_space<vmem>> -> memref<1x1x32x128xf32, #tpu.memory_space<vmem>>
    %dma_start3A_189 = tpu.memref_squeeze %dma_start3A_188 : memref<1x1x32x128xf32, #tpu.memory_space<vmem>> -> memref<32x128xf32, #tpu.memory_space<vmem>>
    %dma_start3A_190 = arith.constant 0 : i32
    %dma_start3A_191 = tpu.memref_slice %arg2[%dma_start3A_190, %multiple_of3A_177] : memref<32x1000000xf32, #tpu.memory_space<hbm>> -> memref<32x128xf32, #tpu.memory_space<hbm>>
    tpu.enqueue_dma source(%dma_start3A_191 : memref<32x128xf32, #tpu.memory_space<hbm>>) target(%dma_start3A_189 : memref<32x128xf32, #tpu.memory_space<vmem>>) target_semaphore(%arg12 : memref<!tpu.dma_semaphore, #tpu.memory_space<semaphore_mem>>)
    %slice3A_192 = vector.extract_strided_slice %shift_left3A_174 {offsets = [1], sizes = [1], strides = [1]} : vector<16xi32> to vector<1xi32>
    %squeeze3A_193 = vector.extract %slice3A_192[0] : i32 from vector<1xi32>
    %multiple_of3A_194 = tpu.assume_multiple %squeeze3A_193, 128 : i32
    %dma_start3A_195 = arith.constant 4 : i32
    %dma_start3A_196 = arith.constant 1 : i32
    %dma_start3A_197 = arith.constant 0 : i32
    %dma_start3A_198 = arith.constant 0 : i32
    %dma_start3A_199 = tpu.memref_slice %arg6[%dma_start3A_195, %dma_start3A_196, %dma_start3A_197, %dma_start3A_198] : memref<8x2x32x128xf32, #tpu.memory_space<vmem>> -> memref<1x1x32x128xf32, #tpu.memory_space<vmem>>
    %dma_start3A_200 = tpu.memref_squeeze %dma_start3A_199 : memref<1x1x32x128xf32, #tpu.memory_space<vmem>> -> memref<32x128xf32, #tpu.memory_space<vmem>>
    %dma_start3A_201 = arith.constant 0 : i32
    %dma_start3A_202 = tpu.memref_slice %arg2[%dma_start3A_201, %multiple_of3A_194] : memref<32x1000000xf32, #tpu.memory_space<hbm>> -> memref<32x128xf32, #tpu.memory_space<hbm>>
    %dma_start3A_203 = arith.constant 0 : i32
    %dma_start3A_204 = arith.constant 0 : i32
    %dma_start3A_205 = tpu.memref_slice %arg6[%dma_start3A_195, %dma_start3A_196, %dma_start3A_203, %dma_start3A_204] : memref<8x2x32x128xf32, #tpu.memory_space<vmem>> -> memref<1x1x32x128xf32, #tpu.memory_space<vmem>>
    %dma_start3A_206 = tpu.memref_squeeze %dma_start3A_205 : memref<1x1x32x128xf32, #tpu.memory_space<vmem>> -> memref<32x128xf32, #tpu.memory_space<vmem>>
    %dma_start3A_207 = arith.constant 0 : i32
    %dma_start3A_208 = tpu.memref_slice %arg2[%dma_start3A_207, %multiple_of3A_194] : memref<32x1000000xf32, #tpu.memory_space<hbm>> -> memref<32x128xf32, #tpu.memory_space<hbm>>
    tpu.enqueue_dma source(%dma_start3A_208 : memref<32x128xf32, #tpu.memory_space<hbm>>) target(%dma_start3A_206 : memref<32x128xf32, #tpu.memory_space<vmem>>) target_semaphore(%arg12 : memref<!tpu.dma_semaphore, #tpu.memory_space<semaphore_mem>>)
    %get3A_209 = arith.constant 10 : index
    %get3A_210 = tpu.vector_load %arg5[%get3A_209] {strides = array<i32>} : memref<528xi32, #tpu.memory_space<vmem>>, vector<16xi32>,
    %shift_right_arithmetic3A_211 = arith.constant 7 : i32
    %shift_right_arithmetic3A_212 = vector.broadcast %shift_right_arithmetic3A_211 : i32 to vector<16xi32>
    %shift_right_arithmetic3A_213 = arith.shrsi %get3A_210, %shift_right_arithmetic3A_212 : vector<16xi32>
    %shift_left3A_214 = arith.constant 7 : i32
    %shift_left3A_215 = vector.broadcast %shift_left3A_214 : i32 to vector<16xi32>
    %shift_left3A_216 = arith.shli %shift_right_arithmetic3A_213, %shift_left3A_215 : vector<16xi32>
    %slice3A_217 = vector.extract_strided_slice %shift_left3A_216 {offsets = [0], sizes = [1], strides = [1]} : vector<16xi32> to vector<1xi32>
    %squeeze3A_218 = vector.extract %slice3A_217[0] : i32 from vector<1xi32>
    %multiple_of3A_219 = tpu.assume_multiple %squeeze3A_218, 128 : i32
    %dma_start3A_220 = arith.constant 5 : i32
    %dma_start3A_221 = arith.constant 0 : i32
    %dma_start3A_222 = arith.constant 0 : i32
    %dma_start3A_223 = arith.constant 0 : i32
    %dma_start3A_224 = tpu.memref_slice %arg6[%dma_start3A_220, %dma_start3A_221, %dma_start3A_222, %dma_start3A_223] : memref<8x2x32x128xf32, #tpu.memory_space<vmem>> -> memref<1x1x32x128xf32, #tpu.memory_space<vmem>>
    %dma_start3A_225 = tpu.memref_squeeze %dma_start3A_224 : memref<1x1x32x128xf32, #tpu.memory_space<vmem>> -> memref<32x128xf32, #tpu.memory_space<vmem>>
    %dma_start3A_226 = arith.constant 0 : i32
    %dma_start3A_227 = tpu.memref_slice %arg2[%dma_start3A_226, %multiple_of3A_219] : memref<32x1000000xf32, #tpu.memory_space<hbm>> -> memref<32x128xf32, #tpu.memory_space<hbm>>
    %dma_start3A_228 = arith.constant 0 : i32
    %dma_start3A_229 = arith.constant 0 : i32
    %dma_start3A_230 = tpu.memref_slice %arg6[%dma_start3A_220, %dma_start3A_221, %dma_start3A_228, %dma_start3A_229] : memref<8x2x32x128xf32, #tpu.memory_space<vmem>> -> memref<1x1x32x128xf32, #tpu.memory_space<vmem>>
    %dma_start3A_231 = tpu.memref_squeeze %dma_start3A_230 : memref<1x1x32x128xf32, #tpu.memory_space<vmem>> -> memref<32x128xf32, #tpu.memory_space<vmem>>
    %dma_start3A_232 = arith.constant 0 : i32
    %dma_start3A_233 = tpu.memref_slice %arg2[%dma_start3A_232, %multiple_of3A_219] : memref<32x1000000xf32, #tpu.memory_space<hbm>> -> memref<32x128xf32, #tpu.memory_space<hbm>>
    tpu.enqueue_dma source(%dma_start3A_233 : memref<32x128xf32, #tpu.memory_space<hbm>>) target(%dma_start3A_231 : memref<32x128xf32, #tpu.memory_space<vmem>>) target_semaphore(%arg13 : memref<!tpu.dma_semaphore, #tpu.memory_space<semaphore_mem>>)
    %slice3A_234 = vector.extract_strided_slice %shift_left3A_216 {offsets = [1], sizes = [1], strides = [1]} : vector<16xi32> to vector<1xi32>
    %squeeze3A_235 = vector.extract %slice3A_234[0] : i32 from vector<1xi32>
    %multiple_of3A_236 = tpu.assume_multiple %squeeze3A_235, 128 : i32
    %dma_start3A_237 = arith.constant 5 : i32
    %dma_start3A_238 = arith.constant 1 : i32
    %dma_start3A_239 = arith.constant 0 : i32
    %dma_start3A_240 = arith.constant 0 : i32
    %dma_start3A_241 = tpu.memref_slice %arg6[%dma_start3A_237, %dma_start3A_238, %dma_start3A_239, %dma_start3A_240] : memref<8x2x32x128xf32, #tpu.memory_space<vmem>> -> memref<1x1x32x128xf32, #tpu.memory_space<vmem>>
    %dma_start3A_242 = tpu.memref_squeeze %dma_start3A_241 : memref<1x1x32x128xf32, #tpu.memory_space<vmem>> -> memref<32x128xf32, #tpu.memory_space<vmem>>
    %dma_start3A_243 = arith.constant 0 : i32
    %dma_start3A_244 = tpu.memref_slice %arg2[%dma_start3A_243, %multiple_of3A_236] : memref<32x1000000xf32, #tpu.memory_space<hbm>> -> memref<32x128xf32, #tpu.memory_space<hbm>>
    %dma_start3A_245 = arith.constant 0 : i32
    %dma_start3A_246 = arith.constant 0 : i32
    %dma_start3A_247 = tpu.memref_slice %arg6[%dma_start3A_237, %dma_start3A_238, %dma_start3A_245, %dma_start3A_246] : memref<8x2x32x128xf32, #tpu.memory_space<vmem>> -> memref<1x1x32x128xf32, #tpu.memory_space<vmem>>
    %dma_start3A_248 = tpu.memref_squeeze %dma_start3A_247 : memref<1x1x32x128xf32, #tpu.memory_space<vmem>> -> memref<32x128xf32, #tpu.memory_space<vmem>>
    %dma_start3A_249 = arith.constant 0 : i32
    %dma_start3A_250 = tpu.memref_slice %arg2[%dma_start3A_249, %multiple_of3A_236] : memref<32x1000000xf32, #tpu.memory_space<hbm>> -> memref<32x128xf32, #tpu.memory_space<hbm>>
    tpu.enqueue_dma source(%dma_start3A_250 : memref<32x128xf32, #tpu.memory_space<hbm>>) target(%dma_start3A_248 : memref<32x128xf32, #tpu.memory_space<vmem>>) target_semaphore(%arg13 : memref<!tpu.dma_semaphore, #tpu.memory_space<semaphore_mem>>)
    %get3A_251 = arith.constant 12 : index
    %get3A_252 = tpu.vector_load %arg5[%get3A_251] {strides = array<i32>} : memref<528xi32, #tpu.memory_space<vmem>>, vector<16xi32>,
    %shift_right_arithmetic3A_253 = arith.constant 7 : i32
    %shift_right_arithmetic3A_254 = vector.broadcast %shift_right_arithmetic3A_253 : i32 to vector<16xi32>
    %shift_right_arithmetic3A_255 = arith.shrsi %get3A_252, %shift_right_arithmetic3A_254 : vector<16xi32>
    %shift_left3A_256 = arith.constant 7 : i32
    %shift_left3A_257 = vector.broadcast %shift_left3A_256 : i32 to vector<16xi32>
    %shift_left3A_258 = arith.shli %shift_right_arithmetic3A_255, %shift_left3A_257 : vector<16xi32>
    %slice3A_259 = vector.extract_strided_slice %shift_left3A_258 {offsets = [0], sizes = [1], strides = [1]} : vector<16xi32> to vector<1xi32>
    %squeeze3A_260 = vector.extract %slice3A_259[0] : i32 from vector<1xi32>
    %multiple_of3A_261 = tpu.assume_multiple %squeeze3A_260, 128 : i32
    %dma_start3A_262 = arith.constant 6 : i32
    %dma_start3A_263 = arith.constant 0 : i32
    %dma_start3A_264 = arith.constant 0 : i32
    %dma_start3A_265 = arith.constant 0 : i32
    %dma_start3A_266 = tpu.memref_slice %arg6[%dma_start3A_262, %dma_start3A_263, %dma_start3A_264, %dma_start3A_265] : memref<8x2x32x128xf32, #tpu.memory_space<vmem>> -> memref<1x1x32x128xf32, #tpu.memory_space<vmem>>
    %dma_start3A_267 = tpu.memref_squeeze %dma_start3A_266 : memref<1x1x32x128xf32, #tpu.memory_space<vmem>> -> memref<32x128xf32, #tpu.memory_space<vmem>>
    %dma_start3A_268 = arith.constant 0 : i32
    %dma_start3A_269 = tpu.memref_slice %arg2[%dma_start3A_268, %multiple_of3A_261] : memref<32x1000000xf32, #tpu.memory_space<hbm>> -> memref<32x128xf32, #tpu.memory_space<hbm>>
    %dma_start3A_270 = arith.constant 0 : i32
    %dma_start3A_271 = arith.constant 0 : i32
    %dma_start3A_272 = tpu.memref_slice %arg6[%dma_start3A_262, %dma_start3A_263, %dma_start3A_270, %dma_start3A_271] : memref<8x2x32x128xf32, #tpu.memory_space<vmem>> -> memref<1x1x32x128xf32, #tpu.memory_space<vmem>>
    %dma_start3A_273 = tpu.memref_squeeze %dma_start3A_272 : memref<1x1x32x128xf32, #tpu.memory_space<vmem>> -> memref<32x128xf32, #tpu.memory_space<vmem>>
    %dma_start3A_274 = arith.constant 0 : i32
    %dma_start3A_275 = tpu.memref_slice %arg2[%dma_start3A_274, %multiple_of3A_261] : memref<32x1000000xf32, #tpu.memory_space<hbm>> -> memref<32x128xf32, #tpu.memory_space<hbm>>
    tpu.enqueue_dma source(%dma_start3A_275 : memref<32x128xf32, #tpu.memory_space<hbm>>) target(%dma_start3A_273 : memref<32x128xf32, #tpu.memory_space<vmem>>) target_semaphore(%arg14 : memref<!tpu.dma_semaphore, #tpu.memory_space<semaphore_mem>>)
    %slice3A_276 = vector.extract_strided_slice %shift_left3A_258 {offsets = [1], sizes = [1], strides = [1]} : vector<16xi32> to vector<1xi32>
    %squeeze3A_277 = vector.extract %slice3A_276[0] : i32 from vector<1xi32>
    %multiple_of3A_278 = tpu.assume_multiple %squeeze3A_277, 128 : i32
    %dma_start3A_279 = arith.constant 6 : i32
    %dma_start3A_280 = arith.constant 1 : i32
    %dma_start3A_281 = arith.constant 0 : i32
    %dma_start3A_282 = arith.constant 0 : i32
    %dma_start3A_283 = tpu.memref_slice %arg6[%dma_start3A_279, %dma_start3A_280, %dma_start3A_281, %dma_start3A_282] : memref<8x2x32x128xf32, #tpu.memory_space<vmem>> -> memref<1x1x32x128xf32, #tpu.memory_space<vmem>>
    %dma_start3A_284 = tpu.memref_squeeze %dma_start3A_283 : memref<1x1x32x128xf32, #tpu.memory_space<vmem>> -> memref<32x128xf32, #tpu.memory_space<vmem>>
    %dma_start3A_285 = arith.constant 0 : i32
    %dma_start3A_286 = tpu.memref_slice %arg2[%dma_start3A_285, %multiple_of3A_278] : memref<32x1000000xf32, #tpu.memory_space<hbm>> -> memref<32x128xf32, #tpu.memory_space<hbm>>
    %dma_start3A_287 = arith.constant 0 : i32
    %dma_start3A_288 = arith.constant 0 : i32
    %dma_start3A_289 = tpu.memref_slice %arg6[%dma_start3A_279, %dma_start3A_280, %dma_start3A_287, %dma_start3A_288] : memref<8x2x32x128xf32, #tpu.memory_space<vmem>> -> memref<1x1x32x128xf32, #tpu.memory_space<vmem>>
    %dma_start3A_290 = tpu.memref_squeeze %dma_start3A_289 : memref<1x1x32x128xf32, #tpu.memory_space<vmem>> -> memref<32x128xf32, #tpu.memory_space<vmem>>
    %dma_start3A_291 = arith.constant 0 : i32
    %dma_start3A_292 = tpu.memref_slice %arg2[%dma_start3A_291, %multiple_of3A_278] : memref<32x1000000xf32, #tpu.memory_space<hbm>> -> memref<32x128xf32, #tpu.memory_space<hbm>>
    tpu.enqueue_dma source(%dma_start3A_292 : memref<32x128xf32, #tpu.memory_space<hbm>>) target(%dma_start3A_290 : memref<32x128xf32, #tpu.memory_space<vmem>>) target_semaphore(%arg14 : memref<!tpu.dma_semaphore, #tpu.memory_space<semaphore_mem>>)
    %get3A_293 = arith.constant 14 : index
    %get3A_294 = tpu.vector_load %arg5[%get3A_293] {strides = array<i32>} : memref<528xi32, #tpu.memory_space<vmem>>, vector<16xi32>,
    %shift_right_arithmetic3A_295 = arith.constant 7 : i32
    %shift_right_arithmetic3A_296 = vector.broadcast %shift_right_arithmetic3A_295 : i32 to vector<16xi32>
    %shift_right_arithmetic3A_297 = arith.shrsi %get3A_294, %shift_right_arithmetic3A_296 : vector<16xi32>
    %shift_left3A_298 = arith.constant 7 : i32
    %shift_left3A_299 = vector.broadcast %shift_left3A_298 : i32 to vector<16xi32>
    %shift_left3A_300 = arith.shli %shift_right_arithmetic3A_297, %shift_left3A_299 : vector<16xi32>
    %slice3A_301 = vector.extract_strided_slice %shift_left3A_300 {offsets = [0], sizes = [1], strides = [1]} : vector<16xi32> to vector<1xi32>
    %squeeze3A_302 = vector.extract %slice3A_301[0] : i32 from vector<1xi32>
    %multiple_of3A_303 = tpu.assume_multiple %squeeze3A_302, 128 : i32
    %dma_start3A_304 = arith.constant 7 : i32
    %dma_start3A_305 = arith.constant 0 : i32
    %dma_start3A_306 = arith.constant 0 : i32
    %dma_start3A_307 = arith.constant 0 : i32
    %dma_start3A_308 = tpu.memref_slice %arg6[%dma_start3A_304, %dma_start3A_305, %dma_start3A_306, %dma_start3A_307] : memref<8x2x32x128xf32, #tpu.memory_space<vmem>> -> memref<1x1x32x128xf32, #tpu.memory_space<vmem>>
    %dma_start3A_309 = tpu.memref_squeeze %dma_start3A_308 : memref<1x1x32x128xf32, #tpu.memory_space<vmem>> -> memref<32x128xf32, #tpu.memory_space<vmem>>
    %dma_start3A_310 = arith.constant 0 : i32
    %dma_start3A_311 = tpu.memref_slice %arg2[%dma_start3A_310, %multiple_of3A_303] : memref<32x1000000xf32, #tpu.memory_space<hbm>> -> memref<32x128xf32, #tpu.memory_space<hbm>>
    %dma_start3A_312 = arith.constant 0 : i32
    %dma_start3A_313 = arith.constant 0 : i32
    %dma_start3A_314 = tpu.memref_slice %arg6[%dma_start3A_304, %dma_start3A_305, %dma_start3A_312, %dma_start3A_313] : memref<8x2x32x128xf32, #tpu.memory_space<vmem>> -> memref<1x1x32x128xf32, #tpu.memory_space<vmem>>
    %dma_start3A_315 = tpu.memref_squeeze %dma_start3A_314 : memref<1x1x32x128xf32, #tpu.memory_space<vmem>> -> memref<32x128xf32, #tpu.memory_space<vmem>>
    %dma_start3A_316 = arith.constant 0 : i32
    %dma_start3A_317 = tpu.memref_slice %arg2[%dma_start3A_316, %multiple_of3A_303] : memref<32x1000000xf32, #tpu.memory_space<hbm>> -> memref<32x128xf32, #tpu.memory_space<hbm>>
    tpu.enqueue_dma source(%dma_start3A_317 : memref<32x128xf32, #tpu.memory_space<hbm>>) target(%dma_start3A_315 : memref<32x128xf32, #tpu.memory_space<vmem>>) target_semaphore(%arg15 : memref<!tpu.dma_semaphore, #tpu.memory_space<semaphore_mem>>)
    %slice3A_318 = vector.extract_strided_slice %shift_left3A_300 {offsets = [1], sizes = [1], strides = [1]} : vector<16xi32> to vector<1xi32>
    %squeeze3A_319 = vector.extract %slice3A_318[0] : i32 from vector<1xi32>
    %multiple_of3A_320 = tpu.assume_multiple %squeeze3A_319, 128 : i32
    %dma_start3A_321 = arith.constant 7 : i32
    %dma_start3A_322 = arith.constant 1 : i32
    %dma_start3A_323 = arith.constant 0 : i32
    %dma_start3A_324 = arith.constant 0 : i32
    %dma_start3A_325 = tpu.memref_slice %arg6[%dma_start3A_321, %dma_start3A_322, %dma_start3A_323, %dma_start3A_324] : memref<8x2x32x128xf32, #tpu.memory_space<vmem>> -> memref<1x1x32x128xf32, #tpu.memory_space<vmem>>
    %dma_start3A_326 = tpu.memref_squeeze %dma_start3A_325 : memref<1x1x32x128xf32, #tpu.memory_space<vmem>> -> memref<32x128xf32, #tpu.memory_space<vmem>>
    %dma_start3A_327 = arith.constant 0 : i32
    %dma_start3A_328 = tpu.memref_slice %arg2[%dma_start3A_327, %multiple_of3A_320] : memref<32x1000000xf32, #tpu.memory_space<hbm>> -> memref<32x128xf32, #tpu.memory_space<hbm>>
    %dma_start3A_329 = arith.constant 0 : i32
    %dma_start3A_330 = arith.constant 0 : i32
    %dma_start3A_331 = tpu.memref_slice %arg6[%dma_start3A_321, %dma_start3A_322, %dma_start3A_329, %dma_start3A_330] : memref<8x2x32x128xf32, #tpu.memory_space<vmem>> -> memref<1x1x32x128xf32, #tpu.memory_space<vmem>>
    %dma_start3A_332 = tpu.memref_squeeze %dma_start3A_331 : memref<1x1x32x128xf32, #tpu.memory_space<vmem>> -> memref<32x128xf32, #tpu.memory_space<vmem>>
    %dma_start3A_333 = arith.constant 0 : i32
    %dma_start3A_334 = tpu.memref_slice %arg2[%dma_start3A_333, %multiple_of3A_320] : memref<32x1000000xf32, #tpu.memory_space<hbm>> -> memref<32x128xf32, #tpu.memory_space<hbm>>
    tpu.enqueue_dma source(%dma_start3A_334 : memref<32x128xf32, #tpu.memory_space<hbm>>) target(%dma_start3A_332 : memref<32x128xf32, #tpu.memory_space<vmem>>) target_semaphore(%arg15 : memref<!tpu.dma_semaphore, #tpu.memory_space<semaphore_mem>>)
    %scan3A = arith.constant 0 : i32
    %scan3A_335 = arith.constant 32 : i32
    %scan3A_336 = arith.addi %scan3A, %scan3A_335 : i32
    %scan3A_337 = arith.constant 1 : i32
    scf.for %scan3A_458 = %scan3A to %scan3A_336 step %scan3A_337  : i32 {
      %mul3A_459 = arith.constant 8 : i32
      %mul3A_460 = arith.muli %scan3A_458, %mul3A_459 : i32
      %add3A_461 = arith.constant 0 : i32
      %add3A_462 = arith.addi %mul3A_460, %add3A_461 : i32
      %dma_wait3A_463 = arith.constant 0 : i32
      %dma_wait3A_464 = arith.constant 0 : i32
      %dma_wait3A_465 = arith.constant 0 : i32
      %dma_wait3A_466 = arith.constant 0 : i32
      %dma_wait3A_467 = tpu.memref_slice %arg6[%dma_wait3A_463, %dma_wait3A_464, %dma_wait3A_465, %dma_wait3A_466] : memref<8x2x32x128xf32, #tpu.memory_space<vmem>> -> memref<1x1x32x128xf32, #tpu.memory_space<vmem>>
      %dma_wait3A_468 = tpu.memref_squeeze %dma_wait3A_467 : memref<1x1x32x128xf32, #tpu.memory_space<vmem>> -> memref<32x128xf32, #tpu.memory_space<vmem>>
      %dma_wait3A_469 = arith.constant 0 : i32
      %dma_wait3A_470 = arith.constant 0 : i32
      %dma_wait3A_471 = tpu.memref_slice %arg2[%dma_wait3A_469, %dma_wait3A_470] : memref<32x1000000xf32, #tpu.memory_space<hbm>> -> memref<32x128xf32, #tpu.memory_space<hbm>>
      %dma_wait3A_472 = arith.constant 0 : i32
      %dma_wait3A_473 = arith.constant 0 : i32
      %dma_wait3A_474 = tpu.memref_slice %arg6[%dma_wait3A_463, %dma_wait3A_464, %dma_wait3A_472, %dma_wait3A_473] : memref<8x2x32x128xf32, #tpu.memory_space<vmem>> -> memref<1x1x32x128xf32, #tpu.memory_space<vmem>>
      %dma_wait3A_475 = tpu.memref_squeeze %dma_wait3A_474 : memref<1x1x32x128xf32, #tpu.memory_space<vmem>> -> memref<32x128xf32, #tpu.memory_space<vmem>>
      %dma_wait3A_476 = arith.constant 0 : i32
      %dma_wait3A_477 = arith.constant 0 : i32
      %dma_wait3A_478 = tpu.memref_slice %arg2[%dma_wait3A_476, %dma_wait3A_477] : memref<32x1000000xf32, #tpu.memory_space<hbm>> -> memref<32x128xf32, #tpu.memory_space<hbm>>
      tpu.wait_dma2 semaphore(%arg8 : memref<!tpu.dma_semaphore, #tpu.memory_space<semaphore_mem>>) src(%dma_wait3A_478 : memref<32x128xf32, #tpu.memory_space<hbm>>) dst(%dma_wait3A_475 : memref<32x128xf32, #tpu.memory_space<vmem>>)
      %dma_wait3A_479 = arith.constant 0 : i32
      %dma_wait3A_480 = arith.constant 1 : i32
      %dma_wait3A_481 = arith.constant 0 : i32
      %dma_wait3A_482 = arith.constant 0 : i32
      %dma_wait3A_483 = tpu.memref_slice %arg6[%dma_wait3A_479, %dma_wait3A_480, %dma_wait3A_481, %dma_wait3A_482] : memref<8x2x32x128xf32, #tpu.memory_space<vmem>> -> memref<1x1x32x128xf32, #tpu.memory_space<vmem>>
      %dma_wait3A_484 = tpu.memref_squeeze %dma_wait3A_483 : memref<1x1x32x128xf32, #tpu.memory_space<vmem>> -> memref<32x128xf32, #tpu.memory_space<vmem>>
      %dma_wait3A_485 = arith.constant 0 : i32
      %dma_wait3A_486 = arith.constant 0 : i32
      %dma_wait3A_487 = tpu.memref_slice %arg2[%dma_wait3A_485, %dma_wait3A_486] : memref<32x1000000xf32, #tpu.memory_space<hbm>> -> memref<32x128xf32, #tpu.memory_space<hbm>>
      %dma_wait3A_488 = arith.constant 0 : i32
      %dma_wait3A_489 = arith.constant 0 : i32
      %dma_wait3A_490 = tpu.memref_slice %arg6[%dma_wait3A_479, %dma_wait3A_480, %dma_wait3A_488, %dma_wait3A_489] : memref<8x2x32x128xf32, #tpu.memory_space<vmem>> -> memref<1x1x32x128xf32, #tpu.memory_space<vmem>>
      %dma_wait3A_491 = tpu.memref_squeeze %dma_wait3A_490 : memref<1x1x32x128xf32, #tpu.memory_space<vmem>> -> memref<32x128xf32, #tpu.memory_space<vmem>>
      %dma_wait3A_492 = arith.constant 0 : i32
      %dma_wait3A_493 = arith.constant 0 : i32
      %dma_wait3A_494 = tpu.memref_slice %arg2[%dma_wait3A_492, %dma_wait3A_493] : memref<32x1000000xf32, #tpu.memory_space<hbm>> -> memref<32x128xf32, #tpu.memory_space<hbm>>
      tpu.wait_dma2 semaphore(%arg8 : memref<!tpu.dma_semaphore, #tpu.memory_space<semaphore_mem>>) src(%dma_wait3A_494 : memref<32x128xf32, #tpu.memory_space<hbm>>) dst(%dma_wait3A_491 : memref<32x128xf32, #tpu.memory_space<vmem>>)
      %ge3A = arith.constant 1 : i32
      %ge3A_495 = arith.cmpi sge, %scan3A_458, %ge3A : i32
      %convert_element_type3A = arith.extui %ge3A_495 : i1 to i32
      %cond3A = arith.constant 0 : i32
      %cond3A_496 = arith.cmpi ne, %convert_element_type3A, %cond3A : i32
      scf.if %cond3A_496 {
        %sub3A = arith.constant 8 : i32
        %sub3A_1499 = arith.subi %add3A_462, %sub3A : i32
        %mul3A_1500 = arith.constant 2 : i32
        %mul3A_1501 = arith.muli %sub3A_1499, %mul3A_1500 : i32
        %dma_wait3A_1502 = arith.constant 0 : i32
        %dma_wait3A_1503 = arith.constant 0 : i32
        %dma_wait3A_1504 = arith.constant 0 : i32
        %dma_wait3A_1505 = tpu.memref_slice %arg7[%dma_wait3A_1502, %dma_wait3A_1503, %dma_wait3A_1504] : memref<8x2x32xf32, #tpu.memory_space<vmem>> -> memref<1x2x32xf32, #tpu.memory_space<vmem>>
        %dma_wait3A_1506 = tpu.memref_squeeze %dma_wait3A_1505 : memref<1x2x32xf32, #tpu.memory_space<vmem>> -> memref<2x32xf32, #tpu.memory_space<vmem>>
        %dma_wait3A_1507 = arith.constant 0 : i32
        %dma_wait3A_1508 = tpu.memref_slice %arg4[%mul3A_1501, %dma_wait3A_1507] : memref<16384x32xf32, #tpu.memory_space<hbm>> -> memref<2x32xf32, #tpu.memory_space<hbm>>
        %dma_wait3A_1509 = arith.constant 0 : i32
        %dma_wait3A_1510 = tpu.memref_slice %arg4[%mul3A_1501, %dma_wait3A_1509] : memref<16384x32xf32, #tpu.memory_space<hbm>> -> memref<2x32xf32, #tpu.memory_space<hbm>>
        %dma_wait3A_1511 = arith.constant 0 : i32
        %dma_wait3A_1512 = arith.constant 0 : i32
        %dma_wait3A_1513 = tpu.memref_slice %arg7[%dma_wait3A_1502, %dma_wait3A_1511, %dma_wait3A_1512] : memref<8x2x32xf32, #tpu.memory_space<vmem>> -> memref<1x2x32xf32, #tpu.memory_space<vmem>>
        %dma_wait3A_1514 = tpu.memref_squeeze %dma_wait3A_1513 : memref<1x2x32xf32, #tpu.memory_space<vmem>> -> memref<2x32xf32, #tpu.memory_space<vmem>>
        tpu.wait_dma2 semaphore(%arg16 : memref<!tpu.dma_semaphore, #tpu.memory_space<semaphore_mem>>) src(%dma_wait3A_1514 : memref<2x32xf32, #tpu.memory_space<vmem>>) dst(%dma_wait3A_1510 : memref<2x32xf32, #tpu.memory_space<hbm>>)
      } else {
      }
      %mul3A_497 = arith.constant 2 : i32
      %mul3A_498 = arith.muli %add3A_462, %mul3A_497 : i32
      %get3A_499 = arith.index_cast %mul3A_498 : i32 to index
      %get3A_500 = tpu.vector_load %arg5[%get3A_499] {strides = array<i32>} : memref<528xi32, #tpu.memory_space<vmem>>, vector<16xi32>,
      %and3A = arith.constant 127 : i32
      %and3A_501 = vector.broadcast %and3A : i32 to vector<16xi32>
      %and3A_502 = arith.andi %get3A_500, %and3A_501 : vector<16xi32>
      %broadcast_in_dim3A = arith.constant 0 : i32
      %broadcast_in_dim3A_503 = vector.broadcast %broadcast_in_dim3A : i32 to vector<16xi32>
      %slice3A_504 = vector.extract_strided_slice %and3A_502 {offsets = [0], sizes = [1], strides = [1]} : vector<16xi32> to vector<1xi32>
      %squeeze3A_505 = vector.extract %slice3A_504[0] : i32 from vector<1xi32>
      %broadcast_in_dim3A_506 = vector.broadcast %squeeze3A_505 : i32 to vector<16xi32>
      %gather3A = arith.constant 0 : i32
      %gather3A_507 = arith.constant 0 : i32
      %gather3A_508 = arith.constant 0 : i32
      %gather3A_509 = arith.constant 0 : i32
      %gather3A_510 = tpu.memref_slice %arg6[%gather3A, %gather3A_507, %gather3A_508, %gather3A_509] : memref<8x2x32x128xf32, #tpu.memory_space<vmem>> -> memref<1x2x32x128xf32, #tpu.memory_space<vmem>>
      %gather3A_511 = tpu.memref_squeeze %gather3A_510 : memref<1x2x32x128xf32, #tpu.memory_space<vmem>> -> memref<2x32x128xf32, #tpu.memory_space<vmem>>
      %gather3A_512 = tpu.vector_load_idx %gather3A_511[%broadcast_in_dim3A_503, %iota3A, %broadcast_in_dim3A_506] : memref<2x32x128xf32, #tpu.memory_space<vmem>>[vector<16xi32>, vector<16xi32>, vector<16xi32>], vector<16xf32>,
      %gather3A_513 = arith.constant 0 : i32
      %gather3A_514 = arith.constant 0 : i32
      %gather3A_515 = arith.constant 0 : i32
      %gather3A_516 = arith.constant 0 : i32
      %gather3A_517 = tpu.memref_slice %arg6[%gather3A_513, %gather3A_514, %gather3A_515, %gather3A_516] : memref<8x2x32x128xf32, #tpu.memory_space<vmem>> -> memref<1x2x32x128xf32, #tpu.memory_space<vmem>>
      %gather3A_518 = tpu.memref_squeeze %gather3A_517 : memref<1x2x32x128xf32, #tpu.memory_space<vmem>> -> memref<2x32x128xf32, #tpu.memory_space<vmem>>
      %gather3A_519 = tpu.vector_load_idx %gather3A_518[%broadcast_in_dim3A_503, %add3A_5, %broadcast_in_dim3A_506] : memref<2x32x128xf32, #tpu.memory_space<vmem>>[vector<16xi32>, vector<16xi32>, vector<16xi32>], vector<16xf32>,
      %swap3A = arith.constant 0 : i32
      %swap3A_520 = arith.constant 0 : i32
      %swap3A_521 = arith.index_cast %swap3A : i32 to index
      %swap3A_522 = arith.index_cast %swap3A_520 : i32 to index
      %swap3A_523 = arith.constant 0 : index
      %swap3A_524 = tpu.vector_load %arg7[%swap3A_521, %swap3A_522, %swap3A_523] {strides = array<i32>} : memref<8x2x32xf32, #tpu.memory_space<vmem>>, vector<16xf32>,
      tpu.vector_store %arg7[%swap3A_521, %swap3A_522, %swap3A_523], %gather3A_512 {strides = array<i32>} : memref<8x2x32xf32, #tpu.memory_space<vmem>>, vector<16xf32>,
      %swap3A_525 = arith.constant 0 : i32
      %swap3A_526 = arith.constant 0 : i32
      %swap3A_527 = arith.index_cast %swap3A_525 : i32 to index
      %swap3A_528 = arith.index_cast %swap3A_526 : i32 to index
      %swap3A_529 = arith.constant 16 : index
      %swap3A_530 = tpu.vector_load %arg7[%swap3A_527, %swap3A_528, %swap3A_529] {strides = array<i32>} : memref<8x2x32xf32, #tpu.memory_space<vmem>>, vector<16xf32>,
      tpu.vector_store %arg7[%swap3A_527, %swap3A_528, %swap3A_529], %gather3A_519 {strides = array<i32>} : memref<8x2x32xf32, #tpu.memory_space<vmem>>, vector<16xf32>,
      %broadcast_in_dim3A_531 = arith.constant 1 : i32
      %broadcast_in_dim3A_532 = vector.broadcast %broadcast_in_dim3A_531 : i32 to vector<16xi32>
      %slice3A_533 = vector.extract_strided_slice %and3A_502 {offsets = [1], sizes = [1], strides = [1]} : vector<16xi32> to vector<1xi32>
      %squeeze3A_534 = vector.extract %slice3A_533[0] : i32 from vector<1xi32>
      %broadcast_in_dim3A_535 = vector.broadcast %squeeze3A_534 : i32 to vector<16xi32>
      %gather3A_536 = arith.constant 0 : i32
      %gather3A_537 = arith.constant 0 : i32
      %gather3A_538 = arith.constant 0 : i32
      %gather3A_539 = arith.constant 0 : i32
      %gather3A_540 = tpu.memref_slice %arg6[%gather3A_536, %gather3A_537, %gather3A_538, %gather3A_539] : memref<8x2x32x128xf32, #tpu.memory_space<vmem>> -> memref<1x2x32x128xf32, #tpu.memory_space<vmem>>
      %gather3A_541 = tpu.memref_squeeze %gather3A_540 : memref<1x2x32x128xf32, #tpu.memory_space<vmem>> -> memref<2x32x128xf32, #tpu.memory_space<vmem>>
      %gather3A_542 = tpu.vector_load_idx %gather3A_541[%broadcast_in_dim3A_532, %iota3A, %broadcast_in_dim3A_535] : memref<2x32x128xf32, #tpu.memory_space<vmem>>[vector<16xi32>, vector<16xi32>, vector<16xi32>], vector<16xf32>,
      %gather3A_543 = arith.constant 0 : i32
      %gather3A_544 = arith.constant 0 : i32
      %gather3A_545 = arith.constant 0 : i32
      %gather3A_546 = arith.constant 0 : i32
      %gather3A_547 = tpu.memref_slice %arg6[%gather3A_543, %gather3A_544, %gather3A_545, %gather3A_546] : memref<8x2x32x128xf32, #tpu.memory_space<vmem>> -> memref<1x2x32x128xf32, #tpu.memory_space<vmem>>
      %gather3A_548 = tpu.memref_squeeze %gather3A_547 : memref<1x2x32x128xf32, #tpu.memory_space<vmem>> -> memref<2x32x128xf32, #tpu.memory_space<vmem>>
      %gather3A_549 = tpu.vector_load_idx %gather3A_548[%broadcast_in_dim3A_532, %add3A_5, %broadcast_in_dim3A_535] : memref<2x32x128xf32, #tpu.memory_space<vmem>>[vector<16xi32>, vector<16xi32>, vector<16xi32>], vector<16xf32>,
      %swap3A_550 = arith.constant 0 : i32
      %swap3A_551 = arith.constant 1 : i32
      %swap3A_552 = arith.index_cast %swap3A_550 : i32 to index
      %swap3A_553 = arith.index_cast %swap3A_551 : i32 to index
      %swap3A_554 = arith.constant 0 : index
      %swap3A_555 = tpu.vector_load %arg7[%swap3A_552, %swap3A_553, %swap3A_554] {strides = array<i32>} : memref<8x2x32xf32, #tpu.memory_space<vmem>>, vector<16xf32>,
      tpu.vector_store %arg7[%swap3A_552, %swap3A_553, %swap3A_554], %gather3A_542 {strides = array<i32>} : memref<8x2x32xf32, #tpu.memory_space<vmem>>, vector<16xf32>,
      %swap3A_556 = arith.constant 0 : i32
      %swap3A_557 = arith.constant 1 : i32
      %swap3A_558 = arith.index_cast %swap3A_556 : i32 to index
      %swap3A_559 = arith.index_cast %swap3A_557 : i32 to index
      %swap3A_560 = arith.constant 16 : index
      %swap3A_561 = tpu.vector_load %arg7[%swap3A_558, %swap3A_559, %swap3A_560] {strides = array<i32>} : memref<8x2x32xf32, #tpu.memory_space<vmem>>, vector<16xf32>,
      tpu.vector_store %arg7[%swap3A_558, %swap3A_559, %swap3A_560], %gather3A_549 {strides = array<i32>} : memref<8x2x32xf32, #tpu.memory_space<vmem>>, vector<16xf32>,
      %mul3A_562 = arith.constant 2 : i32
      %mul3A_563 = arith.muli %add3A_462, %mul3A_562 : i32
      %add3A_564 = arith.addi %mul3A_2, %mul3A_563 : i32
      %dma_start3A_565 = arith.constant 0 : i32
      %dma_start3A_566 = arith.constant 0 : i32
      %dma_start3A_567 = arith.constant 0 : i32
      %dma_start3A_568 = tpu.memref_slice %arg7[%dma_start3A_565, %dma_start3A_566, %dma_start3A_567] : memref<8x2x32xf32, #tpu.memory_space<vmem>> -> memref<1x2x32xf32, #tpu.memory_space<vmem>>
      %dma_start3A_569 = tpu.memref_squeeze %dma_start3A_568 : memref<1x2x32xf32, #tpu.memory_space<vmem>> -> memref<2x32xf32, #tpu.memory_space<vmem>>
      %dma_start3A_570 = arith.constant 0 : i32
      %dma_start3A_571 = tpu.memref_slice %arg4[%add3A_564, %dma_start3A_570] : memref<16384x32xf32, #tpu.memory_space<hbm>> -> memref<2x32xf32, #tpu.memory_space<hbm>>
      %dma_start3A_572 = arith.constant 0 : i32
      %dma_start3A_573 = tpu.memref_slice %arg4[%add3A_564, %dma_start3A_572] : memref<16384x32xf32, #tpu.memory_space<hbm>> -> memref<2x32xf32, #tpu.memory_space<hbm>>
      %dma_start3A_574 = arith.constant 0 : i32
      %dma_start3A_575 = arith.constant 0 : i32
      %dma_start3A_576 = tpu.memref_slice %arg7[%dma_start3A_565, %dma_start3A_574, %dma_start3A_575] : memref<8x2x32xf32, #tpu.memory_space<vmem>> -> memref<1x2x32xf32, #tpu.memory_space<vmem>>
      %dma_start3A_577 = tpu.memref_squeeze %dma_start3A_576 : memref<1x2x32xf32, #tpu.memory_space<vmem>> -> memref<2x32xf32, #tpu.memory_space<vmem>>
      tpu.enqueue_dma source(%dma_start3A_577 : memref<2x32xf32, #tpu.memory_space<vmem>>) target(%dma_start3A_573 : memref<2x32xf32, #tpu.memory_space<hbm>>) target_semaphore(%arg16 : memref<!tpu.dma_semaphore, #tpu.memory_space<semaphore_mem>>)
      %lt3A = arith.constant 31 : i32
      %lt3A_578 = arith.cmpi slt, %scan3A_458, %lt3A : i32
      %convert_element_type3A_579 = arith.extui %lt3A_578 : i1 to i32
      %cond3A_580 = arith.constant 0 : i32
      %cond3A_581 = arith.cmpi ne, %convert_element_type3A_579, %cond3A_580 : i32
      scf.if %cond3A_581 {
        %add3A_1499 = arith.constant 8 : i32
        %add3A_1500 = arith.addi %add3A_462, %add3A_1499 : i32
        %mul3A_1501 = arith.constant 2 : i32
        %mul3A_1502 = arith.muli %add3A_1500, %mul3A_1501 : i32
        %get3A_1503 = arith.index_cast %mul3A_1502 : i32 to index
        %get3A_1504 = tpu.vector_load %arg5[%get3A_1503] {strides = array<i32>} : memref<528xi32, #tpu.memory_space<vmem>>, vector<16xi32>,
        %shift_right_arithmetic3A_1505 = arith.constant 7 : i32
        %shift_right_arithmetic3A_1506 = vector.broadcast %shift_right_arithmetic3A_1505 : i32 to vector<16xi32>
        %shift_right_arithmetic3A_1507 = arith.shrsi %get3A_1504, %shift_right_arithmetic3A_1506 : vector<16xi32>
        %shift_left3A_1508 = arith.constant 7 : i32
        %shift_left3A_1509 = vector.broadcast %shift_left3A_1508 : i32 to vector<16xi32>
        %shift_left3A_1510 = arith.shli %shift_right_arithmetic3A_1507, %shift_left3A_1509 : vector<16xi32>
        %slice3A_1511 = vector.extract_strided_slice %shift_left3A_1510 {offsets = [0], sizes = [1], strides = [1]} : vector<16xi32> to vector<1xi32>
        %squeeze3A_1512 = vector.extract %slice3A_1511[0] : i32 from vector<1xi32>
        %multiple_of3A_1513 = tpu.assume_multiple %squeeze3A_1512, 128 : i32
        %dma_start3A_1514 = arith.constant 0 : i32
        %dma_start3A_1515 = arith.constant 0 : i32
        %dma_start3A_1516 = arith.constant 0 : i32
        %dma_start3A_1517 = arith.constant 0 : i32
        %dma_start3A_1518 = tpu.memref_slice %arg6[%dma_start3A_1514, %dma_start3A_1515, %dma_start3A_1516, %dma_start3A_1517] : memref<8x2x32x128xf32, #tpu.memory_space<vmem>> -> memref<1x1x32x128xf32, #tpu.memory_space<vmem>>
        %dma_start3A_1519 = tpu.memref_squeeze %dma_start3A_1518 : memref<1x1x32x128xf32, #tpu.memory_space<vmem>> -> memref<32x128xf32, #tpu.memory_space<vmem>>
        %dma_start3A_1520 = arith.constant 0 : i32
        %dma_start3A_1521 = tpu.memref_slice %arg2[%dma_start3A_1520, %multiple_of3A_1513] : memref<32x1000000xf32, #tpu.memory_space<hbm>> -> memref<32x128xf32, #tpu.memory_space<hbm>>
        %dma_start3A_1522 = arith.constant 0 : i32
        %dma_start3A_1523 = arith.constant 0 : i32
        %dma_start3A_1524 = tpu.memref_slice %arg6[%dma_start3A_1514, %dma_start3A_1515, %dma_start3A_1522, %dma_start3A_1523] : memref<8x2x32x128xf32, #tpu.memory_space<vmem>> -> memref<1x1x32x128xf32, #tpu.memory_space<vmem>>
        %dma_start3A_1525 = tpu.memref_squeeze %dma_start3A_1524 : memref<1x1x32x128xf32, #tpu.memory_space<vmem>> -> memref<32x128xf32, #tpu.memory_space<vmem>>
        %dma_start3A_1526 = arith.constant 0 : i32
        %dma_start3A_1527 = tpu.memref_slice %arg2[%dma_start3A_1526, %multiple_of3A_1513] : memref<32x1000000xf32, #tpu.memory_space<hbm>> -> memref<32x128xf32, #tpu.memory_space<hbm>>
        tpu.enqueue_dma source(%dma_start3A_1527 : memref<32x128xf32, #tpu.memory_space<hbm>>) target(%dma_start3A_1525 : memref<32x128xf32, #tpu.memory_space<vmem>>) target_semaphore(%arg8 : memref<!tpu.dma_semaphore, #tpu.memory_space<semaphore_mem>>)
        %slice3A_1528 = vector.extract_strided_slice %shift_left3A_1510 {offsets = [1], sizes = [1], strides = [1]} : vector<16xi32> to vector<1xi32>
        %squeeze3A_1529 = vector.extract %slice3A_1528[0] : i32 from vector<1xi32>
        %multiple_of3A_1530 = tpu.assume_multiple %squeeze3A_1529, 128 : i32
        %dma_start3A_1531 = arith.constant 0 : i32
        %dma_start3A_1532 = arith.constant 1 : i32
        %dma_start3A_1533 = arith.constant 0 : i32
        %dma_start3A_1534 = arith.constant 0 : i32
        %dma_start3A_1535 = tpu.memref_slice %arg6[%dma_start3A_1531, %dma_start3A_1532, %dma_start3A_1533, %dma_start3A_1534] : memref<8x2x32x128xf32, #tpu.memory_space<vmem>> -> memref<1x1x32x128xf32, #tpu.memory_space<vmem>>
        %dma_start3A_1536 = tpu.memref_squeeze %dma_start3A_1535 : memref<1x1x32x128xf32, #tpu.memory_space<vmem>> -> memref<32x128xf32, #tpu.memory_space<vmem>>
        %dma_start3A_1537 = arith.constant 0 : i32
        %dma_start3A_1538 = tpu.memref_slice %arg2[%dma_start3A_1537, %multiple_of3A_1530] : memref<32x1000000xf32, #tpu.memory_space<hbm>> -> memref<32x128xf32, #tpu.memory_space<hbm>>
        %dma_start3A_1539 = arith.constant 0 : i32
        %dma_start3A_1540 = arith.constant 0 : i32
        %dma_start3A_1541 = tpu.memref_slice %arg6[%dma_start3A_1531, %dma_start3A_1532, %dma_start3A_1539, %dma_start3A_1540] : memref<8x2x32x128xf32, #tpu.memory_space<vmem>> -> memref<1x1x32x128xf32, #tpu.memory_space<vmem>>
        %dma_start3A_1542 = tpu.memref_squeeze %dma_start3A_1541 : memref<1x1x32x128xf32, #tpu.memory_space<vmem>> -> memref<32x128xf32, #tpu.memory_space<vmem>>
        %dma_start3A_1543 = arith.constant 0 : i32
        %dma_start3A_1544 = tpu.memref_slice %arg2[%dma_start3A_1543, %multiple_of3A_1530] : memref<32x1000000xf32, #tpu.memory_space<hbm>> -> memref<32x128xf32, #tpu.memory_space<hbm>>
        tpu.enqueue_dma source(%dma_start3A_1544 : memref<32x128xf32, #tpu.memory_space<hbm>>) target(%dma_start3A_1542 : memref<32x128xf32, #tpu.memory_space<vmem>>) target_semaphore(%arg8 : memref<!tpu.dma_semaphore, #tpu.memory_space<semaphore_mem>>)
      } else {
      }
      %mul3A_582 = arith.constant 8 : i32
      %mul3A_583 = arith.muli %scan3A_458, %mul3A_582 : i32
      %add3A_584 = arith.constant 1 : i32
      %add3A_585 = arith.addi %mul3A_583, %add3A_584 : i32
      %dma_wait3A_586 = arith.constant 1 : i32
      %dma_wait3A_587 = arith.constant 0 : i32
      %dma_wait3A_588 = arith.constant 0 : i32
      %dma_wait3A_589 = arith.constant 0 : i32
      %dma_wait3A_590 = tpu.memref_slice %arg6[%dma_wait3A_586, %dma_wait3A_587, %dma_wait3A_588, %dma_wait3A_589] : memref<8x2x32x128xf32, #tpu.memory_space<vmem>> -> memref<1x1x32x128xf32, #tpu.memory_space<vmem>>
      %dma_wait3A_591 = tpu.memref_squeeze %dma_wait3A_590 : memref<1x1x32x128xf32, #tpu.memory_space<vmem>> -> memref<32x128xf32, #tpu.memory_space<vmem>>
      %dma_wait3A_592 = arith.constant 0 : i32
      %dma_wait3A_593 = arith.constant 0 : i32
      %dma_wait3A_594 = tpu.memref_slice %arg2[%dma_wait3A_592, %dma_wait3A_593] : memref<32x1000000xf32, #tpu.memory_space<hbm>> -> memref<32x128xf32, #tpu.memory_space<hbm>>
      %dma_wait3A_595 = arith.constant 0 : i32
      %dma_wait3A_596 = arith.constant 0 : i32
      %dma_wait3A_597 = tpu.memref_slice %arg6[%dma_wait3A_586, %dma_wait3A_587, %dma_wait3A_595, %dma_wait3A_596] : memref<8x2x32x128xf32, #tpu.memory_space<vmem>> -> memref<1x1x32x128xf32, #tpu.memory_space<vmem>>
      %dma_wait3A_598 = tpu.memref_squeeze %dma_wait3A_597 : memref<1x1x32x128xf32, #tpu.memory_space<vmem>> -> memref<32x128xf32, #tpu.memory_space<vmem>>
      %dma_wait3A_599 = arith.constant 0 : i32
      %dma_wait3A_600 = arith.constant 0 : i32
      %dma_wait3A_601 = tpu.memref_slice %arg2[%dma_wait3A_599, %dma_wait3A_600] : memref<32x1000000xf32, #tpu.memory_space<hbm>> -> memref<32x128xf32, #tpu.memory_space<hbm>>
      tpu.wait_dma2 semaphore(%arg9 : memref<!tpu.dma_semaphore, #tpu.memory_space<semaphore_mem>>) src(%dma_wait3A_601 : memref<32x128xf32, #tpu.memory_space<hbm>>) dst(%dma_wait3A_598 : memref<32x128xf32, #tpu.memory_space<vmem>>)
      %dma_wait3A_602 = arith.constant 1 : i32
      %dma_wait3A_603 = arith.constant 1 : i32
      %dma_wait3A_604 = arith.constant 0 : i32
      %dma_wait3A_605 = arith.constant 0 : i32
      %dma_wait3A_606 = tpu.memref_slice %arg6[%dma_wait3A_602, %dma_wait3A_603, %dma_wait3A_604, %dma_wait3A_605] : memref<8x2x32x128xf32, #tpu.memory_space<vmem>> -> memref<1x1x32x128xf32, #tpu.memory_space<vmem>>
      %dma_wait3A_607 = tpu.memref_squeeze %dma_wait3A_606 : memref<1x1x32x128xf32, #tpu.memory_space<vmem>> -> memref<32x128xf32, #tpu.memory_space<vmem>>
      %dma_wait3A_608 = arith.constant 0 : i32
      %dma_wait3A_609 = arith.constant 0 : i32
      %dma_wait3A_610 = tpu.memref_slice %arg2[%dma_wait3A_608, %dma_wait3A_609] : memref<32x1000000xf32, #tpu.memory_space<hbm>> -> memref<32x128xf32, #tpu.memory_space<hbm>>
      %dma_wait3A_611 = arith.constant 0 : i32
      %dma_wait3A_612 = arith.constant 0 : i32
      %dma_wait3A_613 = tpu.memref_slice %arg6[%dma_wait3A_602, %dma_wait3A_603, %dma_wait3A_611, %dma_wait3A_612] : memref<8x2x32x128xf32, #tpu.memory_space<vmem>> -> memref<1x1x32x128xf32, #tpu.memory_space<vmem>>
      %dma_wait3A_614 = tpu.memref_squeeze %dma_wait3A_613 : memref<1x1x32x128xf32, #tpu.memory_space<vmem>> -> memref<32x128xf32, #tpu.memory_space<vmem>>
      %dma_wait3A_615 = arith.constant 0 : i32
      %dma_wait3A_616 = arith.constant 0 : i32
      %dma_wait3A_617 = tpu.memref_slice %arg2[%dma_wait3A_615, %dma_wait3A_616] : memref<32x1000000xf32, #tpu.memory_space<hbm>> -> memref<32x128xf32, #tpu.memory_space<hbm>>
      tpu.wait_dma2 semaphore(%arg9 : memref<!tpu.dma_semaphore, #tpu.memory_space<semaphore_mem>>) src(%dma_wait3A_617 : memref<32x128xf32, #tpu.memory_space<hbm>>) dst(%dma_wait3A_614 : memref<32x128xf32, #tpu.memory_space<vmem>>)
      %ge3A_618 = arith.constant 1 : i32
      %ge3A_619 = arith.cmpi sge, %scan3A_458, %ge3A_618 : i32
      %convert_element_type3A_620 = arith.extui %ge3A_619 : i1 to i32
      %cond3A_621 = arith.constant 0 : i32
      %cond3A_622 = arith.cmpi ne, %convert_element_type3A_620, %cond3A_621 : i32
      scf.if %cond3A_622 {
        %sub3A = arith.constant 8 : i32
        %sub3A_1499 = arith.subi %add3A_585, %sub3A : i32
        %mul3A_1500 = arith.constant 2 : i32
        %mul3A_1501 = arith.muli %sub3A_1499, %mul3A_1500 : i32
        %dma_wait3A_1502 = arith.constant 1 : i32
        %dma_wait3A_1503 = arith.constant 0 : i32
        %dma_wait3A_1504 = arith.constant 0 : i32
        %dma_wait3A_1505 = tpu.memref_slice %arg7[%dma_wait3A_1502, %dma_wait3A_1503, %dma_wait3A_1504] : memref<8x2x32xf32, #tpu.memory_space<vmem>> -> memref<1x2x32xf32, #tpu.memory_space<vmem>>
        %dma_wait3A_1506 = tpu.memref_squeeze %dma_wait3A_1505 : memref<1x2x32xf32, #tpu.memory_space<vmem>> -> memref<2x32xf32, #tpu.memory_space<vmem>>
        %dma_wait3A_1507 = arith.constant 0 : i32
        %dma_wait3A_1508 = tpu.memref_slice %arg4[%mul3A_1501, %dma_wait3A_1507] : memref<16384x32xf32, #tpu.memory_space<hbm>> -> memref<2x32xf32, #tpu.memory_space<hbm>>
        %dma_wait3A_1509 = arith.constant 0 : i32
        %dma_wait3A_1510 = tpu.memref_slice %arg4[%mul3A_1501, %dma_wait3A_1509] : memref<16384x32xf32, #tpu.memory_space<hbm>> -> memref<2x32xf32, #tpu.memory_space<hbm>>
        %dma_wait3A_1511 = arith.constant 0 : i32
        %dma_wait3A_1512 = arith.constant 0 : i32
        %dma_wait3A_1513 = tpu.memref_slice %arg7[%dma_wait3A_1502, %dma_wait3A_1511, %dma_wait3A_1512] : memref<8x2x32xf32, #tpu.memory_space<vmem>> -> memref<1x2x32xf32, #tpu.memory_space<vmem>>
        %dma_wait3A_1514 = tpu.memref_squeeze %dma_wait3A_1513 : memref<1x2x32xf32, #tpu.memory_space<vmem>> -> memref<2x32xf32, #tpu.memory_space<vmem>>
        tpu.wait_dma2 semaphore(%arg17 : memref<!tpu.dma_semaphore, #tpu.memory_space<semaphore_mem>>) src(%dma_wait3A_1514 : memref<2x32xf32, #tpu.memory_space<vmem>>) dst(%dma_wait3A_1510 : memref<2x32xf32, #tpu.memory_space<hbm>>)
      } else {
      }
      %mul3A_623 = arith.constant 2 : i32
      %mul3A_624 = arith.muli %add3A_585, %mul3A_623 : i32
      %get3A_625 = arith.index_cast %mul3A_624 : i32 to index
      %get3A_626 = tpu.vector_load %arg5[%get3A_625] {strides = array<i32>} : memref<528xi32, #tpu.memory_space<vmem>>, vector<16xi32>,
      %and3A_627 = arith.constant 127 : i32
      %and3A_628 = vector.broadcast %and3A_627 : i32 to vector<16xi32>
      %and3A_629 = arith.andi %get3A_626, %and3A_628 : vector<16xi32>
      %broadcast_in_dim3A_630 = arith.constant 0 : i32
      %broadcast_in_dim3A_631 = vector.broadcast %broadcast_in_dim3A_630 : i32 to vector<16xi32>
      %slice3A_632 = vector.extract_strided_slice %and3A_629 {offsets = [0], sizes = [1], strides = [1]} : vector<16xi32> to vector<1xi32>
      %squeeze3A_633 = vector.extract %slice3A_632[0] : i32 from vector<1xi32>
      %broadcast_in_dim3A_634 = vector.broadcast %squeeze3A_633 : i32 to vector<16xi32>
      %gather3A_635 = arith.constant 1 : i32
      %gather3A_636 = arith.constant 0 : i32
      %gather3A_637 = arith.constant 0 : i32
      %gather3A_638 = arith.constant 0 : i32
      %gather3A_639 = tpu.memref_slice %arg6[%gather3A_635, %gather3A_636, %gather3A_637, %gather3A_638] : memref<8x2x32x128xf32, #tpu.memory_space<vmem>> -> memref<1x2x32x128xf32, #tpu.memory_space<vmem>>
      %gather3A_640 = tpu.memref_squeeze %gather3A_639 : memref<1x2x32x128xf32, #tpu.memory_space<vmem>> -> memref<2x32x128xf32, #tpu.memory_space<vmem>>
      %gather3A_641 = tpu.vector_load_idx %gather3A_640[%broadcast_in_dim3A_631, %iota3A, %broadcast_in_dim3A_634] : memref<2x32x128xf32, #tpu.memory_space<vmem>>[vector<16xi32>, vector<16xi32>, vector<16xi32>], vector<16xf32>,
      %gather3A_642 = arith.constant 1 : i32
      %gather3A_643 = arith.constant 0 : i32
      %gather3A_644 = arith.constant 0 : i32
      %gather3A_645 = arith.constant 0 : i32
      %gather3A_646 = tpu.memref_slice %arg6[%gather3A_642, %gather3A_643, %gather3A_644, %gather3A_645] : memref<8x2x32x128xf32, #tpu.memory_space<vmem>> -> memref<1x2x32x128xf32, #tpu.memory_space<vmem>>
      %gather3A_647 = tpu.memref_squeeze %gather3A_646 : memref<1x2x32x128xf32, #tpu.memory_space<vmem>> -> memref<2x32x128xf32, #tpu.memory_space<vmem>>
      %gather3A_648 = tpu.vector_load_idx %gather3A_647[%broadcast_in_dim3A_631, %add3A_5, %broadcast_in_dim3A_634] : memref<2x32x128xf32, #tpu.memory_space<vmem>>[vector<16xi32>, vector<16xi32>, vector<16xi32>], vector<16xf32>,
      %swap3A_649 = arith.constant 1 : i32
      %swap3A_650 = arith.constant 0 : i32
      %swap3A_651 = arith.index_cast %swap3A_649 : i32 to index
      %swap3A_652 = arith.index_cast %swap3A_650 : i32 to index
      %swap3A_653 = arith.constant 0 : index
      %swap3A_654 = tpu.vector_load %arg7[%swap3A_651, %swap3A_652, %swap3A_653] {strides = array<i32>} : memref<8x2x32xf32, #tpu.memory_space<vmem>>, vector<16xf32>,
      tpu.vector_store %arg7[%swap3A_651, %swap3A_652, %swap3A_653], %gather3A_641 {strides = array<i32>} : memref<8x2x32xf32, #tpu.memory_space<vmem>>, vector<16xf32>,
      %swap3A_655 = arith.constant 1 : i32
      %swap3A_656 = arith.constant 0 : i32
      %swap3A_657 = arith.index_cast %swap3A_655 : i32 to index
      %swap3A_658 = arith.index_cast %swap3A_656 : i32 to index
      %swap3A_659 = arith.constant 16 : index
      %swap3A_660 = tpu.vector_load %arg7[%swap3A_657, %swap3A_658, %swap3A_659] {strides = array<i32>} : memref<8x2x32xf32, #tpu.memory_space<vmem>>, vector<16xf32>,
      tpu.vector_store %arg7[%swap3A_657, %swap3A_658, %swap3A_659], %gather3A_648 {strides = array<i32>} : memref<8x2x32xf32, #tpu.memory_space<vmem>>, vector<16xf32>,
      %broadcast_in_dim3A_661 = arith.constant 1 : i32
      %broadcast_in_dim3A_662 = vector.broadcast %broadcast_in_dim3A_661 : i32 to vector<16xi32>
      %slice3A_663 = vector.extract_strided_slice %and3A_629 {offsets = [1], sizes = [1], strides = [1]} : vector<16xi32> to vector<1xi32>
      %squeeze3A_664 = vector.extract %slice3A_663[0] : i32 from vector<1xi32>
      %broadcast_in_dim3A_665 = vector.broadcast %squeeze3A_664 : i32 to vector<16xi32>
      %gather3A_666 = arith.constant 1 : i32
      %gather3A_667 = arith.constant 0 : i32
      %gather3A_668 = arith.constant 0 : i32
      %gather3A_669 = arith.constant 0 : i32
      %gather3A_670 = tpu.memref_slice %arg6[%gather3A_666, %gather3A_667, %gather3A_668, %gather3A_669] : memref<8x2x32x128xf32, #tpu.memory_space<vmem>> -> memref<1x2x32x128xf32, #tpu.memory_space<vmem>>
      %gather3A_671 = tpu.memref_squeeze %gather3A_670 : memref<1x2x32x128xf32, #tpu.memory_space<vmem>> -> memref<2x32x128xf32, #tpu.memory_space<vmem>>
      %gather3A_672 = tpu.vector_load_idx %gather3A_671[%broadcast_in_dim3A_662, %iota3A, %broadcast_in_dim3A_665] : memref<2x32x128xf32, #tpu.memory_space<vmem>>[vector<16xi32>, vector<16xi32>, vector<16xi32>], vector<16xf32>,
      %gather3A_673 = arith.constant 1 : i32
      %gather3A_674 = arith.constant 0 : i32
      %gather3A_675 = arith.constant 0 : i32
      %gather3A_676 = arith.constant 0 : i32
      %gather3A_677 = tpu.memref_slice %arg6[%gather3A_673, %gather3A_674, %gather3A_675, %gather3A_676] : memref<8x2x32x128xf32, #tpu.memory_space<vmem>> -> memref<1x2x32x128xf32, #tpu.memory_space<vmem>>
      %gather3A_678 = tpu.memref_squeeze %gather3A_677 : memref<1x2x32x128xf32, #tpu.memory_space<vmem>> -> memref<2x32x128xf32, #tpu.memory_space<vmem>>
      %gather3A_679 = tpu.vector_load_idx %gather3A_678[%broadcast_in_dim3A_662, %add3A_5, %broadcast_in_dim3A_665] : memref<2x32x128xf32, #tpu.memory_space<vmem>>[vector<16xi32>, vector<16xi32>, vector<16xi32>], vector<16xf32>,
      %swap3A_680 = arith.constant 1 : i32
      %swap3A_681 = arith.constant 1 : i32
      %swap3A_682 = arith.index_cast %swap3A_680 : i32 to index
      %swap3A_683 = arith.index_cast %swap3A_681 : i32 to index
      %swap3A_684 = arith.constant 0 : index
      %swap3A_685 = tpu.vector_load %arg7[%swap3A_682, %swap3A_683, %swap3A_684] {strides = array<i32>} : memref<8x2x32xf32, #tpu.memory_space<vmem>>, vector<16xf32>,
      tpu.vector_store %arg7[%swap3A_682, %swap3A_683, %swap3A_684], %gather3A_672 {strides = array<i32>} : memref<8x2x32xf32, #tpu.memory_space<vmem>>, vector<16xf32>,
      %swap3A_686 = arith.constant 1 : i32
      %swap3A_687 = arith.constant 1 : i32
      %swap3A_688 = arith.index_cast %swap3A_686 : i32 to index
      %swap3A_689 = arith.index_cast %swap3A_687 : i32 to index
      %swap3A_690 = arith.constant 16 : index
      %swap3A_691 = tpu.vector_load %arg7[%swap3A_688, %swap3A_689, %swap3A_690] {strides = array<i32>} : memref<8x2x32xf32, #tpu.memory_space<vmem>>, vector<16xf32>,
      tpu.vector_store %arg7[%swap3A_688, %swap3A_689, %swap3A_690], %gather3A_679 {strides = array<i32>} : memref<8x2x32xf32, #tpu.memory_space<vmem>>, vector<16xf32>,
      %mul3A_692 = arith.constant 2 : i32
      %mul3A_693 = arith.muli %add3A_585, %mul3A_692 : i32
      %add3A_694 = arith.addi %mul3A_2, %mul3A_693 : i32
      %dma_start3A_695 = arith.constant 1 : i32
      %dma_start3A_696 = arith.constant 0 : i32
      %dma_start3A_697 = arith.constant 0 : i32
      %dma_start3A_698 = tpu.memref_slice %arg7[%dma_start3A_695, %dma_start3A_696, %dma_start3A_697] : memref<8x2x32xf32, #tpu.memory_space<vmem>> -> memref<1x2x32xf32, #tpu.memory_space<vmem>>
      %dma_start3A_699 = tpu.memref_squeeze %dma_start3A_698 : memref<1x2x32xf32, #tpu.memory_space<vmem>> -> memref<2x32xf32, #tpu.memory_space<vmem>>
      %dma_start3A_700 = arith.constant 0 : i32
      %dma_start3A_701 = tpu.memref_slice %arg4[%add3A_694, %dma_start3A_700] : memref<16384x32xf32, #tpu.memory_space<hbm>> -> memref<2x32xf32, #tpu.memory_space<hbm>>
      %dma_start3A_702 = arith.constant 0 : i32
      %dma_start3A_703 = tpu.memref_slice %arg4[%add3A_694, %dma_start3A_702] : memref<16384x32xf32, #tpu.memory_space<hbm>> -> memref<2x32xf32, #tpu.memory_space<hbm>>
      %dma_start3A_704 = arith.constant 0 : i32
      %dma_start3A_705 = arith.constant 0 : i32
      %dma_start3A_706 = tpu.memref_slice %arg7[%dma_start3A_695, %dma_start3A_704, %dma_start3A_705] : memref<8x2x32xf32, #tpu.memory_space<vmem>> -> memref<1x2x32xf32, #tpu.memory_space<vmem>>
      %dma_start3A_707 = tpu.memref_squeeze %dma_start3A_706 : memref<1x2x32xf32, #tpu.memory_space<vmem>> -> memref<2x32xf32, #tpu.memory_space<vmem>>
      tpu.enqueue_dma source(%dma_start3A_707 : memref<2x32xf32, #tpu.memory_space<vmem>>) target(%dma_start3A_703 : memref<2x32xf32, #tpu.memory_space<hbm>>) target_semaphore(%arg17 : memref<!tpu.dma_semaphore, #tpu.memory_space<semaphore_mem>>)
      %lt3A_708 = arith.constant 31 : i32
      %lt3A_709 = arith.cmpi slt, %scan3A_458, %lt3A_708 : i32
      %convert_element_type3A_710 = arith.extui %lt3A_709 : i1 to i32
      %cond3A_711 = arith.constant 0 : i32
      %cond3A_712 = arith.cmpi ne, %convert_element_type3A_710, %cond3A_711 : i32
      scf.if %cond3A_712 {
        %add3A_1499 = arith.constant 8 : i32
        %add3A_1500 = arith.addi %add3A_585, %add3A_1499 : i32
        %mul3A_1501 = arith.constant 2 : i32
        %mul3A_1502 = arith.muli %add3A_1500, %mul3A_1501 : i32
        %get3A_1503 = arith.index_cast %mul3A_1502 : i32 to index
        %get3A_1504 = tpu.vector_load %arg5[%get3A_1503] {strides = array<i32>} : memref<528xi32, #tpu.memory_space<vmem>>, vector<16xi32>,
        %shift_right_arithmetic3A_1505 = arith.constant 7 : i32
        %shift_right_arithmetic3A_1506 = vector.broadcast %shift_right_arithmetic3A_1505 : i32 to vector<16xi32>
        %shift_right_arithmetic3A_1507 = arith.shrsi %get3A_1504, %shift_right_arithmetic3A_1506 : vector<16xi32>
        %shift_left3A_1508 = arith.constant 7 : i32
        %shift_left3A_1509 = vector.broadcast %shift_left3A_1508 : i32 to vector<16xi32>
        %shift_left3A_1510 = arith.shli %shift_right_arithmetic3A_1507, %shift_left3A_1509 : vector<16xi32>
        %slice3A_1511 = vector.extract_strided_slice %shift_left3A_1510 {offsets = [0], sizes = [1], strides = [1]} : vector<16xi32> to vector<1xi32>
        %squeeze3A_1512 = vector.extract %slice3A_1511[0] : i32 from vector<1xi32>
        %multiple_of3A_1513 = tpu.assume_multiple %squeeze3A_1512, 128 : i32
        %dma_start3A_1514 = arith.constant 1 : i32
        %dma_start3A_1515 = arith.constant 0 : i32
        %dma_start3A_1516 = arith.constant 0 : i32
        %dma_start3A_1517 = arith.constant 0 : i32
        %dma_start3A_1518 = tpu.memref_slice %arg6[%dma_start3A_1514, %dma_start3A_1515, %dma_start3A_1516, %dma_start3A_1517] : memref<8x2x32x128xf32, #tpu.memory_space<vmem>> -> memref<1x1x32x128xf32, #tpu.memory_space<vmem>>
        %dma_start3A_1519 = tpu.memref_squeeze %dma_start3A_1518 : memref<1x1x32x128xf32, #tpu.memory_space<vmem>> -> memref<32x128xf32, #tpu.memory_space<vmem>>
        %dma_start3A_1520 = arith.constant 0 : i32
        %dma_start3A_1521 = tpu.memref_slice %arg2[%dma_start3A_1520, %multiple_of3A_1513] : memref<32x1000000xf32, #tpu.memory_space<hbm>> -> memref<32x128xf32, #tpu.memory_space<hbm>>
        %dma_start3A_1522 = arith.constant 0 : i32
        %dma_start3A_1523 = arith.constant 0 : i32
        %dma_start3A_1524 = tpu.memref_slice %arg6[%dma_start3A_1514, %dma_start3A_1515, %dma_start3A_1522, %dma_start3A_1523] : memref<8x2x32x128xf32, #tpu.memory_space<vmem>> -> memref<1x1x32x128xf32, #tpu.memory_space<vmem>>
        %dma_start3A_1525 = tpu.memref_squeeze %dma_start3A_1524 : memref<1x1x32x128xf32, #tpu.memory_space<vmem>> -> memref<32x128xf32, #tpu.memory_space<vmem>>
        %dma_start3A_1526 = arith.constant 0 : i32
        %dma_start3A_1527 = tpu.memref_slice %arg2[%dma_start3A_1526, %multiple_of3A_1513] : memref<32x1000000xf32, #tpu.memory_space<hbm>> -> memref<32x128xf32, #tpu.memory_space<hbm>>
        tpu.enqueue_dma source(%dma_start3A_1527 : memref<32x128xf32, #tpu.memory_space<hbm>>) target(%dma_start3A_1525 : memref<32x128xf32, #tpu.memory_space<vmem>>) target_semaphore(%arg9 : memref<!tpu.dma_semaphore, #tpu.memory_space<semaphore_mem>>)
        %slice3A_1528 = vector.extract_strided_slice %shift_left3A_1510 {offsets = [1], sizes = [1], strides = [1]} : vector<16xi32> to vector<1xi32>
        %squeeze3A_1529 = vector.extract %slice3A_1528[0] : i32 from vector<1xi32>
        %multiple_of3A_1530 = tpu.assume_multiple %squeeze3A_1529, 128 : i32
        %dma_start3A_1531 = arith.constant 1 : i32
        %dma_start3A_1532 = arith.constant 1 : i32
        %dma_start3A_1533 = arith.constant 0 : i32
        %dma_start3A_1534 = arith.constant 0 : i32
        %dma_start3A_1535 = tpu.memref_slice %arg6[%dma_start3A_1531, %dma_start3A_1532, %dma_start3A_1533, %dma_start3A_1534] : memref<8x2x32x128xf32, #tpu.memory_space<vmem>> -> memref<1x1x32x128xf32, #tpu.memory_space<vmem>>
        %dma_start3A_1536 = tpu.memref_squeeze %dma_start3A_1535 : memref<1x1x32x128xf32, #tpu.memory_space<vmem>> -> memref<32x128xf32, #tpu.memory_space<vmem>>
        %dma_start3A_1537 = arith.constant 0 : i32
        %dma_start3A_1538 = tpu.memref_slice %arg2[%dma_start3A_1537, %multiple_of3A_1530] : memref<32x1000000xf32, #tpu.memory_space<hbm>> -> memref<32x128xf32, #tpu.memory_space<hbm>>
        %dma_start3A_1539 = arith.constant 0 : i32
        %dma_start3A_1540 = arith.constant 0 : i32
        %dma_start3A_1541 = tpu.memref_slice %arg6[%dma_start3A_1531, %dma_start3A_1532, %dma_start3A_1539, %dma_start3A_1540] : memref<8x2x32x128xf32, #tpu.memory_space<vmem>> -> memref<1x1x32x128xf32, #tpu.memory_space<vmem>>
        %dma_start3A_1542 = tpu.memref_squeeze %dma_start3A_1541 : memref<1x1x32x128xf32, #tpu.memory_space<vmem>> -> memref<32x128xf32, #tpu.memory_space<vmem>>
        %dma_start3A_1543 = arith.constant 0 : i32
        %dma_start3A_1544 = tpu.memref_slice %arg2[%dma_start3A_1543, %multiple_of3A_1530] : memref<32x1000000xf32, #tpu.memory_space<hbm>> -> memref<32x128xf32, #tpu.memory_space<hbm>>
        tpu.enqueue_dma source(%dma_start3A_1544 : memref<32x128xf32, #tpu.memory_space<hbm>>) target(%dma_start3A_1542 : memref<32x128xf32, #tpu.memory_space<vmem>>) target_semaphore(%arg9 : memref<!tpu.dma_semaphore, #tpu.memory_space<semaphore_mem>>)
      } else {
      }
      %mul3A_713 = arith.constant 8 : i32
      %mul3A_714 = arith.muli %scan3A_458, %mul3A_713 : i32
      %add3A_715 = arith.constant 2 : i32
      %add3A_716 = arith.addi %mul3A_714, %add3A_715 : i32
      %dma_wait3A_717 = arith.constant 2 : i32
      %dma_wait3A_718 = arith.constant 0 : i32
      %dma_wait3A_719 = arith.constant 0 : i32
      %dma_wait3A_720 = arith.constant 0 : i32
      %dma_wait3A_721 = tpu.memref_slice %arg6[%dma_wait3A_717, %dma_wait3A_718, %dma_wait3A_719, %dma_wait3A_720] : memref<8x2x32x128xf32, #tpu.memory_space<vmem>> -> memref<1x1x32x128xf32, #tpu.memory_space<vmem>>
      %dma_wait3A_722 = tpu.memref_squeeze %dma_wait3A_721 : memref<1x1x32x128xf32, #tpu.memory_space<vmem>> -> memref<32x128xf32, #tpu.memory_space<vmem>>
      %dma_wait3A_723 = arith.constant 0 : i32
      %dma_wait3A_724 = arith.constant 0 : i32
      %dma_wait3A_725 = tpu.memref_slice %arg2[%dma_wait3A_723, %dma_wait3A_724] : memref<32x1000000xf32, #tpu.memory_space<hbm>> -> memref<32x128xf32, #tpu.memory_space<hbm>>
      %dma_wait3A_726 = arith.constant 0 : i32
      %dma_wait3A_727 = arith.constant 0 : i32
      %dma_wait3A_728 = tpu.memref_slice %arg6[%dma_wait3A_717, %dma_wait3A_718, %dma_wait3A_726, %dma_wait3A_727] : memref<8x2x32x128xf32, #tpu.memory_space<vmem>> -> memref<1x1x32x128xf32, #tpu.memory_space<vmem>>
      %dma_wait3A_729 = tpu.memref_squeeze %dma_wait3A_728 : memref<1x1x32x128xf32, #tpu.memory_space<vmem>> -> memref<32x128xf32, #tpu.memory_space<vmem>>
      %dma_wait3A_730 = arith.constant 0 : i32
      %dma_wait3A_731 = arith.constant 0 : i32
      %dma_wait3A_732 = tpu.memref_slice %arg2[%dma_wait3A_730, %dma_wait3A_731] : memref<32x1000000xf32, #tpu.memory_space<hbm>> -> memref<32x128xf32, #tpu.memory_space<hbm>>
      tpu.wait_dma2 semaphore(%arg10 : memref<!tpu.dma_semaphore, #tpu.memory_space<semaphore_mem>>) src(%dma_wait3A_732 : memref<32x128xf32, #tpu.memory_space<hbm>>) dst(%dma_wait3A_729 : memref<32x128xf32, #tpu.memory_space<vmem>>)
      %dma_wait3A_733 = arith.constant 2 : i32
      %dma_wait3A_734 = arith.constant 1 : i32
      %dma_wait3A_735 = arith.constant 0 : i32
      %dma_wait3A_736 = arith.constant 0 : i32
      %dma_wait3A_737 = tpu.memref_slice %arg6[%dma_wait3A_733, %dma_wait3A_734, %dma_wait3A_735, %dma_wait3A_736] : memref<8x2x32x128xf32, #tpu.memory_space<vmem>> -> memref<1x1x32x128xf32, #tpu.memory_space<vmem>>
      %dma_wait3A_738 = tpu.memref_squeeze %dma_wait3A_737 : memref<1x1x32x128xf32, #tpu.memory_space<vmem>> -> memref<32x128xf32, #tpu.memory_space<vmem>>
      %dma_wait3A_739 = arith.constant 0 : i32
      %dma_wait3A_740 = arith.constant 0 : i32
      %dma_wait3A_741 = tpu.memref_slice %arg2[%dma_wait3A_739, %dma_wait3A_740] : memref<32x1000000xf32, #tpu.memory_space<hbm>> -> memref<32x128xf32, #tpu.memory_space<hbm>>
      %dma_wait3A_742 = arith.constant 0 : i32
      %dma_wait3A_743 = arith.constant 0 : i32
      %dma_wait3A_744 = tpu.memref_slice %arg6[%dma_wait3A_733, %dma_wait3A_734, %dma_wait3A_742, %dma_wait3A_743] : memref<8x2x32x128xf32, #tpu.memory_space<vmem>> -> memref<1x1x32x128xf32, #tpu.memory_space<vmem>>
      %dma_wait3A_745 = tpu.memref_squeeze %dma_wait3A_744 : memref<1x1x32x128xf32, #tpu.memory_space<vmem>> -> memref<32x128xf32, #tpu.memory_space<vmem>>
      %dma_wait3A_746 = arith.constant 0 : i32
      %dma_wait3A_747 = arith.constant 0 : i32
      %dma_wait3A_748 = tpu.memref_slice %arg2[%dma_wait3A_746, %dma_wait3A_747] : memref<32x1000000xf32, #tpu.memory_space<hbm>> -> memref<32x128xf32, #tpu.memory_space<hbm>>
      tpu.wait_dma2 semaphore(%arg10 : memref<!tpu.dma_semaphore, #tpu.memory_space<semaphore_mem>>) src(%dma_wait3A_748 : memref<32x128xf32, #tpu.memory_space<hbm>>) dst(%dma_wait3A_745 : memref<32x128xf32, #tpu.memory_space<vmem>>)
      %ge3A_749 = arith.constant 1 : i32
      %ge3A_750 = arith.cmpi sge, %scan3A_458, %ge3A_749 : i32
      %convert_element_type3A_751 = arith.extui %ge3A_750 : i1 to i32
      %cond3A_752 = arith.constant 0 : i32
      %cond3A_753 = arith.cmpi ne, %convert_element_type3A_751, %cond3A_752 : i32
      scf.if %cond3A_753 {
        %sub3A = arith.constant 8 : i32
        %sub3A_1499 = arith.subi %add3A_716, %sub3A : i32
        %mul3A_1500 = arith.constant 2 : i32
        %mul3A_1501 = arith.muli %sub3A_1499, %mul3A_1500 : i32
        %dma_wait3A_1502 = arith.constant 2 : i32
        %dma_wait3A_1503 = arith.constant 0 : i32
        %dma_wait3A_1504 = arith.constant 0 : i32
        %dma_wait3A_1505 = tpu.memref_slice %arg7[%dma_wait3A_1502, %dma_wait3A_1503, %dma_wait3A_1504] : memref<8x2x32xf32, #tpu.memory_space<vmem>> -> memref<1x2x32xf32, #tpu.memory_space<vmem>>
        %dma_wait3A_1506 = tpu.memref_squeeze %dma_wait3A_1505 : memref<1x2x32xf32, #tpu.memory_space<vmem>> -> memref<2x32xf32, #tpu.memory_space<vmem>>
        %dma_wait3A_1507 = arith.constant 0 : i32
        %dma_wait3A_1508 = tpu.memref_slice %arg4[%mul3A_1501, %dma_wait3A_1507] : memref<16384x32xf32, #tpu.memory_space<hbm>> -> memref<2x32xf32, #tpu.memory_space<hbm>>
        %dma_wait3A_1509 = arith.constant 0 : i32
        %dma_wait3A_1510 = tpu.memref_slice %arg4[%mul3A_1501, %dma_wait3A_1509] : memref<16384x32xf32, #tpu.memory_space<hbm>> -> memref<2x32xf32, #tpu.memory_space<hbm>>
        %dma_wait3A_1511 = arith.constant 0 : i32
        %dma_wait3A_1512 = arith.constant 0 : i32
        %dma_wait3A_1513 = tpu.memref_slice %arg7[%dma_wait3A_1502, %dma_wait3A_1511, %dma_wait3A_1512] : memref<8x2x32xf32, #tpu.memory_space<vmem>> -> memref<1x2x32xf32, #tpu.memory_space<vmem>>
        %dma_wait3A_1514 = tpu.memref_squeeze %dma_wait3A_1513 : memref<1x2x32xf32, #tpu.memory_space<vmem>> -> memref<2x32xf32, #tpu.memory_space<vmem>>
        tpu.wait_dma2 semaphore(%arg18 : memref<!tpu.dma_semaphore, #tpu.memory_space<semaphore_mem>>) src(%dma_wait3A_1514 : memref<2x32xf32, #tpu.memory_space<vmem>>) dst(%dma_wait3A_1510 : memref<2x32xf32, #tpu.memory_space<hbm>>)
      } else {
      }
      %mul3A_754 = arith.constant 2 : i32
      %mul3A_755 = arith.muli %add3A_716, %mul3A_754 : i32
      %get3A_756 = arith.index_cast %mul3A_755 : i32 to index
      %get3A_757 = tpu.vector_load %arg5[%get3A_756] {strides = array<i32>} : memref<528xi32, #tpu.memory_space<vmem>>, vector<16xi32>,
      %and3A_758 = arith.constant 127 : i32
      %and3A_759 = vector.broadcast %and3A_758 : i32 to vector<16xi32>
      %and3A_760 = arith.andi %get3A_757, %and3A_759 : vector<16xi32>
      %broadcast_in_dim3A_761 = arith.constant 0 : i32
      %broadcast_in_dim3A_762 = vector.broadcast %broadcast_in_dim3A_761 : i32 to vector<16xi32>
      %slice3A_763 = vector.extract_strided_slice %and3A_760 {offsets = [0], sizes = [1], strides = [1]} : vector<16xi32> to vector<1xi32>
      %squeeze3A_764 = vector.extract %slice3A_763[0] : i32 from vector<1xi32>
      %broadcast_in_dim3A_765 = vector.broadcast %squeeze3A_764 : i32 to vector<16xi32>
      %gather3A_766 = arith.constant 2 : i32
      %gather3A_767 = arith.constant 0 : i32
      %gather3A_768 = arith.constant 0 : i32
      %gather3A_769 = arith.constant 0 : i32
      %gather3A_770 = tpu.memref_slice %arg6[%gather3A_766, %gather3A_767, %gather3A_768, %gather3A_769] : memref<8x2x32x128xf32, #tpu.memory_space<vmem>> -> memref<1x2x32x128xf32, #tpu.memory_space<vmem>>
      %gather3A_771 = tpu.memref_squeeze %gather3A_770 : memref<1x2x32x128xf32, #tpu.memory_space<vmem>> -> memref<2x32x128xf32, #tpu.memory_space<vmem>>
      %gather3A_772 = tpu.vector_load_idx %gather3A_771[%broadcast_in_dim3A_762, %iota3A, %broadcast_in_dim3A_765] : memref<2x32x128xf32, #tpu.memory_space<vmem>>[vector<16xi32>, vector<16xi32>, vector<16xi32>], vector<16xf32>,
      %gather3A_773 = arith.constant 2 : i32
      %gather3A_774 = arith.constant 0 : i32
      %gather3A_775 = arith.constant 0 : i32
      %gather3A_776 = arith.constant 0 : i32
      %gather3A_777 = tpu.memref_slice %arg6[%gather3A_773, %gather3A_774, %gather3A_775, %gather3A_776] : memref<8x2x32x128xf32, #tpu.memory_space<vmem>> -> memref<1x2x32x128xf32, #tpu.memory_space<vmem>>
      %gather3A_778 = tpu.memref_squeeze %gather3A_777 : memref<1x2x32x128xf32, #tpu.memory_space<vmem>> -> memref<2x32x128xf32, #tpu.memory_space<vmem>>
      %gather3A_779 = tpu.vector_load_idx %gather3A_778[%broadcast_in_dim3A_762, %add3A_5, %broadcast_in_dim3A_765] : memref<2x32x128xf32, #tpu.memory_space<vmem>>[vector<16xi32>, vector<16xi32>, vector<16xi32>], vector<16xf32>,
      %swap3A_780 = arith.constant 2 : i32
      %swap3A_781 = arith.constant 0 : i32
      %swap3A_782 = arith.index_cast %swap3A_780 : i32 to index
      %swap3A_783 = arith.index_cast %swap3A_781 : i32 to index
      %swap3A_784 = arith.constant 0 : index
      %swap3A_785 = tpu.vector_load %arg7[%swap3A_782, %swap3A_783, %swap3A_784] {strides = array<i32>} : memref<8x2x32xf32, #tpu.memory_space<vmem>>, vector<16xf32>,
      tpu.vector_store %arg7[%swap3A_782, %swap3A_783, %swap3A_784], %gather3A_772 {strides = array<i32>} : memref<8x2x32xf32, #tpu.memory_space<vmem>>, vector<16xf32>,
      %swap3A_786 = arith.constant 2 : i32
      %swap3A_787 = arith.constant 0 : i32
      %swap3A_788 = arith.index_cast %swap3A_786 : i32 to index
      %swap3A_789 = arith.index_cast %swap3A_787 : i32 to index
      %swap3A_790 = arith.constant 16 : index
      %swap3A_791 = tpu.vector_load %arg7[%swap3A_788, %swap3A_789, %swap3A_790] {strides = array<i32>} : memref<8x2x32xf32, #tpu.memory_space<vmem>>, vector<16xf32>,
      tpu.vector_store %arg7[%swap3A_788, %swap3A_789, %swap3A_790], %gather3A_779 {strides = array<i32>} : memref<8x2x32xf32, #tpu.memory_space<vmem>>, vector<16xf32>,
      %broadcast_in_dim3A_792 = arith.constant 1 : i32
      %broadcast_in_dim3A_793 = vector.broadcast %broadcast_in_dim3A_792 : i32 to vector<16xi32>
      %slice3A_794 = vector.extract_strided_slice %and3A_760 {offsets = [1], sizes = [1], strides = [1]} : vector<16xi32> to vector<1xi32>
      %squeeze3A_795 = vector.extract %slice3A_794[0] : i32 from vector<1xi32>
      %broadcast_in_dim3A_796 = vector.broadcast %squeeze3A_795 : i32 to vector<16xi32>
      %gather3A_797 = arith.constant 2 : i32
      %gather3A_798 = arith.constant 0 : i32
      %gather3A_799 = arith.constant 0 : i32
      %gather3A_800 = arith.constant 0 : i32
      %gather3A_801 = tpu.memref_slice %arg6[%gather3A_797, %gather3A_798, %gather3A_799, %gather3A_800] : memref<8x2x32x128xf32, #tpu.memory_space<vmem>> -> memref<1x2x32x128xf32, #tpu.memory_space<vmem>>
      %gather3A_802 = tpu.memref_squeeze %gather3A_801 : memref<1x2x32x128xf32, #tpu.memory_space<vmem>> -> memref<2x32x128xf32, #tpu.memory_space<vmem>>
      %gather3A_803 = tpu.vector_load_idx %gather3A_802[%broadcast_in_dim3A_793, %iota3A, %broadcast_in_dim3A_796] : memref<2x32x128xf32, #tpu.memory_space<vmem>>[vector<16xi32>, vector<16xi32>, vector<16xi32>], vector<16xf32>,
      %gather3A_804 = arith.constant 2 : i32
      %gather3A_805 = arith.constant 0 : i32
      %gather3A_806 = arith.constant 0 : i32
      %gather3A_807 = arith.constant 0 : i32
      %gather3A_808 = tpu.memref_slice %arg6[%gather3A_804, %gather3A_805, %gather3A_806, %gather3A_807] : memref<8x2x32x128xf32, #tpu.memory_space<vmem>> -> memref<1x2x32x128xf32, #tpu.memory_space<vmem>>
      %gather3A_809 = tpu.memref_squeeze %gather3A_808 : memref<1x2x32x128xf32, #tpu.memory_space<vmem>> -> memref<2x32x128xf32, #tpu.memory_space<vmem>>
      %gather3A_810 = tpu.vector_load_idx %gather3A_809[%broadcast_in_dim3A_793, %add3A_5, %broadcast_in_dim3A_796] : memref<2x32x128xf32, #tpu.memory_space<vmem>>[vector<16xi32>, vector<16xi32>, vector<16xi32>], vector<16xf32>,
      %swap3A_811 = arith.constant 2 : i32
      %swap3A_812 = arith.constant 1 : i32
      %swap3A_813 = arith.index_cast %swap3A_811 : i32 to index
      %swap3A_814 = arith.index_cast %swap3A_812 : i32 to index
      %swap3A_815 = arith.constant 0 : index
      %swap3A_816 = tpu.vector_load %arg7[%swap3A_813, %swap3A_814, %swap3A_815] {strides = array<i32>} : memref<8x2x32xf32, #tpu.memory_space<vmem>>, vector<16xf32>,
      tpu.vector_store %arg7[%swap3A_813, %swap3A_814, %swap3A_815], %gather3A_803 {strides = array<i32>} : memref<8x2x32xf32, #tpu.memory_space<vmem>>, vector<16xf32>,
      %swap3A_817 = arith.constant 2 : i32
      %swap3A_818 = arith.constant 1 : i32
      %swap3A_819 = arith.index_cast %swap3A_817 : i32 to index
      %swap3A_820 = arith.index_cast %swap3A_818 : i32 to index
      %swap3A_821 = arith.constant 16 : index
      %swap3A_822 = tpu.vector_load %arg7[%swap3A_819, %swap3A_820, %swap3A_821] {strides = array<i32>} : memref<8x2x32xf32, #tpu.memory_space<vmem>>, vector<16xf32>,
      tpu.vector_store %arg7[%swap3A_819, %swap3A_820, %swap3A_821], %gather3A_810 {strides = array<i32>} : memref<8x2x32xf32, #tpu.memory_space<vmem>>, vector<16xf32>,
      %mul3A_823 = arith.constant 2 : i32
      %mul3A_824 = arith.muli %add3A_716, %mul3A_823 : i32
      %add3A_825 = arith.addi %mul3A_2, %mul3A_824 : i32
      %dma_start3A_826 = arith.constant 2 : i32
      %dma_start3A_827 = arith.constant 0 : i32
      %dma_start3A_828 = arith.constant 0 : i32
      %dma_start3A_829 = tpu.memref_slice %arg7[%dma_start3A_826, %dma_start3A_827, %dma_start3A_828] : memref<8x2x32xf32, #tpu.memory_space<vmem>> -> memref<1x2x32xf32, #tpu.memory_space<vmem>>
      %dma_start3A_830 = tpu.memref_squeeze %dma_start3A_829 : memref<1x2x32xf32, #tpu.memory_space<vmem>> -> memref<2x32xf32, #tpu.memory_space<vmem>>
      %dma_start3A_831 = arith.constant 0 : i32
      %dma_start3A_832 = tpu.memref_slice %arg4[%add3A_825, %dma_start3A_831] : memref<16384x32xf32, #tpu.memory_space<hbm>> -> memref<2x32xf32, #tpu.memory_space<hbm>>
      %dma_start3A_833 = arith.constant 0 : i32
      %dma_start3A_834 = tpu.memref_slice %arg4[%add3A_825, %dma_start3A_833] : memref<16384x32xf32, #tpu.memory_space<hbm>> -> memref<2x32xf32, #tpu.memory_space<hbm>>
      %dma_start3A_835 = arith.constant 0 : i32
      %dma_start3A_836 = arith.constant 0 : i32
      %dma_start3A_837 = tpu.memref_slice %arg7[%dma_start3A_826, %dma_start3A_835, %dma_start3A_836] : memref<8x2x32xf32, #tpu.memory_space<vmem>> -> memref<1x2x32xf32, #tpu.memory_space<vmem>>
      %dma_start3A_838 = tpu.memref_squeeze %dma_start3A_837 : memref<1x2x32xf32, #tpu.memory_space<vmem>> -> memref<2x32xf32, #tpu.memory_space<vmem>>
      tpu.enqueue_dma source(%dma_start3A_838 : memref<2x32xf32, #tpu.memory_space<vmem>>) target(%dma_start3A_834 : memref<2x32xf32, #tpu.memory_space<hbm>>) target_semaphore(%arg18 : memref<!tpu.dma_semaphore, #tpu.memory_space<semaphore_mem>>)
      %lt3A_839 = arith.constant 31 : i32
      %lt3A_840 = arith.cmpi slt, %scan3A_458, %lt3A_839 : i32
      %convert_element_type3A_841 = arith.extui %lt3A_840 : i1 to i32
      %cond3A_842 = arith.constant 0 : i32
      %cond3A_843 = arith.cmpi ne, %convert_element_type3A_841, %cond3A_842 : i32
      scf.if %cond3A_843 {
        %add3A_1499 = arith.constant 8 : i32
        %add3A_1500 = arith.addi %add3A_716, %add3A_1499 : i32
        %mul3A_1501 = arith.constant 2 : i32
        %mul3A_1502 = arith.muli %add3A_1500, %mul3A_1501 : i32
        %get3A_1503 = arith.index_cast %mul3A_1502 : i32 to index
        %get3A_1504 = tpu.vector_load %arg5[%get3A_1503] {strides = array<i32>} : memref<528xi32, #tpu.memory_space<vmem>>, vector<16xi32>,
        %shift_right_arithmetic3A_1505 = arith.constant 7 : i32
        %shift_right_arithmetic3A_1506 = vector.broadcast %shift_right_arithmetic3A_1505 : i32 to vector<16xi32>
        %shift_right_arithmetic3A_1507 = arith.shrsi %get3A_1504, %shift_right_arithmetic3A_1506 : vector<16xi32>
        %shift_left3A_1508 = arith.constant 7 : i32
        %shift_left3A_1509 = vector.broadcast %shift_left3A_1508 : i32 to vector<16xi32>
        %shift_left3A_1510 = arith.shli %shift_right_arithmetic3A_1507, %shift_left3A_1509 : vector<16xi32>
        %slice3A_1511 = vector.extract_strided_slice %shift_left3A_1510 {offsets = [0], sizes = [1], strides = [1]} : vector<16xi32> to vector<1xi32>
        %squeeze3A_1512 = vector.extract %slice3A_1511[0] : i32 from vector<1xi32>
        %multiple_of3A_1513 = tpu.assume_multiple %squeeze3A_1512, 128 : i32
        %dma_start3A_1514 = arith.constant 2 : i32
        %dma_start3A_1515 = arith.constant 0 : i32
        %dma_start3A_1516 = arith.constant 0 : i32
        %dma_start3A_1517 = arith.constant 0 : i32
        %dma_start3A_1518 = tpu.memref_slice %arg6[%dma_start3A_1514, %dma_start3A_1515, %dma_start3A_1516, %dma_start3A_1517] : memref<8x2x32x128xf32, #tpu.memory_space<vmem>> -> memref<1x1x32x128xf32, #tpu.memory_space<vmem>>
        %dma_start3A_1519 = tpu.memref_squeeze %dma_start3A_1518 : memref<1x1x32x128xf32, #tpu.memory_space<vmem>> -> memref<32x128xf32, #tpu.memory_space<vmem>>
        %dma_start3A_1520 = arith.constant 0 : i32
        %dma_start3A_1521 = tpu.memref_slice %arg2[%dma_start3A_1520, %multiple_of3A_1513] : memref<32x1000000xf32, #tpu.memory_space<hbm>> -> memref<32x128xf32, #tpu.memory_space<hbm>>
        %dma_start3A_1522 = arith.constant 0 : i32
        %dma_start3A_1523 = arith.constant 0 : i32
        %dma_start3A_1524 = tpu.memref_slice %arg6[%dma_start3A_1514, %dma_start3A_1515, %dma_start3A_1522, %dma_start3A_1523] : memref<8x2x32x128xf32, #tpu.memory_space<vmem>> -> memref<1x1x32x128xf32, #tpu.memory_space<vmem>>
        %dma_start3A_1525 = tpu.memref_squeeze %dma_start3A_1524 : memref<1x1x32x128xf32, #tpu.memory_space<vmem>> -> memref<32x128xf32, #tpu.memory_space<vmem>>
        %dma_start3A_1526 = arith.constant 0 : i32
        %dma_start3A_1527 = tpu.memref_slice %arg2[%dma_start3A_1526, %multiple_of3A_1513] : memref<32x1000000xf32, #tpu.memory_space<hbm>> -> memref<32x128xf32, #tpu.memory_space<hbm>>
        tpu.enqueue_dma source(%dma_start3A_1527 : memref<32x128xf32, #tpu.memory_space<hbm>>) target(%dma_start3A_1525 : memref<32x128xf32, #tpu.memory_space<vmem>>) target_semaphore(%arg10 : memref<!tpu.dma_semaphore, #tpu.memory_space<semaphore_mem>>)
        %slice3A_1528 = vector.extract_strided_slice %shift_left3A_1510 {offsets = [1], sizes = [1], strides = [1]} : vector<16xi32> to vector<1xi32>
        %squeeze3A_1529 = vector.extract %slice3A_1528[0] : i32 from vector<1xi32>
        %multiple_of3A_1530 = tpu.assume_multiple %squeeze3A_1529, 128 : i32
        %dma_start3A_1531 = arith.constant 2 : i32
        %dma_start3A_1532 = arith.constant 1 : i32
        %dma_start3A_1533 = arith.constant 0 : i32
        %dma_start3A_1534 = arith.constant 0 : i32
        %dma_start3A_1535 = tpu.memref_slice %arg6[%dma_start3A_1531, %dma_start3A_1532, %dma_start3A_1533, %dma_start3A_1534] : memref<8x2x32x128xf32, #tpu.memory_space<vmem>> -> memref<1x1x32x128xf32, #tpu.memory_space<vmem>>
        %dma_start3A_1536 = tpu.memref_squeeze %dma_start3A_1535 : memref<1x1x32x128xf32, #tpu.memory_space<vmem>> -> memref<32x128xf32, #tpu.memory_space<vmem>>
        %dma_start3A_1537 = arith.constant 0 : i32
        %dma_start3A_1538 = tpu.memref_slice %arg2[%dma_start3A_1537, %multiple_of3A_1530] : memref<32x1000000xf32, #tpu.memory_space<hbm>> -> memref<32x128xf32, #tpu.memory_space<hbm>>
        %dma_start3A_1539 = arith.constant 0 : i32
        %dma_start3A_1540 = arith.constant 0 : i32
        %dma_start3A_1541 = tpu.memref_slice %arg6[%dma_start3A_1531, %dma_start3A_1532, %dma_start3A_1539, %dma_start3A_1540] : memref<8x2x32x128xf32, #tpu.memory_space<vmem>> -> memref<1x1x32x128xf32, #tpu.memory_space<vmem>>
        %dma_start3A_1542 = tpu.memref_squeeze %dma_start3A_1541 : memref<1x1x32x128xf32, #tpu.memory_space<vmem>> -> memref<32x128xf32, #tpu.memory_space<vmem>>
        %dma_start3A_1543 = arith.constant 0 : i32
        %dma_start3A_1544 = tpu.memref_slice %arg2[%dma_start3A_1543, %multiple_of3A_1530] : memref<32x1000000xf32, #tpu.memory_space<hbm>> -> memref<32x128xf32, #tpu.memory_space<hbm>>
        tpu.enqueue_dma source(%dma_start3A_1544 : memref<32x128xf32, #tpu.memory_space<hbm>>) target(%dma_start3A_1542 : memref<32x128xf32, #tpu.memory_space<vmem>>) target_semaphore(%arg10 : memref<!tpu.dma_semaphore, #tpu.memory_space<semaphore_mem>>)
      } else {
      }
      %mul3A_844 = arith.constant 8 : i32
      %mul3A_845 = arith.muli %scan3A_458, %mul3A_844 : i32
      %add3A_846 = arith.constant 3 : i32
      %add3A_847 = arith.addi %mul3A_845, %add3A_846 : i32
      %dma_wait3A_848 = arith.constant 3 : i32
      %dma_wait3A_849 = arith.constant 0 : i32
      %dma_wait3A_850 = arith.constant 0 : i32
      %dma_wait3A_851 = arith.constant 0 : i32
      %dma_wait3A_852 = tpu.memref_slice %arg6[%dma_wait3A_848, %dma_wait3A_849, %dma_wait3A_850, %dma_wait3A_851] : memref<8x2x32x128xf32, #tpu.memory_space<vmem>> -> memref<1x1x32x128xf32, #tpu.memory_space<vmem>>
      %dma_wait3A_853 = tpu.memref_squeeze %dma_wait3A_852 : memref<1x1x32x128xf32, #tpu.memory_space<vmem>> -> memref<32x128xf32, #tpu.memory_space<vmem>>
      %dma_wait3A_854 = arith.constant 0 : i32
      %dma_wait3A_855 = arith.constant 0 : i32
      %dma_wait3A_856 = tpu.memref_slice %arg2[%dma_wait3A_854, %dma_wait3A_855] : memref<32x1000000xf32, #tpu.memory_space<hbm>> -> memref<32x128xf32, #tpu.memory_space<hbm>>
      %dma_wait3A_857 = arith.constant 0 : i32
      %dma_wait3A_858 = arith.constant 0 : i32
      %dma_wait3A_859 = tpu.memref_slice %arg6[%dma_wait3A_848, %dma_wait3A_849, %dma_wait3A_857, %dma_wait3A_858] : memref<8x2x32x128xf32, #tpu.memory_space<vmem>> -> memref<1x1x32x128xf32, #tpu.memory_space<vmem>>
      %dma_wait3A_860 = tpu.memref_squeeze %dma_wait3A_859 : memref<1x1x32x128xf32, #tpu.memory_space<vmem>> -> memref<32x128xf32, #tpu.memory_space<vmem>>
      %dma_wait3A_861 = arith.constant 0 : i32
      %dma_wait3A_862 = arith.constant 0 : i32
      %dma_wait3A_863 = tpu.memref_slice %arg2[%dma_wait3A_861, %dma_wait3A_862] : memref<32x1000000xf32, #tpu.memory_space<hbm>> -> memref<32x128xf32, #tpu.memory_space<hbm>>
      tpu.wait_dma2 semaphore(%arg11 : memref<!tpu.dma_semaphore, #tpu.memory_space<semaphore_mem>>) src(%dma_wait3A_863 : memref<32x128xf32, #tpu.memory_space<hbm>>) dst(%dma_wait3A_860 : memref<32x128xf32, #tpu.memory_space<vmem>>)
      %dma_wait3A_864 = arith.constant 3 : i32
      %dma_wait3A_865 = arith.constant 1 : i32
      %dma_wait3A_866 = arith.constant 0 : i32
      %dma_wait3A_867 = arith.constant 0 : i32
      %dma_wait3A_868 = tpu.memref_slice %arg6[%dma_wait3A_864, %dma_wait3A_865, %dma_wait3A_866, %dma_wait3A_867] : memref<8x2x32x128xf32, #tpu.memory_space<vmem>> -> memref<1x1x32x128xf32, #tpu.memory_space<vmem>>
      %dma_wait3A_869 = tpu.memref_squeeze %dma_wait3A_868 : memref<1x1x32x128xf32, #tpu.memory_space<vmem>> -> memref<32x128xf32, #tpu.memory_space<vmem>>
      %dma_wait3A_870 = arith.constant 0 : i32
      %dma_wait3A_871 = arith.constant 0 : i32
      %dma_wait3A_872 = tpu.memref_slice %arg2[%dma_wait3A_870, %dma_wait3A_871] : memref<32x1000000xf32, #tpu.memory_space<hbm>> -> memref<32x128xf32, #tpu.memory_space<hbm>>
      %dma_wait3A_873 = arith.constant 0 : i32
      %dma_wait3A_874 = arith.constant 0 : i32
      %dma_wait3A_875 = tpu.memref_slice %arg6[%dma_wait3A_864, %dma_wait3A_865, %dma_wait3A_873, %dma_wait3A_874] : memref<8x2x32x128xf32, #tpu.memory_space<vmem>> -> memref<1x1x32x128xf32, #tpu.memory_space<vmem>>
      %dma_wait3A_876 = tpu.memref_squeeze %dma_wait3A_875 : memref<1x1x32x128xf32, #tpu.memory_space<vmem>> -> memref<32x128xf32, #tpu.memory_space<vmem>>
      %dma_wait3A_877 = arith.constant 0 : i32
      %dma_wait3A_878 = arith.constant 0 : i32
      %dma_wait3A_879 = tpu.memref_slice %arg2[%dma_wait3A_877, %dma_wait3A_878] : memref<32x1000000xf32, #tpu.memory_space<hbm>> -> memref<32x128xf32, #tpu.memory_space<hbm>>
      tpu.wait_dma2 semaphore(%arg11 : memref<!tpu.dma_semaphore, #tpu.memory_space<semaphore_mem>>) src(%dma_wait3A_879 : memref<32x128xf32, #tpu.memory_space<hbm>>) dst(%dma_wait3A_876 : memref<32x128xf32, #tpu.memory_space<vmem>>)
      %ge3A_880 = arith.constant 1 : i32
      %ge3A_881 = arith.cmpi sge, %scan3A_458, %ge3A_880 : i32
      %convert_element_type3A_882 = arith.extui %ge3A_881 : i1 to i32
      %cond3A_883 = arith.constant 0 : i32
      %cond3A_884 = arith.cmpi ne, %convert_element_type3A_882, %cond3A_883 : i32
      scf.if %cond3A_884 {
        %sub3A = arith.constant 8 : i32
        %sub3A_1499 = arith.subi %add3A_847, %sub3A : i32
        %mul3A_1500 = arith.constant 2 : i32
        %mul3A_1501 = arith.muli %sub3A_1499, %mul3A_1500 : i32
        %dma_wait3A_1502 = arith.constant 3 : i32
        %dma_wait3A_1503 = arith.constant 0 : i32
        %dma_wait3A_1504 = arith.constant 0 : i32
        %dma_wait3A_1505 = tpu.memref_slice %arg7[%dma_wait3A_1502, %dma_wait3A_1503, %dma_wait3A_1504] : memref<8x2x32xf32, #tpu.memory_space<vmem>> -> memref<1x2x32xf32, #tpu.memory_space<vmem>>
        %dma_wait3A_1506 = tpu.memref_squeeze %dma_wait3A_1505 : memref<1x2x32xf32, #tpu.memory_space<vmem>> -> memref<2x32xf32, #tpu.memory_space<vmem>>
        %dma_wait3A_1507 = arith.constant 0 : i32
        %dma_wait3A_1508 = tpu.memref_slice %arg4[%mul3A_1501, %dma_wait3A_1507] : memref<16384x32xf32, #tpu.memory_space<hbm>> -> memref<2x32xf32, #tpu.memory_space<hbm>>
        %dma_wait3A_1509 = arith.constant 0 : i32
        %dma_wait3A_1510 = tpu.memref_slice %arg4[%mul3A_1501, %dma_wait3A_1509] : memref<16384x32xf32, #tpu.memory_space<hbm>> -> memref<2x32xf32, #tpu.memory_space<hbm>>
        %dma_wait3A_1511 = arith.constant 0 : i32
        %dma_wait3A_1512 = arith.constant 0 : i32
        %dma_wait3A_1513 = tpu.memref_slice %arg7[%dma_wait3A_1502, %dma_wait3A_1511, %dma_wait3A_1512] : memref<8x2x32xf32, #tpu.memory_space<vmem>> -> memref<1x2x32xf32, #tpu.memory_space<vmem>>
        %dma_wait3A_1514 = tpu.memref_squeeze %dma_wait3A_1513 : memref<1x2x32xf32, #tpu.memory_space<vmem>> -> memref<2x32xf32, #tpu.memory_space<vmem>>
        tpu.wait_dma2 semaphore(%arg19 : memref<!tpu.dma_semaphore, #tpu.memory_space<semaphore_mem>>) src(%dma_wait3A_1514 : memref<2x32xf32, #tpu.memory_space<vmem>>) dst(%dma_wait3A_1510 : memref<2x32xf32, #tpu.memory_space<hbm>>)
      } else {
      }
      %mul3A_885 = arith.constant 2 : i32
      %mul3A_886 = arith.muli %add3A_847, %mul3A_885 : i32
      %get3A_887 = arith.index_cast %mul3A_886 : i32 to index
      %get3A_888 = tpu.vector_load %arg5[%get3A_887] {strides = array<i32>} : memref<528xi32, #tpu.memory_space<vmem>>, vector<16xi32>,
      %and3A_889 = arith.constant 127 : i32
      %and3A_890 = vector.broadcast %and3A_889 : i32 to vector<16xi32>
      %and3A_891 = arith.andi %get3A_888, %and3A_890 : vector<16xi32>
      %broadcast_in_dim3A_892 = arith.constant 0 : i32
      %broadcast_in_dim3A_893 = vector.broadcast %broadcast_in_dim3A_892 : i32 to vector<16xi32>
      %slice3A_894 = vector.extract_strided_slice %and3A_891 {offsets = [0], sizes = [1], strides = [1]} : vector<16xi32> to vector<1xi32>
      %squeeze3A_895 = vector.extract %slice3A_894[0] : i32 from vector<1xi32>
      %broadcast_in_dim3A_896 = vector.broadcast %squeeze3A_895 : i32 to vector<16xi32>
      %gather3A_897 = arith.constant 3 : i32
      %gather3A_898 = arith.constant 0 : i32
      %gather3A_899 = arith.constant 0 : i32
      %gather3A_900 = arith.constant 0 : i32
      %gather3A_901 = tpu.memref_slice %arg6[%gather3A_897, %gather3A_898, %gather3A_899, %gather3A_900] : memref<8x2x32x128xf32, #tpu.memory_space<vmem>> -> memref<1x2x32x128xf32, #tpu.memory_space<vmem>>
      %gather3A_902 = tpu.memref_squeeze %gather3A_901 : memref<1x2x32x128xf32, #tpu.memory_space<vmem>> -> memref<2x32x128xf32, #tpu.memory_space<vmem>>
      %gather3A_903 = tpu.vector_load_idx %gather3A_902[%broadcast_in_dim3A_893, %iota3A, %broadcast_in_dim3A_896] : memref<2x32x128xf32, #tpu.memory_space<vmem>>[vector<16xi32>, vector<16xi32>, vector<16xi32>], vector<16xf32>,
      %gather3A_904 = arith.constant 3 : i32
      %gather3A_905 = arith.constant 0 : i32
      %gather3A_906 = arith.constant 0 : i32
      %gather3A_907 = arith.constant 0 : i32
      %gather3A_908 = tpu.memref_slice %arg6[%gather3A_904, %gather3A_905, %gather3A_906, %gather3A_907] : memref<8x2x32x128xf32, #tpu.memory_space<vmem>> -> memref<1x2x32x128xf32, #tpu.memory_space<vmem>>
      %gather3A_909 = tpu.memref_squeeze %gather3A_908 : memref<1x2x32x128xf32, #tpu.memory_space<vmem>> -> memref<2x32x128xf32, #tpu.memory_space<vmem>>
      %gather3A_910 = tpu.vector_load_idx %gather3A_909[%broadcast_in_dim3A_893, %add3A_5, %broadcast_in_dim3A_896] : memref<2x32x128xf32, #tpu.memory_space<vmem>>[vector<16xi32>, vector<16xi32>, vector<16xi32>], vector<16xf32>,
      %swap3A_911 = arith.constant 3 : i32
      %swap3A_912 = arith.constant 0 : i32
      %swap3A_913 = arith.index_cast %swap3A_911 : i32 to index
      %swap3A_914 = arith.index_cast %swap3A_912 : i32 to index
      %swap3A_915 = arith.constant 0 : index
      %swap3A_916 = tpu.vector_load %arg7[%swap3A_913, %swap3A_914, %swap3A_915] {strides = array<i32>} : memref<8x2x32xf32, #tpu.memory_space<vmem>>, vector<16xf32>,
      tpu.vector_store %arg7[%swap3A_913, %swap3A_914, %swap3A_915], %gather3A_903 {strides = array<i32>} : memref<8x2x32xf32, #tpu.memory_space<vmem>>, vector<16xf32>,
      %swap3A_917 = arith.constant 3 : i32
      %swap3A_918 = arith.constant 0 : i32
      %swap3A_919 = arith.index_cast %swap3A_917 : i32 to index
      %swap3A_920 = arith.index_cast %swap3A_918 : i32 to index
      %swap3A_921 = arith.constant 16 : index
      %swap3A_922 = tpu.vector_load %arg7[%swap3A_919, %swap3A_920, %swap3A_921] {strides = array<i32>} : memref<8x2x32xf32, #tpu.memory_space<vmem>>, vector<16xf32>,
      tpu.vector_store %arg7[%swap3A_919, %swap3A_920, %swap3A_921], %gather3A_910 {strides = array<i32>} : memref<8x2x32xf32, #tpu.memory_space<vmem>>, vector<16xf32>,
      %broadcast_in_dim3A_923 = arith.constant 1 : i32
      %broadcast_in_dim3A_924 = vector.broadcast %broadcast_in_dim3A_923 : i32 to vector<16xi32>
      %slice3A_925 = vector.extract_strided_slice %and3A_891 {offsets = [1], sizes = [1], strides = [1]} : vector<16xi32> to vector<1xi32>
      %squeeze3A_926 = vector.extract %slice3A_925[0] : i32 from vector<1xi32>
      %broadcast_in_dim3A_927 = vector.broadcast %squeeze3A_926 : i32 to vector<16xi32>
      %gather3A_928 = arith.constant 3 : i32
      %gather3A_929 = arith.constant 0 : i32
      %gather3A_930 = arith.constant 0 : i32
      %gather3A_931 = arith.constant 0 : i32
      %gather3A_932 = tpu.memref_slice %arg6[%gather3A_928, %gather3A_929, %gather3A_930, %gather3A_931] : memref<8x2x32x128xf32, #tpu.memory_space<vmem>> -> memref<1x2x32x128xf32, #tpu.memory_space<vmem>>
      %gather3A_933 = tpu.memref_squeeze %gather3A_932 : memref<1x2x32x128xf32, #tpu.memory_space<vmem>> -> memref<2x32x128xf32, #tpu.memory_space<vmem>>
      %gather3A_934 = tpu.vector_load_idx %gather3A_933[%broadcast_in_dim3A_924, %iota3A, %broadcast_in_dim3A_927] : memref<2x32x128xf32, #tpu.memory_space<vmem>>[vector<16xi32>, vector<16xi32>, vector<16xi32>], vector<16xf32>,
      %gather3A_935 = arith.constant 3 : i32
      %gather3A_936 = arith.constant 0 : i32
      %gather3A_937 = arith.constant 0 : i32
      %gather3A_938 = arith.constant 0 : i32
      %gather3A_939 = tpu.memref_slice %arg6[%gather3A_935, %gather3A_936, %gather3A_937, %gather3A_938] : memref<8x2x32x128xf32, #tpu.memory_space<vmem>> -> memref<1x2x32x128xf32, #tpu.memory_space<vmem>>
      %gather3A_940 = tpu.memref_squeeze %gather3A_939 : memref<1x2x32x128xf32, #tpu.memory_space<vmem>> -> memref<2x32x128xf32, #tpu.memory_space<vmem>>
      %gather3A_941 = tpu.vector_load_idx %gather3A_940[%broadcast_in_dim3A_924, %add3A_5, %broadcast_in_dim3A_927] : memref<2x32x128xf32, #tpu.memory_space<vmem>>[vector<16xi32>, vector<16xi32>, vector<16xi32>], vector<16xf32>,
      %swap3A_942 = arith.constant 3 : i32
      %swap3A_943 = arith.constant 1 : i32
      %swap3A_944 = arith.index_cast %swap3A_942 : i32 to index
      %swap3A_945 = arith.index_cast %swap3A_943 : i32 to index
      %swap3A_946 = arith.constant 0 : index
      %swap3A_947 = tpu.vector_load %arg7[%swap3A_944, %swap3A_945, %swap3A_946] {strides = array<i32>} : memref<8x2x32xf32, #tpu.memory_space<vmem>>, vector<16xf32>,
      tpu.vector_store %arg7[%swap3A_944, %swap3A_945, %swap3A_946], %gather3A_934 {strides = array<i32>} : memref<8x2x32xf32, #tpu.memory_space<vmem>>, vector<16xf32>,
      %swap3A_948 = arith.constant 3 : i32
      %swap3A_949 = arith.constant 1 : i32
      %swap3A_950 = arith.index_cast %swap3A_948 : i32 to index
      %swap3A_951 = arith.index_cast %swap3A_949 : i32 to index
      %swap3A_952 = arith.constant 16 : index
      %swap3A_953 = tpu.vector_load %arg7[%swap3A_950, %swap3A_951, %swap3A_952] {strides = array<i32>} : memref<8x2x32xf32, #tpu.memory_space<vmem>>, vector<16xf32>,
      tpu.vector_store %arg7[%swap3A_950, %swap3A_951, %swap3A_952], %gather3A_941 {strides = array<i32>} : memref<8x2x32xf32, #tpu.memory_space<vmem>>, vector<16xf32>,
      %mul3A_954 = arith.constant 2 : i32
      %mul3A_955 = arith.muli %add3A_847, %mul3A_954 : i32
      %add3A_956 = arith.addi %mul3A_2, %mul3A_955 : i32
      %dma_start3A_957 = arith.constant 3 : i32
      %dma_start3A_958 = arith.constant 0 : i32
      %dma_start3A_959 = arith.constant 0 : i32
      %dma_start3A_960 = tpu.memref_slice %arg7[%dma_start3A_957, %dma_start3A_958, %dma_start3A_959] : memref<8x2x32xf32, #tpu.memory_space<vmem>> -> memref<1x2x32xf32, #tpu.memory_space<vmem>>
      %dma_start3A_961 = tpu.memref_squeeze %dma_start3A_960 : memref<1x2x32xf32, #tpu.memory_space<vmem>> -> memref<2x32xf32, #tpu.memory_space<vmem>>
      %dma_start3A_962 = arith.constant 0 : i32
      %dma_start3A_963 = tpu.memref_slice %arg4[%add3A_956, %dma_start3A_962] : memref<16384x32xf32, #tpu.memory_space<hbm>> -> memref<2x32xf32, #tpu.memory_space<hbm>>
      %dma_start3A_964 = arith.constant 0 : i32
      %dma_start3A_965 = tpu.memref_slice %arg4[%add3A_956, %dma_start3A_964] : memref<16384x32xf32, #tpu.memory_space<hbm>> -> memref<2x32xf32, #tpu.memory_space<hbm>>
      %dma_start3A_966 = arith.constant 0 : i32
      %dma_start3A_967 = arith.constant 0 : i32
      %dma_start3A_968 = tpu.memref_slice %arg7[%dma_start3A_957, %dma_start3A_966, %dma_start3A_967] : memref<8x2x32xf32, #tpu.memory_space<vmem>> -> memref<1x2x32xf32, #tpu.memory_space<vmem>>
      %dma_start3A_969 = tpu.memref_squeeze %dma_start3A_968 : memref<1x2x32xf32, #tpu.memory_space<vmem>> -> memref<2x32xf32, #tpu.memory_space<vmem>>
      tpu.enqueue_dma source(%dma_start3A_969 : memref<2x32xf32, #tpu.memory_space<vmem>>) target(%dma_start3A_965 : memref<2x32xf32, #tpu.memory_space<hbm>>) target_semaphore(%arg19 : memref<!tpu.dma_semaphore, #tpu.memory_space<semaphore_mem>>)
      %lt3A_970 = arith.constant 31 : i32
      %lt3A_971 = arith.cmpi slt, %scan3A_458, %lt3A_970 : i32
      %convert_element_type3A_972 = arith.extui %lt3A_971 : i1 to i32
      %cond3A_973 = arith.constant 0 : i32
      %cond3A_974 = arith.cmpi ne, %convert_element_type3A_972, %cond3A_973 : i32
      scf.if %cond3A_974 {
        %add3A_1499 = arith.constant 8 : i32
        %add3A_1500 = arith.addi %add3A_847, %add3A_1499 : i32
        %mul3A_1501 = arith.constant 2 : i32
        %mul3A_1502 = arith.muli %add3A_1500, %mul3A_1501 : i32
        %get3A_1503 = arith.index_cast %mul3A_1502 : i32 to index
        %get3A_1504 = tpu.vector_load %arg5[%get3A_1503] {strides = array<i32>} : memref<528xi32, #tpu.memory_space<vmem>>, vector<16xi32>,
        %shift_right_arithmetic3A_1505 = arith.constant 7 : i32
        %shift_right_arithmetic3A_1506 = vector.broadcast %shift_right_arithmetic3A_1505 : i32 to vector<16xi32>
        %shift_right_arithmetic3A_1507 = arith.shrsi %get3A_1504, %shift_right_arithmetic3A_1506 : vector<16xi32>
        %shift_left3A_1508 = arith.constant 7 : i32
        %shift_left3A_1509 = vector.broadcast %shift_left3A_1508 : i32 to vector<16xi32>
        %shift_left3A_1510 = arith.shli %shift_right_arithmetic3A_1507, %shift_left3A_1509 : vector<16xi32>
        %slice3A_1511 = vector.extract_strided_slice %shift_left3A_1510 {offsets = [0], sizes = [1], strides = [1]} : vector<16xi32> to vector<1xi32>
        %squeeze3A_1512 = vector.extract %slice3A_1511[0] : i32 from vector<1xi32>
        %multiple_of3A_1513 = tpu.assume_multiple %squeeze3A_1512, 128 : i32
        %dma_start3A_1514 = arith.constant 3 : i32
        %dma_start3A_1515 = arith.constant 0 : i32
        %dma_start3A_1516 = arith.constant 0 : i32
        %dma_start3A_1517 = arith.constant 0 : i32
        %dma_start3A_1518 = tpu.memref_slice %arg6[%dma_start3A_1514, %dma_start3A_1515, %dma_start3A_1516, %dma_start3A_1517] : memref<8x2x32x128xf32, #tpu.memory_space<vmem>> -> memref<1x1x32x128xf32, #tpu.memory_space<vmem>>
        %dma_start3A_1519 = tpu.memref_squeeze %dma_start3A_1518 : memref<1x1x32x128xf32, #tpu.memory_space<vmem>> -> memref<32x128xf32, #tpu.memory_space<vmem>>
        %dma_start3A_1520 = arith.constant 0 : i32
        %dma_start3A_1521 = tpu.memref_slice %arg2[%dma_start3A_1520, %multiple_of3A_1513] : memref<32x1000000xf32, #tpu.memory_space<hbm>> -> memref<32x128xf32, #tpu.memory_space<hbm>>
        %dma_start3A_1522 = arith.constant 0 : i32
        %dma_start3A_1523 = arith.constant 0 : i32
        %dma_start3A_1524 = tpu.memref_slice %arg6[%dma_start3A_1514, %dma_start3A_1515, %dma_start3A_1522, %dma_start3A_1523] : memref<8x2x32x128xf32, #tpu.memory_space<vmem>> -> memref<1x1x32x128xf32, #tpu.memory_space<vmem>>
        %dma_start3A_1525 = tpu.memref_squeeze %dma_start3A_1524 : memref<1x1x32x128xf32, #tpu.memory_space<vmem>> -> memref<32x128xf32, #tpu.memory_space<vmem>>
        %dma_start3A_1526 = arith.constant 0 : i32
        %dma_start3A_1527 = tpu.memref_slice %arg2[%dma_start3A_1526, %multiple_of3A_1513] : memref<32x1000000xf32, #tpu.memory_space<hbm>> -> memref<32x128xf32, #tpu.memory_space<hbm>>
        tpu.enqueue_dma source(%dma_start3A_1527 : memref<32x128xf32, #tpu.memory_space<hbm>>) target(%dma_start3A_1525 : memref<32x128xf32, #tpu.memory_space<vmem>>) target_semaphore(%arg11 : memref<!tpu.dma_semaphore, #tpu.memory_space<semaphore_mem>>)
        %slice3A_1528 = vector.extract_strided_slice %shift_left3A_1510 {offsets = [1], sizes = [1], strides = [1]} : vector<16xi32> to vector<1xi32>
        %squeeze3A_1529 = vector.extract %slice3A_1528[0] : i32 from vector<1xi32>
        %multiple_of3A_1530 = tpu.assume_multiple %squeeze3A_1529, 128 : i32
        %dma_start3A_1531 = arith.constant 3 : i32
        %dma_start3A_1532 = arith.constant 1 : i32
        %dma_start3A_1533 = arith.constant 0 : i32
        %dma_start3A_1534 = arith.constant 0 : i32
        %dma_start3A_1535 = tpu.memref_slice %arg6[%dma_start3A_1531, %dma_start3A_1532, %dma_start3A_1533, %dma_start3A_1534] : memref<8x2x32x128xf32, #tpu.memory_space<vmem>> -> memref<1x1x32x128xf32, #tpu.memory_space<vmem>>
        %dma_start3A_1536 = tpu.memref_squeeze %dma_start3A_1535 : memref<1x1x32x128xf32, #tpu.memory_space<vmem>> -> memref<32x128xf32, #tpu.memory_space<vmem>>
        %dma_start3A_1537 = arith.constant 0 : i32
        %dma_start3A_1538 = tpu.memref_slice %arg2[%dma_start3A_1537, %multiple_of3A_1530] : memref<32x1000000xf32, #tpu.memory_space<hbm>> -> memref<32x128xf32, #tpu.memory_space<hbm>>
        %dma_start3A_1539 = arith.constant 0 : i32
        %dma_start3A_1540 = arith.constant 0 : i32
        %dma_start3A_1541 = tpu.memref_slice %arg6[%dma_start3A_1531, %dma_start3A_1532, %dma_start3A_1539, %dma_start3A_1540] : memref<8x2x32x128xf32, #tpu.memory_space<vmem>> -> memref<1x1x32x128xf32, #tpu.memory_space<vmem>>
        %dma_start3A_1542 = tpu.memref_squeeze %dma_start3A_1541 : memref<1x1x32x128xf32, #tpu.memory_space<vmem>> -> memref<32x128xf32, #tpu.memory_space<vmem>>
        %dma_start3A_1543 = arith.constant 0 : i32
        %dma_start3A_1544 = tpu.memref_slice %arg2[%dma_start3A_1543, %multiple_of3A_1530] : memref<32x1000000xf32, #tpu.memory_space<hbm>> -> memref<32x128xf32, #tpu.memory_space<hbm>>
        tpu.enqueue_dma source(%dma_start3A_1544 : memref<32x128xf32, #tpu.memory_space<hbm>>) target(%dma_start3A_1542 : memref<32x128xf32, #tpu.memory_space<vmem>>) target_semaphore(%arg11 : memref<!tpu.dma_semaphore, #tpu.memory_space<semaphore_mem>>)
      } else {
      }
      %mul3A_975 = arith.constant 8 : i32
      %mul3A_976 = arith.muli %scan3A_458, %mul3A_975 : i32
      %add3A_977 = arith.constant 4 : i32
      %add3A_978 = arith.addi %mul3A_976, %add3A_977 : i32
      %dma_wait3A_979 = arith.constant 4 : i32
      %dma_wait3A_980 = arith.constant 0 : i32
      %dma_wait3A_981 = arith.constant 0 : i32
      %dma_wait3A_982 = arith.constant 0 : i32
      %dma_wait3A_983 = tpu.memref_slice %arg6[%dma_wait3A_979, %dma_wait3A_980, %dma_wait3A_981, %dma_wait3A_982] : memref<8x2x32x128xf32, #tpu.memory_space<vmem>> -> memref<1x1x32x128xf32, #tpu.memory_space<vmem>>
      %dma_wait3A_984 = tpu.memref_squeeze %dma_wait3A_983 : memref<1x1x32x128xf32, #tpu.memory_space<vmem>> -> memref<32x128xf32, #tpu.memory_space<vmem>>
      %dma_wait3A_985 = arith.constant 0 : i32
      %dma_wait3A_986 = arith.constant 0 : i32
      %dma_wait3A_987 = tpu.memref_slice %arg2[%dma_wait3A_985, %dma_wait3A_986] : memref<32x1000000xf32, #tpu.memory_space<hbm>> -> memref<32x128xf32, #tpu.memory_space<hbm>>
      %dma_wait3A_988 = arith.constant 0 : i32
      %dma_wait3A_989 = arith.constant 0 : i32
      %dma_wait3A_990 = tpu.memref_slice %arg6[%dma_wait3A_979, %dma_wait3A_980, %dma_wait3A_988, %dma_wait3A_989] : memref<8x2x32x128xf32, #tpu.memory_space<vmem>> -> memref<1x1x32x128xf32, #tpu.memory_space<vmem>>
      %dma_wait3A_991 = tpu.memref_squeeze %dma_wait3A_990 : memref<1x1x32x128xf32, #tpu.memory_space<vmem>> -> memref<32x128xf32, #tpu.memory_space<vmem>>
      %dma_wait3A_992 = arith.constant 0 : i32
      %dma_wait3A_993 = arith.constant 0 : i32
      %dma_wait3A_994 = tpu.memref_slice %arg2[%dma_wait3A_992, %dma_wait3A_993] : memref<32x1000000xf32, #tpu.memory_space<hbm>> -> memref<32x128xf32, #tpu.memory_space<hbm>>
      tpu.wait_dma2 semaphore(%arg12 : memref<!tpu.dma_semaphore, #tpu.memory_space<semaphore_mem>>) src(%dma_wait3A_994 : memref<32x128xf32, #tpu.memory_space<hbm>>) dst(%dma_wait3A_991 : memref<32x128xf32, #tpu.memory_space<vmem>>)
      %dma_wait3A_995 = arith.constant 4 : i32
      %dma_wait3A_996 = arith.constant 1 : i32
      %dma_wait3A_997 = arith.constant 0 : i32
      %dma_wait3A_998 = arith.constant 0 : i32
      %dma_wait3A_999 = tpu.memref_slice %arg6[%dma_wait3A_995, %dma_wait3A_996, %dma_wait3A_997, %dma_wait3A_998] : memref<8x2x32x128xf32, #tpu.memory_space<vmem>> -> memref<1x1x32x128xf32, #tpu.memory_space<vmem>>
      %dma_wait3A_1000 = tpu.memref_squeeze %dma_wait3A_999 : memref<1x1x32x128xf32, #tpu.memory_space<vmem>> -> memref<32x128xf32, #tpu.memory_space<vmem>>
      %dma_wait3A_1001 = arith.constant 0 : i32
      %dma_wait3A_1002 = arith.constant 0 : i32
      %dma_wait3A_1003 = tpu.memref_slice %arg2[%dma_wait3A_1001, %dma_wait3A_1002] : memref<32x1000000xf32, #tpu.memory_space<hbm>> -> memref<32x128xf32, #tpu.memory_space<hbm>>
      %dma_wait3A_1004 = arith.constant 0 : i32
      %dma_wait3A_1005 = arith.constant 0 : i32
      %dma_wait3A_1006 = tpu.memref_slice %arg6[%dma_wait3A_995, %dma_wait3A_996, %dma_wait3A_1004, %dma_wait3A_1005] : memref<8x2x32x128xf32, #tpu.memory_space<vmem>> -> memref<1x1x32x128xf32, #tpu.memory_space<vmem>>
      %dma_wait3A_1007 = tpu.memref_squeeze %dma_wait3A_1006 : memref<1x1x32x128xf32, #tpu.memory_space<vmem>> -> memref<32x128xf32, #tpu.memory_space<vmem>>
      %dma_wait3A_1008 = arith.constant 0 : i32
      %dma_wait3A_1009 = arith.constant 0 : i32
      %dma_wait3A_1010 = tpu.memref_slice %arg2[%dma_wait3A_1008, %dma_wait3A_1009] : memref<32x1000000xf32, #tpu.memory_space<hbm>> -> memref<32x128xf32, #tpu.memory_space<hbm>>
      tpu.wait_dma2 semaphore(%arg12 : memref<!tpu.dma_semaphore, #tpu.memory_space<semaphore_mem>>) src(%dma_wait3A_1010 : memref<32x128xf32, #tpu.memory_space<hbm>>) dst(%dma_wait3A_1007 : memref<32x128xf32, #tpu.memory_space<vmem>>)
      %ge3A_1011 = arith.constant 1 : i32
      %ge3A_1012 = arith.cmpi sge, %scan3A_458, %ge3A_1011 : i32
      %convert_element_type3A_1013 = arith.extui %ge3A_1012 : i1 to i32
      %cond3A_1014 = arith.constant 0 : i32
      %cond3A_1015 = arith.cmpi ne, %convert_element_type3A_1013, %cond3A_1014 : i32
      scf.if %cond3A_1015 {
        %sub3A = arith.constant 8 : i32
        %sub3A_1499 = arith.subi %add3A_978, %sub3A : i32
        %mul3A_1500 = arith.constant 2 : i32
        %mul3A_1501 = arith.muli %sub3A_1499, %mul3A_1500 : i32
        %dma_wait3A_1502 = arith.constant 4 : i32
        %dma_wait3A_1503 = arith.constant 0 : i32
        %dma_wait3A_1504 = arith.constant 0 : i32
        %dma_wait3A_1505 = tpu.memref_slice %arg7[%dma_wait3A_1502, %dma_wait3A_1503, %dma_wait3A_1504] : memref<8x2x32xf32, #tpu.memory_space<vmem>> -> memref<1x2x32xf32, #tpu.memory_space<vmem>>
        %dma_wait3A_1506 = tpu.memref_squeeze %dma_wait3A_1505 : memref<1x2x32xf32, #tpu.memory_space<vmem>> -> memref<2x32xf32, #tpu.memory_space<vmem>>
        %dma_wait3A_1507 = arith.constant 0 : i32
        %dma_wait3A_1508 = tpu.memref_slice %arg4[%mul3A_1501, %dma_wait3A_1507] : memref<16384x32xf32, #tpu.memory_space<hbm>> -> memref<2x32xf32, #tpu.memory_space<hbm>>
        %dma_wait3A_1509 = arith.constant 0 : i32
        %dma_wait3A_1510 = tpu.memref_slice %arg4[%mul3A_1501, %dma_wait3A_1509] : memref<16384x32xf32, #tpu.memory_space<hbm>> -> memref<2x32xf32, #tpu.memory_space<hbm>>
        %dma_wait3A_1511 = arith.constant 0 : i32
        %dma_wait3A_1512 = arith.constant 0 : i32
        %dma_wait3A_1513 = tpu.memref_slice %arg7[%dma_wait3A_1502, %dma_wait3A_1511, %dma_wait3A_1512] : memref<8x2x32xf32, #tpu.memory_space<vmem>> -> memref<1x2x32xf32, #tpu.memory_space<vmem>>
        %dma_wait3A_1514 = tpu.memref_squeeze %dma_wait3A_1513 : memref<1x2x32xf32, #tpu.memory_space<vmem>> -> memref<2x32xf32, #tpu.memory_space<vmem>>
        tpu.wait_dma2 semaphore(%arg20 : memref<!tpu.dma_semaphore, #tpu.memory_space<semaphore_mem>>) src(%dma_wait3A_1514 : memref<2x32xf32, #tpu.memory_space<vmem>>) dst(%dma_wait3A_1510 : memref<2x32xf32, #tpu.memory_space<hbm>>)
      } else {
      }
      %mul3A_1016 = arith.constant 2 : i32
      %mul3A_1017 = arith.muli %add3A_978, %mul3A_1016 : i32
      %get3A_1018 = arith.index_cast %mul3A_1017 : i32 to index
      %get3A_1019 = tpu.vector_load %arg5[%get3A_1018] {strides = array<i32>} : memref<528xi32, #tpu.memory_space<vmem>>, vector<16xi32>,
      %and3A_1020 = arith.constant 127 : i32
      %and3A_1021 = vector.broadcast %and3A_1020 : i32 to vector<16xi32>
      %and3A_1022 = arith.andi %get3A_1019, %and3A_1021 : vector<16xi32>
      %broadcast_in_dim3A_1023 = arith.constant 0 : i32
      %broadcast_in_dim3A_1024 = vector.broadcast %broadcast_in_dim3A_1023 : i32 to vector<16xi32>
      %slice3A_1025 = vector.extract_strided_slice %and3A_1022 {offsets = [0], sizes = [1], strides = [1]} : vector<16xi32> to vector<1xi32>
      %squeeze3A_1026 = vector.extract %slice3A_1025[0] : i32 from vector<1xi32>
      %broadcast_in_dim3A_1027 = vector.broadcast %squeeze3A_1026 : i32 to vector<16xi32>
      %gather3A_1028 = arith.constant 4 : i32
      %gather3A_1029 = arith.constant 0 : i32
      %gather3A_1030 = arith.constant 0 : i32
      %gather3A_1031 = arith.constant 0 : i32
      %gather3A_1032 = tpu.memref_slice %arg6[%gather3A_1028, %gather3A_1029, %gather3A_1030, %gather3A_1031] : memref<8x2x32x128xf32, #tpu.memory_space<vmem>> -> memref<1x2x32x128xf32, #tpu.memory_space<vmem>>
      %gather3A_1033 = tpu.memref_squeeze %gather3A_1032 : memref<1x2x32x128xf32, #tpu.memory_space<vmem>> -> memref<2x32x128xf32, #tpu.memory_space<vmem>>
      %gather3A_1034 = tpu.vector_load_idx %gather3A_1033[%broadcast_in_dim3A_1024, %iota3A, %broadcast_in_dim3A_1027] : memref<2x32x128xf32, #tpu.memory_space<vmem>>[vector<16xi32>, vector<16xi32>, vector<16xi32>], vector<16xf32>,
      %gather3A_1035 = arith.constant 4 : i32
      %gather3A_1036 = arith.constant 0 : i32
      %gather3A_1037 = arith.constant 0 : i32
      %gather3A_1038 = arith.constant 0 : i32
      %gather3A_1039 = tpu.memref_slice %arg6[%gather3A_1035, %gather3A_1036, %gather3A_1037, %gather3A_1038] : memref<8x2x32x128xf32, #tpu.memory_space<vmem>> -> memref<1x2x32x128xf32, #tpu.memory_space<vmem>>
      %gather3A_1040 = tpu.memref_squeeze %gather3A_1039 : memref<1x2x32x128xf32, #tpu.memory_space<vmem>> -> memref<2x32x128xf32, #tpu.memory_space<vmem>>
      %gather3A_1041 = tpu.vector_load_idx %gather3A_1040[%broadcast_in_dim3A_1024, %add3A_5, %broadcast_in_dim3A_1027] : memref<2x32x128xf32, #tpu.memory_space<vmem>>[vector<16xi32>, vector<16xi32>, vector<16xi32>], vector<16xf32>,
      %swap3A_1042 = arith.constant 4 : i32
      %swap3A_1043 = arith.constant 0 : i32
      %swap3A_1044 = arith.index_cast %swap3A_1042 : i32 to index
      %swap3A_1045 = arith.index_cast %swap3A_1043 : i32 to index
      %swap3A_1046 = arith.constant 0 : index
      %swap3A_1047 = tpu.vector_load %arg7[%swap3A_1044, %swap3A_1045, %swap3A_1046] {strides = array<i32>} : memref<8x2x32xf32, #tpu.memory_space<vmem>>, vector<16xf32>,
      tpu.vector_store %arg7[%swap3A_1044, %swap3A_1045, %swap3A_1046], %gather3A_1034 {strides = array<i32>} : memref<8x2x32xf32, #tpu.memory_space<vmem>>, vector<16xf32>,
      %swap3A_1048 = arith.constant 4 : i32
      %swap3A_1049 = arith.constant 0 : i32
      %swap3A_1050 = arith.index_cast %swap3A_1048 : i32 to index
      %swap3A_1051 = arith.index_cast %swap3A_1049 : i32 to index
      %swap3A_1052 = arith.constant 16 : index
      %swap3A_1053 = tpu.vector_load %arg7[%swap3A_1050, %swap3A_1051, %swap3A_1052] {strides = array<i32>} : memref<8x2x32xf32, #tpu.memory_space<vmem>>, vector<16xf32>,
      tpu.vector_store %arg7[%swap3A_1050, %swap3A_1051, %swap3A_1052], %gather3A_1041 {strides = array<i32>} : memref<8x2x32xf32, #tpu.memory_space<vmem>>, vector<16xf32>,
      %broadcast_in_dim3A_1054 = arith.constant 1 : i32
      %broadcast_in_dim3A_1055 = vector.broadcast %broadcast_in_dim3A_1054 : i32 to vector<16xi32>
      %slice3A_1056 = vector.extract_strided_slice %and3A_1022 {offsets = [1], sizes = [1], strides = [1]} : vector<16xi32> to vector<1xi32>
      %squeeze3A_1057 = vector.extract %slice3A_1056[0] : i32 from vector<1xi32>
      %broadcast_in_dim3A_1058 = vector.broadcast %squeeze3A_1057 : i32 to vector<16xi32>
      %gather3A_1059 = arith.constant 4 : i32
      %gather3A_1060 = arith.constant 0 : i32
      %gather3A_1061 = arith.constant 0 : i32
      %gather3A_1062 = arith.constant 0 : i32
      %gather3A_1063 = tpu.memref_slice %arg6[%gather3A_1059, %gather3A_1060, %gather3A_1061, %gather3A_1062] : memref<8x2x32x128xf32, #tpu.memory_space<vmem>> -> memref<1x2x32x128xf32, #tpu.memory_space<vmem>>
      %gather3A_1064 = tpu.memref_squeeze %gather3A_1063 : memref<1x2x32x128xf32, #tpu.memory_space<vmem>> -> memref<2x32x128xf32, #tpu.memory_space<vmem>>
      %gather3A_1065 = tpu.vector_load_idx %gather3A_1064[%broadcast_in_dim3A_1055, %iota3A, %broadcast_in_dim3A_1058] : memref<2x32x128xf32, #tpu.memory_space<vmem>>[vector<16xi32>, vector<16xi32>, vector<16xi32>], vector<16xf32>,
      %gather3A_1066 = arith.constant 4 : i32
      %gather3A_1067 = arith.constant 0 : i32
      %gather3A_1068 = arith.constant 0 : i32
      %gather3A_1069 = arith.constant 0 : i32
      %gather3A_1070 = tpu.memref_slice %arg6[%gather3A_1066, %gather3A_1067, %gather3A_1068, %gather3A_1069] : memref<8x2x32x128xf32, #tpu.memory_space<vmem>> -> memref<1x2x32x128xf32, #tpu.memory_space<vmem>>
      %gather3A_1071 = tpu.memref_squeeze %gather3A_1070 : memref<1x2x32x128xf32, #tpu.memory_space<vmem>> -> memref<2x32x128xf32, #tpu.memory_space<vmem>>
      %gather3A_1072 = tpu.vector_load_idx %gather3A_1071[%broadcast_in_dim3A_1055, %add3A_5, %broadcast_in_dim3A_1058] : memref<2x32x128xf32, #tpu.memory_space<vmem>>[vector<16xi32>, vector<16xi32>, vector<16xi32>], vector<16xf32>,
      %swap3A_1073 = arith.constant 4 : i32
      %swap3A_1074 = arith.constant 1 : i32
      %swap3A_1075 = arith.index_cast %swap3A_1073 : i32 to index
      %swap3A_1076 = arith.index_cast %swap3A_1074 : i32 to index
      %swap3A_1077 = arith.constant 0 : index
      %swap3A_1078 = tpu.vector_load %arg7[%swap3A_1075, %swap3A_1076, %swap3A_1077] {strides = array<i32>} : memref<8x2x32xf32, #tpu.memory_space<vmem>>, vector<16xf32>,
      tpu.vector_store %arg7[%swap3A_1075, %swap3A_1076, %swap3A_1077], %gather3A_1065 {strides = array<i32>} : memref<8x2x32xf32, #tpu.memory_space<vmem>>, vector<16xf32>,
      %swap3A_1079 = arith.constant 4 : i32
      %swap3A_1080 = arith.constant 1 : i32
      %swap3A_1081 = arith.index_cast %swap3A_1079 : i32 to index
      %swap3A_1082 = arith.index_cast %swap3A_1080 : i32 to index
      %swap3A_1083 = arith.constant 16 : index
      %swap3A_1084 = tpu.vector_load %arg7[%swap3A_1081, %swap3A_1082, %swap3A_1083] {strides = array<i32>} : memref<8x2x32xf32, #tpu.memory_space<vmem>>, vector<16xf32>,
      tpu.vector_store %arg7[%swap3A_1081, %swap3A_1082, %swap3A_1083], %gather3A_1072 {strides = array<i32>} : memref<8x2x32xf32, #tpu.memory_space<vmem>>, vector<16xf32>,
      %mul3A_1085 = arith.constant 2 : i32
      %mul3A_1086 = arith.muli %add3A_978, %mul3A_1085 : i32
      %add3A_1087 = arith.addi %mul3A_2, %mul3A_1086 : i32
      %dma_start3A_1088 = arith.constant 4 : i32
      %dma_start3A_1089 = arith.constant 0 : i32
      %dma_start3A_1090 = arith.constant 0 : i32
      %dma_start3A_1091 = tpu.memref_slice %arg7[%dma_start3A_1088, %dma_start3A_1089, %dma_start3A_1090] : memref<8x2x32xf32, #tpu.memory_space<vmem>> -> memref<1x2x32xf32, #tpu.memory_space<vmem>>
      %dma_start3A_1092 = tpu.memref_squeeze %dma_start3A_1091 : memref<1x2x32xf32, #tpu.memory_space<vmem>> -> memref<2x32xf32, #tpu.memory_space<vmem>>
      %dma_start3A_1093 = arith.constant 0 : i32
      %dma_start3A_1094 = tpu.memref_slice %arg4[%add3A_1087, %dma_start3A_1093] : memref<16384x32xf32, #tpu.memory_space<hbm>> -> memref<2x32xf32, #tpu.memory_space<hbm>>
      %dma_start3A_1095 = arith.constant 0 : i32
      %dma_start3A_1096 = tpu.memref_slice %arg4[%add3A_1087, %dma_start3A_1095] : memref<16384x32xf32, #tpu.memory_space<hbm>> -> memref<2x32xf32, #tpu.memory_space<hbm>>
      %dma_start3A_1097 = arith.constant 0 : i32
      %dma_start3A_1098 = arith.constant 0 : i32
      %dma_start3A_1099 = tpu.memref_slice %arg7[%dma_start3A_1088, %dma_start3A_1097, %dma_start3A_1098] : memref<8x2x32xf32, #tpu.memory_space<vmem>> -> memref<1x2x32xf32, #tpu.memory_space<vmem>>
      %dma_start3A_1100 = tpu.memref_squeeze %dma_start3A_1099 : memref<1x2x32xf32, #tpu.memory_space<vmem>> -> memref<2x32xf32, #tpu.memory_space<vmem>>
      tpu.enqueue_dma source(%dma_start3A_1100 : memref<2x32xf32, #tpu.memory_space<vmem>>) target(%dma_start3A_1096 : memref<2x32xf32, #tpu.memory_space<hbm>>) target_semaphore(%arg20 : memref<!tpu.dma_semaphore, #tpu.memory_space<semaphore_mem>>)
      %lt3A_1101 = arith.constant 31 : i32
      %lt3A_1102 = arith.cmpi slt, %scan3A_458, %lt3A_1101 : i32
      %convert_element_type3A_1103 = arith.extui %lt3A_1102 : i1 to i32
      %cond3A_1104 = arith.constant 0 : i32
      %cond3A_1105 = arith.cmpi ne, %convert_element_type3A_1103, %cond3A_1104 : i32
      scf.if %cond3A_1105 {
        %add3A_1499 = arith.constant 8 : i32
        %add3A_1500 = arith.addi %add3A_978, %add3A_1499 : i32
        %mul3A_1501 = arith.constant 2 : i32
        %mul3A_1502 = arith.muli %add3A_1500, %mul3A_1501 : i32
        %get3A_1503 = arith.index_cast %mul3A_1502 : i32 to index
        %get3A_1504 = tpu.vector_load %arg5[%get3A_1503] {strides = array<i32>} : memref<528xi32, #tpu.memory_space<vmem>>, vector<16xi32>,
        %shift_right_arithmetic3A_1505 = arith.constant 7 : i32
        %shift_right_arithmetic3A_1506 = vector.broadcast %shift_right_arithmetic3A_1505 : i32 to vector<16xi32>
        %shift_right_arithmetic3A_1507 = arith.shrsi %get3A_1504, %shift_right_arithmetic3A_1506 : vector<16xi32>
        %shift_left3A_1508 = arith.constant 7 : i32
        %shift_left3A_1509 = vector.broadcast %shift_left3A_1508 : i32 to vector<16xi32>
        %shift_left3A_1510 = arith.shli %shift_right_arithmetic3A_1507, %shift_left3A_1509 : vector<16xi32>
        %slice3A_1511 = vector.extract_strided_slice %shift_left3A_1510 {offsets = [0], sizes = [1], strides = [1]} : vector<16xi32> to vector<1xi32>
        %squeeze3A_1512 = vector.extract %slice3A_1511[0] : i32 from vector<1xi32>
        %multiple_of3A_1513 = tpu.assume_multiple %squeeze3A_1512, 128 : i32
        %dma_start3A_1514 = arith.constant 4 : i32
        %dma_start3A_1515 = arith.constant 0 : i32
        %dma_start3A_1516 = arith.constant 0 : i32
        %dma_start3A_1517 = arith.constant 0 : i32
        %dma_start3A_1518 = tpu.memref_slice %arg6[%dma_start3A_1514, %dma_start3A_1515, %dma_start3A_1516, %dma_start3A_1517] : memref<8x2x32x128xf32, #tpu.memory_space<vmem>> -> memref<1x1x32x128xf32, #tpu.memory_space<vmem>>
        %dma_start3A_1519 = tpu.memref_squeeze %dma_start3A_1518 : memref<1x1x32x128xf32, #tpu.memory_space<vmem>> -> memref<32x128xf32, #tpu.memory_space<vmem>>
        %dma_start3A_1520 = arith.constant 0 : i32
        %dma_start3A_1521 = tpu.memref_slice %arg2[%dma_start3A_1520, %multiple_of3A_1513] : memref<32x1000000xf32, #tpu.memory_space<hbm>> -> memref<32x128xf32, #tpu.memory_space<hbm>>
        %dma_start3A_1522 = arith.constant 0 : i32
        %dma_start3A_1523 = arith.constant 0 : i32
        %dma_start3A_1524 = tpu.memref_slice %arg6[%dma_start3A_1514, %dma_start3A_1515, %dma_start3A_1522, %dma_start3A_1523] : memref<8x2x32x128xf32, #tpu.memory_space<vmem>> -> memref<1x1x32x128xf32, #tpu.memory_space<vmem>>
        %dma_start3A_1525 = tpu.memref_squeeze %dma_start3A_1524 : memref<1x1x32x128xf32, #tpu.memory_space<vmem>> -> memref<32x128xf32, #tpu.memory_space<vmem>>
        %dma_start3A_1526 = arith.constant 0 : i32
        %dma_start3A_1527 = tpu.memref_slice %arg2[%dma_start3A_1526, %multiple_of3A_1513] : memref<32x1000000xf32, #tpu.memory_space<hbm>> -> memref<32x128xf32, #tpu.memory_space<hbm>>
        tpu.enqueue_dma source(%dma_start3A_1527 : memref<32x128xf32, #tpu.memory_space<hbm>>) target(%dma_start3A_1525 : memref<32x128xf32, #tpu.memory_space<vmem>>) target_semaphore(%arg12 : memref<!tpu.dma_semaphore, #tpu.memory_space<semaphore_mem>>)
        %slice3A_1528 = vector.extract_strided_slice %shift_left3A_1510 {offsets = [1], sizes = [1], strides = [1]} : vector<16xi32> to vector<1xi32>
        %squeeze3A_1529 = vector.extract %slice3A_1528[0] : i32 from vector<1xi32>
        %multiple_of3A_1530 = tpu.assume_multiple %squeeze3A_1529, 128 : i32
        %dma_start3A_1531 = arith.constant 4 : i32
        %dma_start3A_1532 = arith.constant 1 : i32
        %dma_start3A_1533 = arith.constant 0 : i32
        %dma_start3A_1534 = arith.constant 0 : i32
        %dma_start3A_1535 = tpu.memref_slice %arg6[%dma_start3A_1531, %dma_start3A_1532, %dma_start3A_1533, %dma_start3A_1534] : memref<8x2x32x128xf32, #tpu.memory_space<vmem>> -> memref<1x1x32x128xf32, #tpu.memory_space<vmem>>
        %dma_start3A_1536 = tpu.memref_squeeze %dma_start3A_1535 : memref<1x1x32x128xf32, #tpu.memory_space<vmem>> -> memref<32x128xf32, #tpu.memory_space<vmem>>
        %dma_start3A_1537 = arith.constant 0 : i32
        %dma_start3A_1538 = tpu.memref_slice %arg2[%dma_start3A_1537, %multiple_of3A_1530] : memref<32x1000000xf32, #tpu.memory_space<hbm>> -> memref<32x128xf32, #tpu.memory_space<hbm>>
        %dma_start3A_1539 = arith.constant 0 : i32
        %dma_start3A_1540 = arith.constant 0 : i32
        %dma_start3A_1541 = tpu.memref_slice %arg6[%dma_start3A_1531, %dma_start3A_1532, %dma_start3A_1539, %dma_start3A_1540] : memref<8x2x32x128xf32, #tpu.memory_space<vmem>> -> memref<1x1x32x128xf32, #tpu.memory_space<vmem>>
        %dma_start3A_1542 = tpu.memref_squeeze %dma_start3A_1541 : memref<1x1x32x128xf32, #tpu.memory_space<vmem>> -> memref<32x128xf32, #tpu.memory_space<vmem>>
        %dma_start3A_1543 = arith.constant 0 : i32
        %dma_start3A_1544 = tpu.memref_slice %arg2[%dma_start3A_1543, %multiple_of3A_1530] : memref<32x1000000xf32, #tpu.memory_space<hbm>> -> memref<32x128xf32, #tpu.memory_space<hbm>>
        tpu.enqueue_dma source(%dma_start3A_1544 : memref<32x128xf32, #tpu.memory_space<hbm>>) target(%dma_start3A_1542 : memref<32x128xf32, #tpu.memory_space<vmem>>) target_semaphore(%arg12 : memref<!tpu.dma_semaphore, #tpu.memory_space<semaphore_mem>>)
      } else {
      }
      %mul3A_1106 = arith.constant 8 : i32
      %mul3A_1107 = arith.muli %scan3A_458, %mul3A_1106 : i32
      %add3A_1108 = arith.constant 5 : i32
      %add3A_1109 = arith.addi %mul3A_1107, %add3A_1108 : i32
      %dma_wait3A_1110 = arith.constant 5 : i32
      %dma_wait3A_1111 = arith.constant 0 : i32
      %dma_wait3A_1112 = arith.constant 0 : i32
      %dma_wait3A_1113 = arith.constant 0 : i32
      %dma_wait3A_1114 = tpu.memref_slice %arg6[%dma_wait3A_1110, %dma_wait3A_1111, %dma_wait3A_1112, %dma_wait3A_1113] : memref<8x2x32x128xf32, #tpu.memory_space<vmem>> -> memref<1x1x32x128xf32, #tpu.memory_space<vmem>>
      %dma_wait3A_1115 = tpu.memref_squeeze %dma_wait3A_1114 : memref<1x1x32x128xf32, #tpu.memory_space<vmem>> -> memref<32x128xf32, #tpu.memory_space<vmem>>
      %dma_wait3A_1116 = arith.constant 0 : i32
      %dma_wait3A_1117 = arith.constant 0 : i32
      %dma_wait3A_1118 = tpu.memref_slice %arg2[%dma_wait3A_1116, %dma_wait3A_1117] : memref<32x1000000xf32, #tpu.memory_space<hbm>> -> memref<32x128xf32, #tpu.memory_space<hbm>>
      %dma_wait3A_1119 = arith.constant 0 : i32
      %dma_wait3A_1120 = arith.constant 0 : i32
      %dma_wait3A_1121 = tpu.memref_slice %arg6[%dma_wait3A_1110, %dma_wait3A_1111, %dma_wait3A_1119, %dma_wait3A_1120] : memref<8x2x32x128xf32, #tpu.memory_space<vmem>> -> memref<1x1x32x128xf32, #tpu.memory_space<vmem>>
      %dma_wait3A_1122 = tpu.memref_squeeze %dma_wait3A_1121 : memref<1x1x32x128xf32, #tpu.memory_space<vmem>> -> memref<32x128xf32, #tpu.memory_space<vmem>>
      %dma_wait3A_1123 = arith.constant 0 : i32
      %dma_wait3A_1124 = arith.constant 0 : i32
      %dma_wait3A_1125 = tpu.memref_slice %arg2[%dma_wait3A_1123, %dma_wait3A_1124] : memref<32x1000000xf32, #tpu.memory_space<hbm>> -> memref<32x128xf32, #tpu.memory_space<hbm>>
      tpu.wait_dma2 semaphore(%arg13 : memref<!tpu.dma_semaphore, #tpu.memory_space<semaphore_mem>>) src(%dma_wait3A_1125 : memref<32x128xf32, #tpu.memory_space<hbm>>) dst(%dma_wait3A_1122 : memref<32x128xf32, #tpu.memory_space<vmem>>)
      %dma_wait3A_1126 = arith.constant 5 : i32
      %dma_wait3A_1127 = arith.constant 1 : i32
      %dma_wait3A_1128 = arith.constant 0 : i32
      %dma_wait3A_1129 = arith.constant 0 : i32
      %dma_wait3A_1130 = tpu.memref_slice %arg6[%dma_wait3A_1126, %dma_wait3A_1127, %dma_wait3A_1128, %dma_wait3A_1129] : memref<8x2x32x128xf32, #tpu.memory_space<vmem>> -> memref<1x1x32x128xf32, #tpu.memory_space<vmem>>
      %dma_wait3A_1131 = tpu.memref_squeeze %dma_wait3A_1130 : memref<1x1x32x128xf32, #tpu.memory_space<vmem>> -> memref<32x128xf32, #tpu.memory_space<vmem>>
      %dma_wait3A_1132 = arith.constant 0 : i32
      %dma_wait3A_1133 = arith.constant 0 : i32
      %dma_wait3A_1134 = tpu.memref_slice %arg2[%dma_wait3A_1132, %dma_wait3A_1133] : memref<32x1000000xf32, #tpu.memory_space<hbm>> -> memref<32x128xf32, #tpu.memory_space<hbm>>
      %dma_wait3A_1135 = arith.constant 0 : i32
      %dma_wait3A_1136 = arith.constant 0 : i32
      %dma_wait3A_1137 = tpu.memref_slice %arg6[%dma_wait3A_1126, %dma_wait3A_1127, %dma_wait3A_1135, %dma_wait3A_1136] : memref<8x2x32x128xf32, #tpu.memory_space<vmem>> -> memref<1x1x32x128xf32, #tpu.memory_space<vmem>>
      %dma_wait3A_1138 = tpu.memref_squeeze %dma_wait3A_1137 : memref<1x1x32x128xf32, #tpu.memory_space<vmem>> -> memref<32x128xf32, #tpu.memory_space<vmem>>
      %dma_wait3A_1139 = arith.constant 0 : i32
      %dma_wait3A_1140 = arith.constant 0 : i32
      %dma_wait3A_1141 = tpu.memref_slice %arg2[%dma_wait3A_1139, %dma_wait3A_1140] : memref<32x1000000xf32, #tpu.memory_space<hbm>> -> memref<32x128xf32, #tpu.memory_space<hbm>>
      tpu.wait_dma2 semaphore(%arg13 : memref<!tpu.dma_semaphore, #tpu.memory_space<semaphore_mem>>) src(%dma_wait3A_1141 : memref<32x128xf32, #tpu.memory_space<hbm>>) dst(%dma_wait3A_1138 : memref<32x128xf32, #tpu.memory_space<vmem>>)
      %ge3A_1142 = arith.constant 1 : i32
      %ge3A_1143 = arith.cmpi sge, %scan3A_458, %ge3A_1142 : i32
      %convert_element_type3A_1144 = arith.extui %ge3A_1143 : i1 to i32
      %cond3A_1145 = arith.constant 0 : i32
      %cond3A_1146 = arith.cmpi ne, %convert_element_type3A_1144, %cond3A_1145 : i32
      scf.if %cond3A_1146 {
        %sub3A = arith.constant 8 : i32
        %sub3A_1499 = arith.subi %add3A_1109, %sub3A : i32
        %mul3A_1500 = arith.constant 2 : i32
        %mul3A_1501 = arith.muli %sub3A_1499, %mul3A_1500 : i32
        %dma_wait3A_1502 = arith.constant 5 : i32
        %dma_wait3A_1503 = arith.constant 0 : i32
        %dma_wait3A_1504 = arith.constant 0 : i32
        %dma_wait3A_1505 = tpu.memref_slice %arg7[%dma_wait3A_1502, %dma_wait3A_1503, %dma_wait3A_1504] : memref<8x2x32xf32, #tpu.memory_space<vmem>> -> memref<1x2x32xf32, #tpu.memory_space<vmem>>
        %dma_wait3A_1506 = tpu.memref_squeeze %dma_wait3A_1505 : memref<1x2x32xf32, #tpu.memory_space<vmem>> -> memref<2x32xf32, #tpu.memory_space<vmem>>
        %dma_wait3A_1507 = arith.constant 0 : i32
        %dma_wait3A_1508 = tpu.memref_slice %arg4[%mul3A_1501, %dma_wait3A_1507] : memref<16384x32xf32, #tpu.memory_space<hbm>> -> memref<2x32xf32, #tpu.memory_space<hbm>>
        %dma_wait3A_1509 = arith.constant 0 : i32
        %dma_wait3A_1510 = tpu.memref_slice %arg4[%mul3A_1501, %dma_wait3A_1509] : memref<16384x32xf32, #tpu.memory_space<hbm>> -> memref<2x32xf32, #tpu.memory_space<hbm>>
        %dma_wait3A_1511 = arith.constant 0 : i32
        %dma_wait3A_1512 = arith.constant 0 : i32
        %dma_wait3A_1513 = tpu.memref_slice %arg7[%dma_wait3A_1502, %dma_wait3A_1511, %dma_wait3A_1512] : memref<8x2x32xf32, #tpu.memory_space<vmem>> -> memref<1x2x32xf32, #tpu.memory_space<vmem>>
        %dma_wait3A_1514 = tpu.memref_squeeze %dma_wait3A_1513 : memref<1x2x32xf32, #tpu.memory_space<vmem>> -> memref<2x32xf32, #tpu.memory_space<vmem>>
        tpu.wait_dma2 semaphore(%arg21 : memref<!tpu.dma_semaphore, #tpu.memory_space<semaphore_mem>>) src(%dma_wait3A_1514 : memref<2x32xf32, #tpu.memory_space<vmem>>) dst(%dma_wait3A_1510 : memref<2x32xf32, #tpu.memory_space<hbm>>)
      } else {
      }
      %mul3A_1147 = arith.constant 2 : i32
      %mul3A_1148 = arith.muli %add3A_1109, %mul3A_1147 : i32
      %get3A_1149 = arith.index_cast %mul3A_1148 : i32 to index
      %get3A_1150 = tpu.vector_load %arg5[%get3A_1149] {strides = array<i32>} : memref<528xi32, #tpu.memory_space<vmem>>, vector<16xi32>,
      %and3A_1151 = arith.constant 127 : i32
      %and3A_1152 = vector.broadcast %and3A_1151 : i32 to vector<16xi32>
      %and3A_1153 = arith.andi %get3A_1150, %and3A_1152 : vector<16xi32>
      %broadcast_in_dim3A_1154 = arith.constant 0 : i32
      %broadcast_in_dim3A_1155 = vector.broadcast %broadcast_in_dim3A_1154 : i32 to vector<16xi32>
      %slice3A_1156 = vector.extract_strided_slice %and3A_1153 {offsets = [0], sizes = [1], strides = [1]} : vector<16xi32> to vector<1xi32>
      %squeeze3A_1157 = vector.extract %slice3A_1156[0] : i32 from vector<1xi32>
      %broadcast_in_dim3A_1158 = vector.broadcast %squeeze3A_1157 : i32 to vector<16xi32>
      %gather3A_1159 = arith.constant 5 : i32
      %gather3A_1160 = arith.constant 0 : i32
      %gather3A_1161 = arith.constant 0 : i32
      %gather3A_1162 = arith.constant 0 : i32
      %gather3A_1163 = tpu.memref_slice %arg6[%gather3A_1159, %gather3A_1160, %gather3A_1161, %gather3A_1162] : memref<8x2x32x128xf32, #tpu.memory_space<vmem>> -> memref<1x2x32x128xf32, #tpu.memory_space<vmem>>
      %gather3A_1164 = tpu.memref_squeeze %gather3A_1163 : memref<1x2x32x128xf32, #tpu.memory_space<vmem>> -> memref<2x32x128xf32, #tpu.memory_space<vmem>>
      %gather3A_1165 = tpu.vector_load_idx %gather3A_1164[%broadcast_in_dim3A_1155, %iota3A, %broadcast_in_dim3A_1158] : memref<2x32x128xf32, #tpu.memory_space<vmem>>[vector<16xi32>, vector<16xi32>, vector<16xi32>], vector<16xf32>,
      %gather3A_1166 = arith.constant 5 : i32
      %gather3A_1167 = arith.constant 0 : i32
      %gather3A_1168 = arith.constant 0 : i32
      %gather3A_1169 = arith.constant 0 : i32
      %gather3A_1170 = tpu.memref_slice %arg6[%gather3A_1166, %gather3A_1167, %gather3A_1168, %gather3A_1169] : memref<8x2x32x128xf32, #tpu.memory_space<vmem>> -> memref<1x2x32x128xf32, #tpu.memory_space<vmem>>
      %gather3A_1171 = tpu.memref_squeeze %gather3A_1170 : memref<1x2x32x128xf32, #tpu.memory_space<vmem>> -> memref<2x32x128xf32, #tpu.memory_space<vmem>>
      %gather3A_1172 = tpu.vector_load_idx %gather3A_1171[%broadcast_in_dim3A_1155, %add3A_5, %broadcast_in_dim3A_1158] : memref<2x32x128xf32, #tpu.memory_space<vmem>>[vector<16xi32>, vector<16xi32>, vector<16xi32>], vector<16xf32>,
      %swap3A_1173 = arith.constant 5 : i32
      %swap3A_1174 = arith.constant 0 : i32
      %swap3A_1175 = arith.index_cast %swap3A_1173 : i32 to index
      %swap3A_1176 = arith.index_cast %swap3A_1174 : i32 to index
      %swap3A_1177 = arith.constant 0 : index
      %swap3A_1178 = tpu.vector_load %arg7[%swap3A_1175, %swap3A_1176, %swap3A_1177] {strides = array<i32>} : memref<8x2x32xf32, #tpu.memory_space<vmem>>, vector<16xf32>,
      tpu.vector_store %arg7[%swap3A_1175, %swap3A_1176, %swap3A_1177], %gather3A_1165 {strides = array<i32>} : memref<8x2x32xf32, #tpu.memory_space<vmem>>, vector<16xf32>,
      %swap3A_1179 = arith.constant 5 : i32
      %swap3A_1180 = arith.constant 0 : i32
      %swap3A_1181 = arith.index_cast %swap3A_1179 : i32 to index
      %swap3A_1182 = arith.index_cast %swap3A_1180 : i32 to index
      %swap3A_1183 = arith.constant 16 : index
      %swap3A_1184 = tpu.vector_load %arg7[%swap3A_1181, %swap3A_1182, %swap3A_1183] {strides = array<i32>} : memref<8x2x32xf32, #tpu.memory_space<vmem>>, vector<16xf32>,
      tpu.vector_store %arg7[%swap3A_1181, %swap3A_1182, %swap3A_1183], %gather3A_1172 {strides = array<i32>} : memref<8x2x32xf32, #tpu.memory_space<vmem>>, vector<16xf32>,
      %broadcast_in_dim3A_1185 = arith.constant 1 : i32
      %broadcast_in_dim3A_1186 = vector.broadcast %broadcast_in_dim3A_1185 : i32 to vector<16xi32>
      %slice3A_1187 = vector.extract_strided_slice %and3A_1153 {offsets = [1], sizes = [1], strides = [1]} : vector<16xi32> to vector<1xi32>
      %squeeze3A_1188 = vector.extract %slice3A_1187[0] : i32 from vector<1xi32>
      %broadcast_in_dim3A_1189 = vector.broadcast %squeeze3A_1188 : i32 to vector<16xi32>
      %gather3A_1190 = arith.constant 5 : i32
      %gather3A_1191 = arith.constant 0 : i32
      %gather3A_1192 = arith.constant 0 : i32
      %gather3A_1193 = arith.constant 0 : i32
      %gather3A_1194 = tpu.memref_slice %arg6[%gather3A_1190, %gather3A_1191, %gather3A_1192, %gather3A_1193] : memref<8x2x32x128xf32, #tpu.memory_space<vmem>> -> memref<1x2x32x128xf32, #tpu.memory_space<vmem>>
      %gather3A_1195 = tpu.memref_squeeze %gather3A_1194 : memref<1x2x32x128xf32, #tpu.memory_space<vmem>> -> memref<2x32x128xf32, #tpu.memory_space<vmem>>
      %gather3A_1196 = tpu.vector_load_idx %gather3A_1195[%broadcast_in_dim3A_1186, %iota3A, %broadcast_in_dim3A_1189] : memref<2x32x128xf32, #tpu.memory_space<vmem>>[vector<16xi32>, vector<16xi32>, vector<16xi32>], vector<16xf32>,
      %gather3A_1197 = arith.constant 5 : i32
      %gather3A_1198 = arith.constant 0 : i32
      %gather3A_1199 = arith.constant 0 : i32
      %gather3A_1200 = arith.constant 0 : i32
      %gather3A_1201 = tpu.memref_slice %arg6[%gather3A_1197, %gather3A_1198, %gather3A_1199, %gather3A_1200] : memref<8x2x32x128xf32, #tpu.memory_space<vmem>> -> memref<1x2x32x128xf32, #tpu.memory_space<vmem>>
      %gather3A_1202 = tpu.memref_squeeze %gather3A_1201 : memref<1x2x32x128xf32, #tpu.memory_space<vmem>> -> memref<2x32x128xf32, #tpu.memory_space<vmem>>
      %gather3A_1203 = tpu.vector_load_idx %gather3A_1202[%broadcast_in_dim3A_1186, %add3A_5, %broadcast_in_dim3A_1189] : memref<2x32x128xf32, #tpu.memory_space<vmem>>[vector<16xi32>, vector<16xi32>, vector<16xi32>], vector<16xf32>,
      %swap3A_1204 = arith.constant 5 : i32
      %swap3A_1205 = arith.constant 1 : i32
      %swap3A_1206 = arith.index_cast %swap3A_1204 : i32 to index
      %swap3A_1207 = arith.index_cast %swap3A_1205 : i32 to index
      %swap3A_1208 = arith.constant 0 : index
      %swap3A_1209 = tpu.vector_load %arg7[%swap3A_1206, %swap3A_1207, %swap3A_1208] {strides = array<i32>} : memref<8x2x32xf32, #tpu.memory_space<vmem>>, vector<16xf32>,
      tpu.vector_store %arg7[%swap3A_1206, %swap3A_1207, %swap3A_1208], %gather3A_1196 {strides = array<i32>} : memref<8x2x32xf32, #tpu.memory_space<vmem>>, vector<16xf32>,
      %swap3A_1210 = arith.constant 5 : i32
      %swap3A_1211 = arith.constant 1 : i32
      %swap3A_1212 = arith.index_cast %swap3A_1210 : i32 to index
      %swap3A_1213 = arith.index_cast %swap3A_1211 : i32 to index
      %swap3A_1214 = arith.constant 16 : index
      %swap3A_1215 = tpu.vector_load %arg7[%swap3A_1212, %swap3A_1213, %swap3A_1214] {strides = array<i32>} : memref<8x2x32xf32, #tpu.memory_space<vmem>>, vector<16xf32>,
      tpu.vector_store %arg7[%swap3A_1212, %swap3A_1213, %swap3A_1214], %gather3A_1203 {strides = array<i32>} : memref<8x2x32xf32, #tpu.memory_space<vmem>>, vector<16xf32>,
      %mul3A_1216 = arith.constant 2 : i32
      %mul3A_1217 = arith.muli %add3A_1109, %mul3A_1216 : i32
      %add3A_1218 = arith.addi %mul3A_2, %mul3A_1217 : i32
      %dma_start3A_1219 = arith.constant 5 : i32
      %dma_start3A_1220 = arith.constant 0 : i32
      %dma_start3A_1221 = arith.constant 0 : i32
      %dma_start3A_1222 = tpu.memref_slice %arg7[%dma_start3A_1219, %dma_start3A_1220, %dma_start3A_1221] : memref<8x2x32xf32, #tpu.memory_space<vmem>> -> memref<1x2x32xf32, #tpu.memory_space<vmem>>
      %dma_start3A_1223 = tpu.memref_squeeze %dma_start3A_1222 : memref<1x2x32xf32, #tpu.memory_space<vmem>> -> memref<2x32xf32, #tpu.memory_space<vmem>>
      %dma_start3A_1224 = arith.constant 0 : i32
      %dma_start3A_1225 = tpu.memref_slice %arg4[%add3A_1218, %dma_start3A_1224] : memref<16384x32xf32, #tpu.memory_space<hbm>> -> memref<2x32xf32, #tpu.memory_space<hbm>>
      %dma_start3A_1226 = arith.constant 0 : i32
      %dma_start3A_1227 = tpu.memref_slice %arg4[%add3A_1218, %dma_start3A_1226] : memref<16384x32xf32, #tpu.memory_space<hbm>> -> memref<2x32xf32, #tpu.memory_space<hbm>>
      %dma_start3A_1228 = arith.constant 0 : i32
      %dma_start3A_1229 = arith.constant 0 : i32
      %dma_start3A_1230 = tpu.memref_slice %arg7[%dma_start3A_1219, %dma_start3A_1228, %dma_start3A_1229] : memref<8x2x32xf32, #tpu.memory_space<vmem>> -> memref<1x2x32xf32, #tpu.memory_space<vmem>>
      %dma_start3A_1231 = tpu.memref_squeeze %dma_start3A_1230 : memref<1x2x32xf32, #tpu.memory_space<vmem>> -> memref<2x32xf32, #tpu.memory_space<vmem>>
      tpu.enqueue_dma source(%dma_start3A_1231 : memref<2x32xf32, #tpu.memory_space<vmem>>) target(%dma_start3A_1227 : memref<2x32xf32, #tpu.memory_space<hbm>>) target_semaphore(%arg21 : memref<!tpu.dma_semaphore, #tpu.memory_space<semaphore_mem>>)
      %lt3A_1232 = arith.constant 31 : i32
      %lt3A_1233 = arith.cmpi slt, %scan3A_458, %lt3A_1232 : i32
      %convert_element_type3A_1234 = arith.extui %lt3A_1233 : i1 to i32
      %cond3A_1235 = arith.constant 0 : i32
      %cond3A_1236 = arith.cmpi ne, %convert_element_type3A_1234, %cond3A_1235 : i32
      scf.if %cond3A_1236 {
        %add3A_1499 = arith.constant 8 : i32
        %add3A_1500 = arith.addi %add3A_1109, %add3A_1499 : i32
        %mul3A_1501 = arith.constant 2 : i32
        %mul3A_1502 = arith.muli %add3A_1500, %mul3A_1501 : i32
        %get3A_1503 = arith.index_cast %mul3A_1502 : i32 to index
        %get3A_1504 = tpu.vector_load %arg5[%get3A_1503] {strides = array<i32>} : memref<528xi32, #tpu.memory_space<vmem>>, vector<16xi32>,
        %shift_right_arithmetic3A_1505 = arith.constant 7 : i32
        %shift_right_arithmetic3A_1506 = vector.broadcast %shift_right_arithmetic3A_1505 : i32 to vector<16xi32>
        %shift_right_arithmetic3A_1507 = arith.shrsi %get3A_1504, %shift_right_arithmetic3A_1506 : vector<16xi32>
        %shift_left3A_1508 = arith.constant 7 : i32
        %shift_left3A_1509 = vector.broadcast %shift_left3A_1508 : i32 to vector<16xi32>
        %shift_left3A_1510 = arith.shli %shift_right_arithmetic3A_1507, %shift_left3A_1509 : vector<16xi32>
        %slice3A_1511 = vector.extract_strided_slice %shift_left3A_1510 {offsets = [0], sizes = [1], strides = [1]} : vector<16xi32> to vector<1xi32>
        %squeeze3A_1512 = vector.extract %slice3A_1511[0] : i32 from vector<1xi32>
        %multiple_of3A_1513 = tpu.assume_multiple %squeeze3A_1512, 128 : i32
        %dma_start3A_1514 = arith.constant 5 : i32
        %dma_start3A_1515 = arith.constant 0 : i32
        %dma_start3A_1516 = arith.constant 0 : i32
        %dma_start3A_1517 = arith.constant 0 : i32
        %dma_start3A_1518 = tpu.memref_slice %arg6[%dma_start3A_1514, %dma_start3A_1515, %dma_start3A_1516, %dma_start3A_1517] : memref<8x2x32x128xf32, #tpu.memory_space<vmem>> -> memref<1x1x32x128xf32, #tpu.memory_space<vmem>>
        %dma_start3A_1519 = tpu.memref_squeeze %dma_start3A_1518 : memref<1x1x32x128xf32, #tpu.memory_space<vmem>> -> memref<32x128xf32, #tpu.memory_space<vmem>>
        %dma_start3A_1520 = arith.constant 0 : i32
        %dma_start3A_1521 = tpu.memref_slice %arg2[%dma_start3A_1520, %multiple_of3A_1513] : memref<32x1000000xf32, #tpu.memory_space<hbm>> -> memref<32x128xf32, #tpu.memory_space<hbm>>
        %dma_start3A_1522 = arith.constant 0 : i32
        %dma_start3A_1523 = arith.constant 0 : i32
        %dma_start3A_1524 = tpu.memref_slice %arg6[%dma_start3A_1514, %dma_start3A_1515, %dma_start3A_1522, %dma_start3A_1523] : memref<8x2x32x128xf32, #tpu.memory_space<vmem>> -> memref<1x1x32x128xf32, #tpu.memory_space<vmem>>
        %dma_start3A_1525 = tpu.memref_squeeze %dma_start3A_1524 : memref<1x1x32x128xf32, #tpu.memory_space<vmem>> -> memref<32x128xf32, #tpu.memory_space<vmem>>
        %dma_start3A_1526 = arith.constant 0 : i32
        %dma_start3A_1527 = tpu.memref_slice %arg2[%dma_start3A_1526, %multiple_of3A_1513] : memref<32x1000000xf32, #tpu.memory_space<hbm>> -> memref<32x128xf32, #tpu.memory_space<hbm>>
        tpu.enqueue_dma source(%dma_start3A_1527 : memref<32x128xf32, #tpu.memory_space<hbm>>) target(%dma_start3A_1525 : memref<32x128xf32, #tpu.memory_space<vmem>>) target_semaphore(%arg13 : memref<!tpu.dma_semaphore, #tpu.memory_space<semaphore_mem>>)
        %slice3A_1528 = vector.extract_strided_slice %shift_left3A_1510 {offsets = [1], sizes = [1], strides = [1]} : vector<16xi32> to vector<1xi32>
        %squeeze3A_1529 = vector.extract %slice3A_1528[0] : i32 from vector<1xi32>
        %multiple_of3A_1530 = tpu.assume_multiple %squeeze3A_1529, 128 : i32
        %dma_start3A_1531 = arith.constant 5 : i32
        %dma_start3A_1532 = arith.constant 1 : i32
        %dma_start3A_1533 = arith.constant 0 : i32
        %dma_start3A_1534 = arith.constant 0 : i32
        %dma_start3A_1535 = tpu.memref_slice %arg6[%dma_start3A_1531, %dma_start3A_1532, %dma_start3A_1533, %dma_start3A_1534] : memref<8x2x32x128xf32, #tpu.memory_space<vmem>> -> memref<1x1x32x128xf32, #tpu.memory_space<vmem>>
        %dma_start3A_1536 = tpu.memref_squeeze %dma_start3A_1535 : memref<1x1x32x128xf32, #tpu.memory_space<vmem>> -> memref<32x128xf32, #tpu.memory_space<vmem>>
        %dma_start3A_1537 = arith.constant 0 : i32
        %dma_start3A_1538 = tpu.memref_slice %arg2[%dma_start3A_1537, %multiple_of3A_1530] : memref<32x1000000xf32, #tpu.memory_space<hbm>> -> memref<32x128xf32, #tpu.memory_space<hbm>>
        %dma_start3A_1539 = arith.constant 0 : i32
        %dma_start3A_1540 = arith.constant 0 : i32
        %dma_start3A_1541 = tpu.memref_slice %arg6[%dma_start3A_1531, %dma_start3A_1532, %dma_start3A_1539, %dma_start3A_1540] : memref<8x2x32x128xf32, #tpu.memory_space<vmem>> -> memref<1x1x32x128xf32, #tpu.memory_space<vmem>>
        %dma_start3A_1542 = tpu.memref_squeeze %dma_start3A_1541 : memref<1x1x32x128xf32, #tpu.memory_space<vmem>> -> memref<32x128xf32, #tpu.memory_space<vmem>>
        %dma_start3A_1543 = arith.constant 0 : i32
        %dma_start3A_1544 = tpu.memref_slice %arg2[%dma_start3A_1543, %multiple_of3A_1530] : memref<32x1000000xf32, #tpu.memory_space<hbm>> -> memref<32x128xf32, #tpu.memory_space<hbm>>
        tpu.enqueue_dma source(%dma_start3A_1544 : memref<32x128xf32, #tpu.memory_space<hbm>>) target(%dma_start3A_1542 : memref<32x128xf32, #tpu.memory_space<vmem>>) target_semaphore(%arg13 : memref<!tpu.dma_semaphore, #tpu.memory_space<semaphore_mem>>)
      } else {
      }
      %mul3A_1237 = arith.constant 8 : i32
      %mul3A_1238 = arith.muli %scan3A_458, %mul3A_1237 : i32
      %add3A_1239 = arith.constant 6 : i32
      %add3A_1240 = arith.addi %mul3A_1238, %add3A_1239 : i32
      %dma_wait3A_1241 = arith.constant 6 : i32
      %dma_wait3A_1242 = arith.constant 0 : i32
      %dma_wait3A_1243 = arith.constant 0 : i32
      %dma_wait3A_1244 = arith.constant 0 : i32
      %dma_wait3A_1245 = tpu.memref_slice %arg6[%dma_wait3A_1241, %dma_wait3A_1242, %dma_wait3A_1243, %dma_wait3A_1244] : memref<8x2x32x128xf32, #tpu.memory_space<vmem>> -> memref<1x1x32x128xf32, #tpu.memory_space<vmem>>
      %dma_wait3A_1246 = tpu.memref_squeeze %dma_wait3A_1245 : memref<1x1x32x128xf32, #tpu.memory_space<vmem>> -> memref<32x128xf32, #tpu.memory_space<vmem>>
      %dma_wait3A_1247 = arith.constant 0 : i32
      %dma_wait3A_1248 = arith.constant 0 : i32
      %dma_wait3A_1249 = tpu.memref_slice %arg2[%dma_wait3A_1247, %dma_wait3A_1248] : memref<32x1000000xf32, #tpu.memory_space<hbm>> -> memref<32x128xf32, #tpu.memory_space<hbm>>
      %dma_wait3A_1250 = arith.constant 0 : i32
      %dma_wait3A_1251 = arith.constant 0 : i32
      %dma_wait3A_1252 = tpu.memref_slice %arg6[%dma_wait3A_1241, %dma_wait3A_1242, %dma_wait3A_1250, %dma_wait3A_1251] : memref<8x2x32x128xf32, #tpu.memory_space<vmem>> -> memref<1x1x32x128xf32, #tpu.memory_space<vmem>>
      %dma_wait3A_1253 = tpu.memref_squeeze %dma_wait3A_1252 : memref<1x1x32x128xf32, #tpu.memory_space<vmem>> -> memref<32x128xf32, #tpu.memory_space<vmem>>
      %dma_wait3A_1254 = arith.constant 0 : i32
      %dma_wait3A_1255 = arith.constant 0 : i32
      %dma_wait3A_1256 = tpu.memref_slice %arg2[%dma_wait3A_1254, %dma_wait3A_1255] : memref<32x1000000xf32, #tpu.memory_space<hbm>> -> memref<32x128xf32, #tpu.memory_space<hbm>>
      tpu.wait_dma2 semaphore(%arg14 : memref<!tpu.dma_semaphore, #tpu.memory_space<semaphore_mem>>) src(%dma_wait3A_1256 : memref<32x128xf32, #tpu.memory_space<hbm>>) dst(%dma_wait3A_1253 : memref<32x128xf32, #tpu.memory_space<vmem>>)
      %dma_wait3A_1257 = arith.constant 6 : i32
      %dma_wait3A_1258 = arith.constant 1 : i32
      %dma_wait3A_1259 = arith.constant 0 : i32
      %dma_wait3A_1260 = arith.constant 0 : i32
      %dma_wait3A_1261 = tpu.memref_slice %arg6[%dma_wait3A_1257, %dma_wait3A_1258, %dma_wait3A_1259, %dma_wait3A_1260] : memref<8x2x32x128xf32, #tpu.memory_space<vmem>> -> memref<1x1x32x128xf32, #tpu.memory_space<vmem>>
      %dma_wait3A_1262 = tpu.memref_squeeze %dma_wait3A_1261 : memref<1x1x32x128xf32, #tpu.memory_space<vmem>> -> memref<32x128xf32, #tpu.memory_space<vmem>>
      %dma_wait3A_1263 = arith.constant 0 : i32
      %dma_wait3A_1264 = arith.constant 0 : i32
      %dma_wait3A_1265 = tpu.memref_slice %arg2[%dma_wait3A_1263, %dma_wait3A_1264] : memref<32x1000000xf32, #tpu.memory_space<hbm>> -> memref<32x128xf32, #tpu.memory_space<hbm>>
      %dma_wait3A_1266 = arith.constant 0 : i32
      %dma_wait3A_1267 = arith.constant 0 : i32
      %dma_wait3A_1268 = tpu.memref_slice %arg6[%dma_wait3A_1257, %dma_wait3A_1258, %dma_wait3A_1266, %dma_wait3A_1267] : memref<8x2x32x128xf32, #tpu.memory_space<vmem>> -> memref<1x1x32x128xf32, #tpu.memory_space<vmem>>
      %dma_wait3A_1269 = tpu.memref_squeeze %dma_wait3A_1268 : memref<1x1x32x128xf32, #tpu.memory_space<vmem>> -> memref<32x128xf32, #tpu.memory_space<vmem>>
      %dma_wait3A_1270 = arith.constant 0 : i32
      %dma_wait3A_1271 = arith.constant 0 : i32
      %dma_wait3A_1272 = tpu.memref_slice %arg2[%dma_wait3A_1270, %dma_wait3A_1271] : memref<32x1000000xf32, #tpu.memory_space<hbm>> -> memref<32x128xf32, #tpu.memory_space<hbm>>
      tpu.wait_dma2 semaphore(%arg14 : memref<!tpu.dma_semaphore, #tpu.memory_space<semaphore_mem>>) src(%dma_wait3A_1272 : memref<32x128xf32, #tpu.memory_space<hbm>>) dst(%dma_wait3A_1269 : memref<32x128xf32, #tpu.memory_space<vmem>>)
      %ge3A_1273 = arith.constant 1 : i32
      %ge3A_1274 = arith.cmpi sge, %scan3A_458, %ge3A_1273 : i32
      %convert_element_type3A_1275 = arith.extui %ge3A_1274 : i1 to i32
      %cond3A_1276 = arith.constant 0 : i32
      %cond3A_1277 = arith.cmpi ne, %convert_element_type3A_1275, %cond3A_1276 : i32
      scf.if %cond3A_1277 {
        %sub3A = arith.constant 8 : i32
        %sub3A_1499 = arith.subi %add3A_1240, %sub3A : i32
        %mul3A_1500 = arith.constant 2 : i32
        %mul3A_1501 = arith.muli %sub3A_1499, %mul3A_1500 : i32
        %dma_wait3A_1502 = arith.constant 6 : i32
        %dma_wait3A_1503 = arith.constant 0 : i32
        %dma_wait3A_1504 = arith.constant 0 : i32
        %dma_wait3A_1505 = tpu.memref_slice %arg7[%dma_wait3A_1502, %dma_wait3A_1503, %dma_wait3A_1504] : memref<8x2x32xf32, #tpu.memory_space<vmem>> -> memref<1x2x32xf32, #tpu.memory_space<vmem>>
        %dma_wait3A_1506 = tpu.memref_squeeze %dma_wait3A_1505 : memref<1x2x32xf32, #tpu.memory_space<vmem>> -> memref<2x32xf32, #tpu.memory_space<vmem>>
        %dma_wait3A_1507 = arith.constant 0 : i32
        %dma_wait3A_1508 = tpu.memref_slice %arg4[%mul3A_1501, %dma_wait3A_1507] : memref<16384x32xf32, #tpu.memory_space<hbm>> -> memref<2x32xf32, #tpu.memory_space<hbm>>
        %dma_wait3A_1509 = arith.constant 0 : i32
        %dma_wait3A_1510 = tpu.memref_slice %arg4[%mul3A_1501, %dma_wait3A_1509] : memref<16384x32xf32, #tpu.memory_space<hbm>> -> memref<2x32xf32, #tpu.memory_space<hbm>>
        %dma_wait3A_1511 = arith.constant 0 : i32
        %dma_wait3A_1512 = arith.constant 0 : i32
        %dma_wait3A_1513 = tpu.memref_slice %arg7[%dma_wait3A_1502, %dma_wait3A_1511, %dma_wait3A_1512] : memref<8x2x32xf32, #tpu.memory_space<vmem>> -> memref<1x2x32xf32, #tpu.memory_space<vmem>>
        %dma_wait3A_1514 = tpu.memref_squeeze %dma_wait3A_1513 : memref<1x2x32xf32, #tpu.memory_space<vmem>> -> memref<2x32xf32, #tpu.memory_space<vmem>>
        tpu.wait_dma2 semaphore(%arg22 : memref<!tpu.dma_semaphore, #tpu.memory_space<semaphore_mem>>) src(%dma_wait3A_1514 : memref<2x32xf32, #tpu.memory_space<vmem>>) dst(%dma_wait3A_1510 : memref<2x32xf32, #tpu.memory_space<hbm>>)
      } else {
      }
      %mul3A_1278 = arith.constant 2 : i32
      %mul3A_1279 = arith.muli %add3A_1240, %mul3A_1278 : i32
      %get3A_1280 = arith.index_cast %mul3A_1279 : i32 to index
      %get3A_1281 = tpu.vector_load %arg5[%get3A_1280] {strides = array<i32>} : memref<528xi32, #tpu.memory_space<vmem>>, vector<16xi32>,
      %and3A_1282 = arith.constant 127 : i32
      %and3A_1283 = vector.broadcast %and3A_1282 : i32 to vector<16xi32>
      %and3A_1284 = arith.andi %get3A_1281, %and3A_1283 : vector<16xi32>
      %broadcast_in_dim3A_1285 = arith.constant 0 : i32
      %broadcast_in_dim3A_1286 = vector.broadcast %broadcast_in_dim3A_1285 : i32 to vector<16xi32>
      %slice3A_1287 = vector.extract_strided_slice %and3A_1284 {offsets = [0], sizes = [1], strides = [1]} : vector<16xi32> to vector<1xi32>
      %squeeze3A_1288 = vector.extract %slice3A_1287[0] : i32 from vector<1xi32>
      %broadcast_in_dim3A_1289 = vector.broadcast %squeeze3A_1288 : i32 to vector<16xi32>
      %gather3A_1290 = arith.constant 6 : i32
      %gather3A_1291 = arith.constant 0 : i32
      %gather3A_1292 = arith.constant 0 : i32
      %gather3A_1293 = arith.constant 0 : i32
      %gather3A_1294 = tpu.memref_slice %arg6[%gather3A_1290, %gather3A_1291, %gather3A_1292, %gather3A_1293] : memref<8x2x32x128xf32, #tpu.memory_space<vmem>> -> memref<1x2x32x128xf32, #tpu.memory_space<vmem>>
      %gather3A_1295 = tpu.memref_squeeze %gather3A_1294 : memref<1x2x32x128xf32, #tpu.memory_space<vmem>> -> memref<2x32x128xf32, #tpu.memory_space<vmem>>
      %gather3A_1296 = tpu.vector_load_idx %gather3A_1295[%broadcast_in_dim3A_1286, %iota3A, %broadcast_in_dim3A_1289] : memref<2x32x128xf32, #tpu.memory_space<vmem>>[vector<16xi32>, vector<16xi32>, vector<16xi32>], vector<16xf32>,
      %gather3A_1297 = arith.constant 6 : i32
      %gather3A_1298 = arith.constant 0 : i32
      %gather3A_1299 = arith.constant 0 : i32
      %gather3A_1300 = arith.constant 0 : i32
      %gather3A_1301 = tpu.memref_slice %arg6[%gather3A_1297, %gather3A_1298, %gather3A_1299, %gather3A_1300] : memref<8x2x32x128xf32, #tpu.memory_space<vmem>> -> memref<1x2x32x128xf32, #tpu.memory_space<vmem>>
      %gather3A_1302 = tpu.memref_squeeze %gather3A_1301 : memref<1x2x32x128xf32, #tpu.memory_space<vmem>> -> memref<2x32x128xf32, #tpu.memory_space<vmem>>
      %gather3A_1303 = tpu.vector_load_idx %gather3A_1302[%broadcast_in_dim3A_1286, %add3A_5, %broadcast_in_dim3A_1289] : memref<2x32x128xf32, #tpu.memory_space<vmem>>[vector<16xi32>, vector<16xi32>, vector<16xi32>], vector<16xf32>,
      %swap3A_1304 = arith.constant 6 : i32
      %swap3A_1305 = arith.constant 0 : i32
      %swap3A_1306 = arith.index_cast %swap3A_1304 : i32 to index
      %swap3A_1307 = arith.index_cast %swap3A_1305 : i32 to index
      %swap3A_1308 = arith.constant 0 : index
      %swap3A_1309 = tpu.vector_load %arg7[%swap3A_1306, %swap3A_1307, %swap3A_1308] {strides = array<i32>} : memref<8x2x32xf32, #tpu.memory_space<vmem>>, vector<16xf32>,
      tpu.vector_store %arg7[%swap3A_1306, %swap3A_1307, %swap3A_1308], %gather3A_1296 {strides = array<i32>} : memref<8x2x32xf32, #tpu.memory_space<vmem>>, vector<16xf32>,
      %swap3A_1310 = arith.constant 6 : i32
      %swap3A_1311 = arith.constant 0 : i32
      %swap3A_1312 = arith.index_cast %swap3A_1310 : i32 to index
      %swap3A_1313 = arith.index_cast %swap3A_1311 : i32 to index
      %swap3A_1314 = arith.constant 16 : index
      %swap3A_1315 = tpu.vector_load %arg7[%swap3A_1312, %swap3A_1313, %swap3A_1314] {strides = array<i32>} : memref<8x2x32xf32, #tpu.memory_space<vmem>>, vector<16xf32>,
      tpu.vector_store %arg7[%swap3A_1312, %swap3A_1313, %swap3A_1314], %gather3A_1303 {strides = array<i32>} : memref<8x2x32xf32, #tpu.memory_space<vmem>>, vector<16xf32>,
      %broadcast_in_dim3A_1316 = arith.constant 1 : i32
      %broadcast_in_dim3A_1317 = vector.broadcast %broadcast_in_dim3A_1316 : i32 to vector<16xi32>
      %slice3A_1318 = vector.extract_strided_slice %and3A_1284 {offsets = [1], sizes = [1], strides = [1]} : vector<16xi32> to vector<1xi32>
      %squeeze3A_1319 = vector.extract %slice3A_1318[0] : i32 from vector<1xi32>
      %broadcast_in_dim3A_1320 = vector.broadcast %squeeze3A_1319 : i32 to vector<16xi32>
      %gather3A_1321 = arith.constant 6 : i32
      %gather3A_1322 = arith.constant 0 : i32
      %gather3A_1323 = arith.constant 0 : i32
      %gather3A_1324 = arith.constant 0 : i32
      %gather3A_1325 = tpu.memref_slice %arg6[%gather3A_1321, %gather3A_1322, %gather3A_1323, %gather3A_1324] : memref<8x2x32x128xf32, #tpu.memory_space<vmem>> -> memref<1x2x32x128xf32, #tpu.memory_space<vmem>>
      %gather3A_1326 = tpu.memref_squeeze %gather3A_1325 : memref<1x2x32x128xf32, #tpu.memory_space<vmem>> -> memref<2x32x128xf32, #tpu.memory_space<vmem>>
      %gather3A_1327 = tpu.vector_load_idx %gather3A_1326[%broadcast_in_dim3A_1317, %iota3A, %broadcast_in_dim3A_1320] : memref<2x32x128xf32, #tpu.memory_space<vmem>>[vector<16xi32>, vector<16xi32>, vector<16xi32>], vector<16xf32>,
      %gather3A_1328 = arith.constant 6 : i32
      %gather3A_1329 = arith.constant 0 : i32
      %gather3A_1330 = arith.constant 0 : i32
      %gather3A_1331 = arith.constant 0 : i32
      %gather3A_1332 = tpu.memref_slice %arg6[%gather3A_1328, %gather3A_1329, %gather3A_1330, %gather3A_1331] : memref<8x2x32x128xf32, #tpu.memory_space<vmem>> -> memref<1x2x32x128xf32, #tpu.memory_space<vmem>>
      %gather3A_1333 = tpu.memref_squeeze %gather3A_1332 : memref<1x2x32x128xf32, #tpu.memory_space<vmem>> -> memref<2x32x128xf32, #tpu.memory_space<vmem>>
      %gather3A_1334 = tpu.vector_load_idx %gather3A_1333[%broadcast_in_dim3A_1317, %add3A_5, %broadcast_in_dim3A_1320] : memref<2x32x128xf32, #tpu.memory_space<vmem>>[vector<16xi32>, vector<16xi32>, vector<16xi32>], vector<16xf32>,
      %swap3A_1335 = arith.constant 6 : i32
      %swap3A_1336 = arith.constant 1 : i32
      %swap3A_1337 = arith.index_cast %swap3A_1335 : i32 to index
      %swap3A_1338 = arith.index_cast %swap3A_1336 : i32 to index
      %swap3A_1339 = arith.constant 0 : index
      %swap3A_1340 = tpu.vector_load %arg7[%swap3A_1337, %swap3A_1338, %swap3A_1339] {strides = array<i32>} : memref<8x2x32xf32, #tpu.memory_space<vmem>>, vector<16xf32>,
      tpu.vector_store %arg7[%swap3A_1337, %swap3A_1338, %swap3A_1339], %gather3A_1327 {strides = array<i32>} : memref<8x2x32xf32, #tpu.memory_space<vmem>>, vector<16xf32>,
      %swap3A_1341 = arith.constant 6 : i32
      %swap3A_1342 = arith.constant 1 : i32
      %swap3A_1343 = arith.index_cast %swap3A_1341 : i32 to index
      %swap3A_1344 = arith.index_cast %swap3A_1342 : i32 to index
      %swap3A_1345 = arith.constant 16 : index
      %swap3A_1346 = tpu.vector_load %arg7[%swap3A_1343, %swap3A_1344, %swap3A_1345] {strides = array<i32>} : memref<8x2x32xf32, #tpu.memory_space<vmem>>, vector<16xf32>,
      tpu.vector_store %arg7[%swap3A_1343, %swap3A_1344, %swap3A_1345], %gather3A_1334 {strides = array<i32>} : memref<8x2x32xf32, #tpu.memory_space<vmem>>, vector<16xf32>,
      %mul3A_1347 = arith.constant 2 : i32
      %mul3A_1348 = arith.muli %add3A_1240, %mul3A_1347 : i32
      %add3A_1349 = arith.addi %mul3A_2, %mul3A_1348 : i32
      %dma_start3A_1350 = arith.constant 6 : i32
      %dma_start3A_1351 = arith.constant 0 : i32
      %dma_start3A_1352 = arith.constant 0 : i32
      %dma_start3A_1353 = tpu.memref_slice %arg7[%dma_start3A_1350, %dma_start3A_1351, %dma_start3A_1352] : memref<8x2x32xf32, #tpu.memory_space<vmem>> -> memref<1x2x32xf32, #tpu.memory_space<vmem>>
      %dma_start3A_1354 = tpu.memref_squeeze %dma_start3A_1353 : memref<1x2x32xf32, #tpu.memory_space<vmem>> -> memref<2x32xf32, #tpu.memory_space<vmem>>
      %dma_start3A_1355 = arith.constant 0 : i32
      %dma_start3A_1356 = tpu.memref_slice %arg4[%add3A_1349, %dma_start3A_1355] : memref<16384x32xf32, #tpu.memory_space<hbm>> -> memref<2x32xf32, #tpu.memory_space<hbm>>
      %dma_start3A_1357 = arith.constant 0 : i32
      %dma_start3A_1358 = tpu.memref_slice %arg4[%add3A_1349, %dma_start3A_1357] : memref<16384x32xf32, #tpu.memory_space<hbm>> -> memref<2x32xf32, #tpu.memory_space<hbm>>
      %dma_start3A_1359 = arith.constant 0 : i32
      %dma_start3A_1360 = arith.constant 0 : i32
      %dma_start3A_1361 = tpu.memref_slice %arg7[%dma_start3A_1350, %dma_start3A_1359, %dma_start3A_1360] : memref<8x2x32xf32, #tpu.memory_space<vmem>> -> memref<1x2x32xf32, #tpu.memory_space<vmem>>
      %dma_start3A_1362 = tpu.memref_squeeze %dma_start3A_1361 : memref<1x2x32xf32, #tpu.memory_space<vmem>> -> memref<2x32xf32, #tpu.memory_space<vmem>>
      tpu.enqueue_dma source(%dma_start3A_1362 : memref<2x32xf32, #tpu.memory_space<vmem>>) target(%dma_start3A_1358 : memref<2x32xf32, #tpu.memory_space<hbm>>) target_semaphore(%arg22 : memref<!tpu.dma_semaphore, #tpu.memory_space<semaphore_mem>>)
      %lt3A_1363 = arith.constant 31 : i32
      %lt3A_1364 = arith.cmpi slt, %scan3A_458, %lt3A_1363 : i32
      %convert_element_type3A_1365 = arith.extui %lt3A_1364 : i1 to i32
      %cond3A_1366 = arith.constant 0 : i32
      %cond3A_1367 = arith.cmpi ne, %convert_element_type3A_1365, %cond3A_1366 : i32
      scf.if %cond3A_1367 {
        %add3A_1499 = arith.constant 8 : i32
        %add3A_1500 = arith.addi %add3A_1240, %add3A_1499 : i32
        %mul3A_1501 = arith.constant 2 : i32
        %mul3A_1502 = arith.muli %add3A_1500, %mul3A_1501 : i32
        %get3A_1503 = arith.index_cast %mul3A_1502 : i32 to index
        %get3A_1504 = tpu.vector_load %arg5[%get3A_1503] {strides = array<i32>} : memref<528xi32, #tpu.memory_space<vmem>>, vector<16xi32>,
        %shift_right_arithmetic3A_1505 = arith.constant 7 : i32
        %shift_right_arithmetic3A_1506 = vector.broadcast %shift_right_arithmetic3A_1505 : i32 to vector<16xi32>
        %shift_right_arithmetic3A_1507 = arith.shrsi %get3A_1504, %shift_right_arithmetic3A_1506 : vector<16xi32>
        %shift_left3A_1508 = arith.constant 7 : i32
        %shift_left3A_1509 = vector.broadcast %shift_left3A_1508 : i32 to vector<16xi32>
        %shift_left3A_1510 = arith.shli %shift_right_arithmetic3A_1507, %shift_left3A_1509 : vector<16xi32>
        %slice3A_1511 = vector.extract_strided_slice %shift_left3A_1510 {offsets = [0], sizes = [1], strides = [1]} : vector<16xi32> to vector<1xi32>
        %squeeze3A_1512 = vector.extract %slice3A_1511[0] : i32 from vector<1xi32>
        %multiple_of3A_1513 = tpu.assume_multiple %squeeze3A_1512, 128 : i32
        %dma_start3A_1514 = arith.constant 6 : i32
        %dma_start3A_1515 = arith.constant 0 : i32
        %dma_start3A_1516 = arith.constant 0 : i32
        %dma_start3A_1517 = arith.constant 0 : i32
        %dma_start3A_1518 = tpu.memref_slice %arg6[%dma_start3A_1514, %dma_start3A_1515, %dma_start3A_1516, %dma_start3A_1517] : memref<8x2x32x128xf32, #tpu.memory_space<vmem>> -> memref<1x1x32x128xf32, #tpu.memory_space<vmem>>
        %dma_start3A_1519 = tpu.memref_squeeze %dma_start3A_1518 : memref<1x1x32x128xf32, #tpu.memory_space<vmem>> -> memref<32x128xf32, #tpu.memory_space<vmem>>
        %dma_start3A_1520 = arith.constant 0 : i32
        %dma_start3A_1521 = tpu.memref_slice %arg2[%dma_start3A_1520, %multiple_of3A_1513] : memref<32x1000000xf32, #tpu.memory_space<hbm>> -> memref<32x128xf32, #tpu.memory_space<hbm>>
        %dma_start3A_1522 = arith.constant 0 : i32
        %dma_start3A_1523 = arith.constant 0 : i32
        %dma_start3A_1524 = tpu.memref_slice %arg6[%dma_start3A_1514, %dma_start3A_1515, %dma_start3A_1522, %dma_start3A_1523] : memref<8x2x32x128xf32, #tpu.memory_space<vmem>> -> memref<1x1x32x128xf32, #tpu.memory_space<vmem>>
        %dma_start3A_1525 = tpu.memref_squeeze %dma_start3A_1524 : memref<1x1x32x128xf32, #tpu.memory_space<vmem>> -> memref<32x128xf32, #tpu.memory_space<vmem>>
        %dma_start3A_1526 = arith.constant 0 : i32
        %dma_start3A_1527 = tpu.memref_slice %arg2[%dma_start3A_1526, %multiple_of3A_1513] : memref<32x1000000xf32, #tpu.memory_space<hbm>> -> memref<32x128xf32, #tpu.memory_space<hbm>>
        tpu.enqueue_dma source(%dma_start3A_1527 : memref<32x128xf32, #tpu.memory_space<hbm>>) target(%dma_start3A_1525 : memref<32x128xf32, #tpu.memory_space<vmem>>) target_semaphore(%arg14 : memref<!tpu.dma_semaphore, #tpu.memory_space<semaphore_mem>>)
        %slice3A_1528 = vector.extract_strided_slice %shift_left3A_1510 {offsets = [1], sizes = [1], strides = [1]} : vector<16xi32> to vector<1xi32>
        %squeeze3A_1529 = vector.extract %slice3A_1528[0] : i32 from vector<1xi32>
        %multiple_of3A_1530 = tpu.assume_multiple %squeeze3A_1529, 128 : i32
        %dma_start3A_1531 = arith.constant 6 : i32
        %dma_start3A_1532 = arith.constant 1 : i32
        %dma_start3A_1533 = arith.constant 0 : i32
        %dma_start3A_1534 = arith.constant 0 : i32
        %dma_start3A_1535 = tpu.memref_slice %arg6[%dma_start3A_1531, %dma_start3A_1532, %dma_start3A_1533, %dma_start3A_1534] : memref<8x2x32x128xf32, #tpu.memory_space<vmem>> -> memref<1x1x32x128xf32, #tpu.memory_space<vmem>>
        %dma_start3A_1536 = tpu.memref_squeeze %dma_start3A_1535 : memref<1x1x32x128xf32, #tpu.memory_space<vmem>> -> memref<32x128xf32, #tpu.memory_space<vmem>>
        %dma_start3A_1537 = arith.constant 0 : i32
        %dma_start3A_1538 = tpu.memref_slice %arg2[%dma_start3A_1537, %multiple_of3A_1530] : memref<32x1000000xf32, #tpu.memory_space<hbm>> -> memref<32x128xf32, #tpu.memory_space<hbm>>
        %dma_start3A_1539 = arith.constant 0 : i32
        %dma_start3A_1540 = arith.constant 0 : i32
        %dma_start3A_1541 = tpu.memref_slice %arg6[%dma_start3A_1531, %dma_start3A_1532, %dma_start3A_1539, %dma_start3A_1540] : memref<8x2x32x128xf32, #tpu.memory_space<vmem>> -> memref<1x1x32x128xf32, #tpu.memory_space<vmem>>
        %dma_start3A_1542 = tpu.memref_squeeze %dma_start3A_1541 : memref<1x1x32x128xf32, #tpu.memory_space<vmem>> -> memref<32x128xf32, #tpu.memory_space<vmem>>
        %dma_start3A_1543 = arith.constant 0 : i32
        %dma_start3A_1544 = tpu.memref_slice %arg2[%dma_start3A_1543, %multiple_of3A_1530] : memref<32x1000000xf32, #tpu.memory_space<hbm>> -> memref<32x128xf32, #tpu.memory_space<hbm>>
        tpu.enqueue_dma source(%dma_start3A_1544 : memref<32x128xf32, #tpu.memory_space<hbm>>) target(%dma_start3A_1542 : memref<32x128xf32, #tpu.memory_space<vmem>>) target_semaphore(%arg14 : memref<!tpu.dma_semaphore, #tpu.memory_space<semaphore_mem>>)
      } else {
      }
      %mul3A_1368 = arith.constant 8 : i32
      %mul3A_1369 = arith.muli %scan3A_458, %mul3A_1368 : i32
      %add3A_1370 = arith.constant 7 : i32
      %add3A_1371 = arith.addi %mul3A_1369, %add3A_1370 : i32
      %dma_wait3A_1372 = arith.constant 7 : i32
      %dma_wait3A_1373 = arith.constant 0 : i32
      %dma_wait3A_1374 = arith.constant 0 : i32
      %dma_wait3A_1375 = arith.constant 0 : i32
      %dma_wait3A_1376 = tpu.memref_slice %arg6[%dma_wait3A_1372, %dma_wait3A_1373, %dma_wait3A_1374, %dma_wait3A_1375] : memref<8x2x32x128xf32, #tpu.memory_space<vmem>> -> memref<1x1x32x128xf32, #tpu.memory_space<vmem>>
      %dma_wait3A_1377 = tpu.memref_squeeze %dma_wait3A_1376 : memref<1x1x32x128xf32, #tpu.memory_space<vmem>> -> memref<32x128xf32, #tpu.memory_space<vmem>>
      %dma_wait3A_1378 = arith.constant 0 : i32
      %dma_wait3A_1379 = arith.constant 0 : i32
      %dma_wait3A_1380 = tpu.memref_slice %arg2[%dma_wait3A_1378, %dma_wait3A_1379] : memref<32x1000000xf32, #tpu.memory_space<hbm>> -> memref<32x128xf32, #tpu.memory_space<hbm>>
      %dma_wait3A_1381 = arith.constant 0 : i32
      %dma_wait3A_1382 = arith.constant 0 : i32
      %dma_wait3A_1383 = tpu.memref_slice %arg6[%dma_wait3A_1372, %dma_wait3A_1373, %dma_wait3A_1381, %dma_wait3A_1382] : memref<8x2x32x128xf32, #tpu.memory_space<vmem>> -> memref<1x1x32x128xf32, #tpu.memory_space<vmem>>
      %dma_wait3A_1384 = tpu.memref_squeeze %dma_wait3A_1383 : memref<1x1x32x128xf32, #tpu.memory_space<vmem>> -> memref<32x128xf32, #tpu.memory_space<vmem>>
      %dma_wait3A_1385 = arith.constant 0 : i32
      %dma_wait3A_1386 = arith.constant 0 : i32
      %dma_wait3A_1387 = tpu.memref_slice %arg2[%dma_wait3A_1385, %dma_wait3A_1386] : memref<32x1000000xf32, #tpu.memory_space<hbm>> -> memref<32x128xf32, #tpu.memory_space<hbm>>
      tpu.wait_dma2 semaphore(%arg15 : memref<!tpu.dma_semaphore, #tpu.memory_space<semaphore_mem>>) src(%dma_wait3A_1387 : memref<32x128xf32, #tpu.memory_space<hbm>>) dst(%dma_wait3A_1384 : memref<32x128xf32, #tpu.memory_space<vmem>>)
      %dma_wait3A_1388 = arith.constant 7 : i32
      %dma_wait3A_1389 = arith.constant 1 : i32
      %dma_wait3A_1390 = arith.constant 0 : i32
      %dma_wait3A_1391 = arith.constant 0 : i32
      %dma_wait3A_1392 = tpu.memref_slice %arg6[%dma_wait3A_1388, %dma_wait3A_1389, %dma_wait3A_1390, %dma_wait3A_1391] : memref<8x2x32x128xf32, #tpu.memory_space<vmem>> -> memref<1x1x32x128xf32, #tpu.memory_space<vmem>>
      %dma_wait3A_1393 = tpu.memref_squeeze %dma_wait3A_1392 : memref<1x1x32x128xf32, #tpu.memory_space<vmem>> -> memref<32x128xf32, #tpu.memory_space<vmem>>
      %dma_wait3A_1394 = arith.constant 0 : i32
      %dma_wait3A_1395 = arith.constant 0 : i32
      %dma_wait3A_1396 = tpu.memref_slice %arg2[%dma_wait3A_1394, %dma_wait3A_1395] : memref<32x1000000xf32, #tpu.memory_space<hbm>> -> memref<32x128xf32, #tpu.memory_space<hbm>>
      %dma_wait3A_1397 = arith.constant 0 : i32
      %dma_wait3A_1398 = arith.constant 0 : i32
      %dma_wait3A_1399 = tpu.memref_slice %arg6[%dma_wait3A_1388, %dma_wait3A_1389, %dma_wait3A_1397, %dma_wait3A_1398] : memref<8x2x32x128xf32, #tpu.memory_space<vmem>> -> memref<1x1x32x128xf32, #tpu.memory_space<vmem>>
      %dma_wait3A_1400 = tpu.memref_squeeze %dma_wait3A_1399 : memref<1x1x32x128xf32, #tpu.memory_space<vmem>> -> memref<32x128xf32, #tpu.memory_space<vmem>>
      %dma_wait3A_1401 = arith.constant 0 : i32
      %dma_wait3A_1402 = arith.constant 0 : i32
      %dma_wait3A_1403 = tpu.memref_slice %arg2[%dma_wait3A_1401, %dma_wait3A_1402] : memref<32x1000000xf32, #tpu.memory_space<hbm>> -> memref<32x128xf32, #tpu.memory_space<hbm>>
      tpu.wait_dma2 semaphore(%arg15 : memref<!tpu.dma_semaphore, #tpu.memory_space<semaphore_mem>>) src(%dma_wait3A_1403 : memref<32x128xf32, #tpu.memory_space<hbm>>) dst(%dma_wait3A_1400 : memref<32x128xf32, #tpu.memory_space<vmem>>)
      %ge3A_1404 = arith.constant 1 : i32
      %ge3A_1405 = arith.cmpi sge, %scan3A_458, %ge3A_1404 : i32
      %convert_element_type3A_1406 = arith.extui %ge3A_1405 : i1 to i32
      %cond3A_1407 = arith.constant 0 : i32
      %cond3A_1408 = arith.cmpi ne, %convert_element_type3A_1406, %cond3A_1407 : i32
      scf.if %cond3A_1408 {
        %sub3A = arith.constant 8 : i32
        %sub3A_1499 = arith.subi %add3A_1371, %sub3A : i32
        %mul3A_1500 = arith.constant 2 : i32
        %mul3A_1501 = arith.muli %sub3A_1499, %mul3A_1500 : i32
        %dma_wait3A_1502 = arith.constant 7 : i32
        %dma_wait3A_1503 = arith.constant 0 : i32
        %dma_wait3A_1504 = arith.constant 0 : i32
        %dma_wait3A_1505 = tpu.memref_slice %arg7[%dma_wait3A_1502, %dma_wait3A_1503, %dma_wait3A_1504] : memref<8x2x32xf32, #tpu.memory_space<vmem>> -> memref<1x2x32xf32, #tpu.memory_space<vmem>>
        %dma_wait3A_1506 = tpu.memref_squeeze %dma_wait3A_1505 : memref<1x2x32xf32, #tpu.memory_space<vmem>> -> memref<2x32xf32, #tpu.memory_space<vmem>>
        %dma_wait3A_1507 = arith.constant 0 : i32
        %dma_wait3A_1508 = tpu.memref_slice %arg4[%mul3A_1501, %dma_wait3A_1507] : memref<16384x32xf32, #tpu.memory_space<hbm>> -> memref<2x32xf32, #tpu.memory_space<hbm>>
        %dma_wait3A_1509 = arith.constant 0 : i32
        %dma_wait3A_1510 = tpu.memref_slice %arg4[%mul3A_1501, %dma_wait3A_1509] : memref<16384x32xf32, #tpu.memory_space<hbm>> -> memref<2x32xf32, #tpu.memory_space<hbm>>
        %dma_wait3A_1511 = arith.constant 0 : i32
        %dma_wait3A_1512 = arith.constant 0 : i32
        %dma_wait3A_1513 = tpu.memref_slice %arg7[%dma_wait3A_1502, %dma_wait3A_1511, %dma_wait3A_1512] : memref<8x2x32xf32, #tpu.memory_space<vmem>> -> memref<1x2x32xf32, #tpu.memory_space<vmem>>
        %dma_wait3A_1514 = tpu.memref_squeeze %dma_wait3A_1513 : memref<1x2x32xf32, #tpu.memory_space<vmem>> -> memref<2x32xf32, #tpu.memory_space<vmem>>
        tpu.wait_dma2 semaphore(%arg23 : memref<!tpu.dma_semaphore, #tpu.memory_space<semaphore_mem>>) src(%dma_wait3A_1514 : memref<2x32xf32, #tpu.memory_space<vmem>>) dst(%dma_wait3A_1510 : memref<2x32xf32, #tpu.memory_space<hbm>>)
      } else {
      }
      %mul3A_1409 = arith.constant 2 : i32
      %mul3A_1410 = arith.muli %add3A_1371, %mul3A_1409 : i32
      %get3A_1411 = arith.index_cast %mul3A_1410 : i32 to index
      %get3A_1412 = tpu.vector_load %arg5[%get3A_1411] {strides = array<i32>} : memref<528xi32, #tpu.memory_space<vmem>>, vector<16xi32>,
      %and3A_1413 = arith.constant 127 : i32
      %and3A_1414 = vector.broadcast %and3A_1413 : i32 to vector<16xi32>
      %and3A_1415 = arith.andi %get3A_1412, %and3A_1414 : vector<16xi32>
      %broadcast_in_dim3A_1416 = arith.constant 0 : i32
      %broadcast_in_dim3A_1417 = vector.broadcast %broadcast_in_dim3A_1416 : i32 to vector<16xi32>
      %slice3A_1418 = vector.extract_strided_slice %and3A_1415 {offsets = [0], sizes = [1], strides = [1]} : vector<16xi32> to vector<1xi32>
      %squeeze3A_1419 = vector.extract %slice3A_1418[0] : i32 from vector<1xi32>
      %broadcast_in_dim3A_1420 = vector.broadcast %squeeze3A_1419 : i32 to vector<16xi32>
      %gather3A_1421 = arith.constant 7 : i32
      %gather3A_1422 = arith.constant 0 : i32
      %gather3A_1423 = arith.constant 0 : i32
      %gather3A_1424 = arith.constant 0 : i32
      %gather3A_1425 = tpu.memref_slice %arg6[%gather3A_1421, %gather3A_1422, %gather3A_1423, %gather3A_1424] : memref<8x2x32x128xf32, #tpu.memory_space<vmem>> -> memref<1x2x32x128xf32, #tpu.memory_space<vmem>>
      %gather3A_1426 = tpu.memref_squeeze %gather3A_1425 : memref<1x2x32x128xf32, #tpu.memory_space<vmem>> -> memref<2x32x128xf32, #tpu.memory_space<vmem>>
      %gather3A_1427 = tpu.vector_load_idx %gather3A_1426[%broadcast_in_dim3A_1417, %iota3A, %broadcast_in_dim3A_1420] : memref<2x32x128xf32, #tpu.memory_space<vmem>>[vector<16xi32>, vector<16xi32>, vector<16xi32>], vector<16xf32>,
      %gather3A_1428 = arith.constant 7 : i32
      %gather3A_1429 = arith.constant 0 : i32
      %gather3A_1430 = arith.constant 0 : i32
      %gather3A_1431 = arith.constant 0 : i32
      %gather3A_1432 = tpu.memref_slice %arg6[%gather3A_1428, %gather3A_1429, %gather3A_1430, %gather3A_1431] : memref<8x2x32x128xf32, #tpu.memory_space<vmem>> -> memref<1x2x32x128xf32, #tpu.memory_space<vmem>>
      %gather3A_1433 = tpu.memref_squeeze %gather3A_1432 : memref<1x2x32x128xf32, #tpu.memory_space<vmem>> -> memref<2x32x128xf32, #tpu.memory_space<vmem>>
      %gather3A_1434 = tpu.vector_load_idx %gather3A_1433[%broadcast_in_dim3A_1417, %add3A_5, %broadcast_in_dim3A_1420] : memref<2x32x128xf32, #tpu.memory_space<vmem>>[vector<16xi32>, vector<16xi32>, vector<16xi32>], vector<16xf32>,
      %swap3A_1435 = arith.constant 7 : i32
      %swap3A_1436 = arith.constant 0 : i32
      %swap3A_1437 = arith.index_cast %swap3A_1435 : i32 to index
      %swap3A_1438 = arith.index_cast %swap3A_1436 : i32 to index
      %swap3A_1439 = arith.constant 0 : index
      %swap3A_1440 = tpu.vector_load %arg7[%swap3A_1437, %swap3A_1438, %swap3A_1439] {strides = array<i32>} : memref<8x2x32xf32, #tpu.memory_space<vmem>>, vector<16xf32>,
      tpu.vector_store %arg7[%swap3A_1437, %swap3A_1438, %swap3A_1439], %gather3A_1427 {strides = array<i32>} : memref<8x2x32xf32, #tpu.memory_space<vmem>>, vector<16xf32>,
      %swap3A_1441 = arith.constant 7 : i32
      %swap3A_1442 = arith.constant 0 : i32
      %swap3A_1443 = arith.index_cast %swap3A_1441 : i32 to index
      %swap3A_1444 = arith.index_cast %swap3A_1442 : i32 to index
      %swap3A_1445 = arith.constant 16 : index
      %swap3A_1446 = tpu.vector_load %arg7[%swap3A_1443, %swap3A_1444, %swap3A_1445] {strides = array<i32>} : memref<8x2x32xf32, #tpu.memory_space<vmem>>, vector<16xf32>,
      tpu.vector_store %arg7[%swap3A_1443, %swap3A_1444, %swap3A_1445], %gather3A_1434 {strides = array<i32>} : memref<8x2x32xf32, #tpu.memory_space<vmem>>, vector<16xf32>,
      %broadcast_in_dim3A_1447 = arith.constant 1 : i32
      %broadcast_in_dim3A_1448 = vector.broadcast %broadcast_in_dim3A_1447 : i32 to vector<16xi32>
      %slice3A_1449 = vector.extract_strided_slice %and3A_1415 {offsets = [1], sizes = [1], strides = [1]} : vector<16xi32> to vector<1xi32>
      %squeeze3A_1450 = vector.extract %slice3A_1449[0] : i32 from vector<1xi32>
      %broadcast_in_dim3A_1451 = vector.broadcast %squeeze3A_1450 : i32 to vector<16xi32>
      %gather3A_1452 = arith.constant 7 : i32
      %gather3A_1453 = arith.constant 0 : i32
      %gather3A_1454 = arith.constant 0 : i32
      %gather3A_1455 = arith.constant 0 : i32
      %gather3A_1456 = tpu.memref_slice %arg6[%gather3A_1452, %gather3A_1453, %gather3A_1454, %gather3A_1455] : memref<8x2x32x128xf32, #tpu.memory_space<vmem>> -> memref<1x2x32x128xf32, #tpu.memory_space<vmem>>
      %gather3A_1457 = tpu.memref_squeeze %gather3A_1456 : memref<1x2x32x128xf32, #tpu.memory_space<vmem>> -> memref<2x32x128xf32, #tpu.memory_space<vmem>>
      %gather3A_1458 = tpu.vector_load_idx %gather3A_1457[%broadcast_in_dim3A_1448, %iota3A, %broadcast_in_dim3A_1451] : memref<2x32x128xf32, #tpu.memory_space<vmem>>[vector<16xi32>, vector<16xi32>, vector<16xi32>], vector<16xf32>,
      %gather3A_1459 = arith.constant 7 : i32
      %gather3A_1460 = arith.constant 0 : i32
      %gather3A_1461 = arith.constant 0 : i32
      %gather3A_1462 = arith.constant 0 : i32
      %gather3A_1463 = tpu.memref_slice %arg6[%gather3A_1459, %gather3A_1460, %gather3A_1461, %gather3A_1462] : memref<8x2x32x128xf32, #tpu.memory_space<vmem>> -> memref<1x2x32x128xf32, #tpu.memory_space<vmem>>
      %gather3A_1464 = tpu.memref_squeeze %gather3A_1463 : memref<1x2x32x128xf32, #tpu.memory_space<vmem>> -> memref<2x32x128xf32, #tpu.memory_space<vmem>>
      %gather3A_1465 = tpu.vector_load_idx %gather3A_1464[%broadcast_in_dim3A_1448, %add3A_5, %broadcast_in_dim3A_1451] : memref<2x32x128xf32, #tpu.memory_space<vmem>>[vector<16xi32>, vector<16xi32>, vector<16xi32>], vector<16xf32>,
      %swap3A_1466 = arith.constant 7 : i32
      %swap3A_1467 = arith.constant 1 : i32
      %swap3A_1468 = arith.index_cast %swap3A_1466 : i32 to index
      %swap3A_1469 = arith.index_cast %swap3A_1467 : i32 to index
      %swap3A_1470 = arith.constant 0 : index
      %swap3A_1471 = tpu.vector_load %arg7[%swap3A_1468, %swap3A_1469, %swap3A_1470] {strides = array<i32>} : memref<8x2x32xf32, #tpu.memory_space<vmem>>, vector<16xf32>,
      tpu.vector_store %arg7[%swap3A_1468, %swap3A_1469, %swap3A_1470], %gather3A_1458 {strides = array<i32>} : memref<8x2x32xf32, #tpu.memory_space<vmem>>, vector<16xf32>,
      %swap3A_1472 = arith.constant 7 : i32
      %swap3A_1473 = arith.constant 1 : i32
      %swap3A_1474 = arith.index_cast %swap3A_1472 : i32 to index
      %swap3A_1475 = arith.index_cast %swap3A_1473 : i32 to index
      %swap3A_1476 = arith.constant 16 : index
      %swap3A_1477 = tpu.vector_load %arg7[%swap3A_1474, %swap3A_1475, %swap3A_1476] {strides = array<i32>} : memref<8x2x32xf32, #tpu.memory_space<vmem>>, vector<16xf32>,
      tpu.vector_store %arg7[%swap3A_1474, %swap3A_1475, %swap3A_1476], %gather3A_1465 {strides = array<i32>} : memref<8x2x32xf32, #tpu.memory_space<vmem>>, vector<16xf32>,
      %mul3A_1478 = arith.constant 2 : i32
      %mul3A_1479 = arith.muli %add3A_1371, %mul3A_1478 : i32
      %add3A_1480 = arith.addi %mul3A_2, %mul3A_1479 : i32
      %dma_start3A_1481 = arith.constant 7 : i32
      %dma_start3A_1482 = arith.constant 0 : i32
      %dma_start3A_1483 = arith.constant 0 : i32
      %dma_start3A_1484 = tpu.memref_slice %arg7[%dma_start3A_1481, %dma_start3A_1482, %dma_start3A_1483] : memref<8x2x32xf32, #tpu.memory_space<vmem>> -> memref<1x2x32xf32, #tpu.memory_space<vmem>>
      %dma_start3A_1485 = tpu.memref_squeeze %dma_start3A_1484 : memref<1x2x32xf32, #tpu.memory_space<vmem>> -> memref<2x32xf32, #tpu.memory_space<vmem>>
      %dma_start3A_1486 = arith.constant 0 : i32
      %dma_start3A_1487 = tpu.memref_slice %arg4[%add3A_1480, %dma_start3A_1486] : memref<16384x32xf32, #tpu.memory_space<hbm>> -> memref<2x32xf32, #tpu.memory_space<hbm>>
      %dma_start3A_1488 = arith.constant 0 : i32
      %dma_start3A_1489 = tpu.memref_slice %arg4[%add3A_1480, %dma_start3A_1488] : memref<16384x32xf32, #tpu.memory_space<hbm>> -> memref<2x32xf32, #tpu.memory_space<hbm>>
      %dma_start3A_1490 = arith.constant 0 : i32
      %dma_start3A_1491 = arith.constant 0 : i32
      %dma_start3A_1492 = tpu.memref_slice %arg7[%dma_start3A_1481, %dma_start3A_1490, %dma_start3A_1491] : memref<8x2x32xf32, #tpu.memory_space<vmem>> -> memref<1x2x32xf32, #tpu.memory_space<vmem>>
      %dma_start3A_1493 = tpu.memref_squeeze %dma_start3A_1492 : memref<1x2x32xf32, #tpu.memory_space<vmem>> -> memref<2x32xf32, #tpu.memory_space<vmem>>
      tpu.enqueue_dma source(%dma_start3A_1493 : memref<2x32xf32, #tpu.memory_space<vmem>>) target(%dma_start3A_1489 : memref<2x32xf32, #tpu.memory_space<hbm>>) target_semaphore(%arg23 : memref<!tpu.dma_semaphore, #tpu.memory_space<semaphore_mem>>)
      %lt3A_1494 = arith.constant 31 : i32
      %lt3A_1495 = arith.cmpi slt, %scan3A_458, %lt3A_1494 : i32
      %convert_element_type3A_1496 = arith.extui %lt3A_1495 : i1 to i32
      %cond3A_1497 = arith.constant 0 : i32
      %cond3A_1498 = arith.cmpi ne, %convert_element_type3A_1496, %cond3A_1497 : i32
      scf.if %cond3A_1498 {
        %add3A_1499 = arith.constant 8 : i32
        %add3A_1500 = arith.addi %add3A_1371, %add3A_1499 : i32
        %mul3A_1501 = arith.constant 2 : i32
        %mul3A_1502 = arith.muli %add3A_1500, %mul3A_1501 : i32
        %get3A_1503 = arith.index_cast %mul3A_1502 : i32 to index
        %get3A_1504 = tpu.vector_load %arg5[%get3A_1503] {strides = array<i32>} : memref<528xi32, #tpu.memory_space<vmem>>, vector<16xi32>,
        %shift_right_arithmetic3A_1505 = arith.constant 7 : i32
        %shift_right_arithmetic3A_1506 = vector.broadcast %shift_right_arithmetic3A_1505 : i32 to vector<16xi32>
        %shift_right_arithmetic3A_1507 = arith.shrsi %get3A_1504, %shift_right_arithmetic3A_1506 : vector<16xi32>
        %shift_left3A_1508 = arith.constant 7 : i32
        %shift_left3A_1509 = vector.broadcast %shift_left3A_1508 : i32 to vector<16xi32>
        %shift_left3A_1510 = arith.shli %shift_right_arithmetic3A_1507, %shift_left3A_1509 : vector<16xi32>
        %slice3A_1511 = vector.extract_strided_slice %shift_left3A_1510 {offsets = [0], sizes = [1], strides = [1]} : vector<16xi32> to vector<1xi32>
        %squeeze3A_1512 = vector.extract %slice3A_1511[0] : i32 from vector<1xi32>
        %multiple_of3A_1513 = tpu.assume_multiple %squeeze3A_1512, 128 : i32
        %dma_start3A_1514 = arith.constant 7 : i32
        %dma_start3A_1515 = arith.constant 0 : i32
        %dma_start3A_1516 = arith.constant 0 : i32
        %dma_start3A_1517 = arith.constant 0 : i32
        %dma_start3A_1518 = tpu.memref_slice %arg6[%dma_start3A_1514, %dma_start3A_1515, %dma_start3A_1516, %dma_start3A_1517] : memref<8x2x32x128xf32, #tpu.memory_space<vmem>> -> memref<1x1x32x128xf32, #tpu.memory_space<vmem>>
        %dma_start3A_1519 = tpu.memref_squeeze %dma_start3A_1518 : memref<1x1x32x128xf32, #tpu.memory_space<vmem>> -> memref<32x128xf32, #tpu.memory_space<vmem>>
        %dma_start3A_1520 = arith.constant 0 : i32
        %dma_start3A_1521 = tpu.memref_slice %arg2[%dma_start3A_1520, %multiple_of3A_1513] : memref<32x1000000xf32, #tpu.memory_space<hbm>> -> memref<32x128xf32, #tpu.memory_space<hbm>>
        %dma_start3A_1522 = arith.constant 0 : i32
        %dma_start3A_1523 = arith.constant 0 : i32
        %dma_start3A_1524 = tpu.memref_slice %arg6[%dma_start3A_1514, %dma_start3A_1515, %dma_start3A_1522, %dma_start3A_1523] : memref<8x2x32x128xf32, #tpu.memory_space<vmem>> -> memref<1x1x32x128xf32, #tpu.memory_space<vmem>>
        %dma_start3A_1525 = tpu.memref_squeeze %dma_start3A_1524 : memref<1x1x32x128xf32, #tpu.memory_space<vmem>> -> memref<32x128xf32, #tpu.memory_space<vmem>>
        %dma_start3A_1526 = arith.constant 0 : i32
        %dma_start3A_1527 = tpu.memref_slice %arg2[%dma_start3A_1526, %multiple_of3A_1513] : memref<32x1000000xf32, #tpu.memory_space<hbm>> -> memref<32x128xf32, #tpu.memory_space<hbm>>
        tpu.enqueue_dma source(%dma_start3A_1527 : memref<32x128xf32, #tpu.memory_space<hbm>>) target(%dma_start3A_1525 : memref<32x128xf32, #tpu.memory_space<vmem>>) target_semaphore(%arg15 : memref<!tpu.dma_semaphore, #tpu.memory_space<semaphore_mem>>)
        %slice3A_1528 = vector.extract_strided_slice %shift_left3A_1510 {offsets = [1], sizes = [1], strides = [1]} : vector<16xi32> to vector<1xi32>
        %squeeze3A_1529 = vector.extract %slice3A_1528[0] : i32 from vector<1xi32>
        %multiple_of3A_1530 = tpu.assume_multiple %squeeze3A_1529, 128 : i32
        %dma_start3A_1531 = arith.constant 7 : i32
        %dma_start3A_1532 = arith.constant 1 : i32
        %dma_start3A_1533 = arith.constant 0 : i32
        %dma_start3A_1534 = arith.constant 0 : i32
        %dma_start3A_1535 = tpu.memref_slice %arg6[%dma_start3A_1531, %dma_start3A_1532, %dma_start3A_1533, %dma_start3A_1534] : memref<8x2x32x128xf32, #tpu.memory_space<vmem>> -> memref<1x1x32x128xf32, #tpu.memory_space<vmem>>
        %dma_start3A_1536 = tpu.memref_squeeze %dma_start3A_1535 : memref<1x1x32x128xf32, #tpu.memory_space<vmem>> -> memref<32x128xf32, #tpu.memory_space<vmem>>
        %dma_start3A_1537 = arith.constant 0 : i32
        %dma_start3A_1538 = tpu.memref_slice %arg2[%dma_start3A_1537, %multiple_of3A_1530] : memref<32x1000000xf32, #tpu.memory_space<hbm>> -> memref<32x128xf32, #tpu.memory_space<hbm>>
        %dma_start3A_1539 = arith.constant 0 : i32
        %dma_start3A_1540 = arith.constant 0 : i32
        %dma_start3A_1541 = tpu.memref_slice %arg6[%dma_start3A_1531, %dma_start3A_1532, %dma_start3A_1539, %dma_start3A_1540] : memref<8x2x32x128xf32, #tpu.memory_space<vmem>> -> memref<1x1x32x128xf32, #tpu.memory_space<vmem>>
        %dma_start3A_1542 = tpu.memref_squeeze %dma_start3A_1541 : memref<1x1x32x128xf32, #tpu.memory_space<vmem>> -> memref<32x128xf32, #tpu.memory_space<vmem>>
        %dma_start3A_1543 = arith.constant 0 : i32
        %dma_start3A_1544 = tpu.memref_slice %arg2[%dma_start3A_1543, %multiple_of3A_1530] : memref<32x1000000xf32, #tpu.memory_space<hbm>> -> memref<32x128xf32, #tpu.memory_space<hbm>>
        tpu.enqueue_dma source(%dma_start3A_1544 : memref<32x128xf32, #tpu.memory_space<hbm>>) target(%dma_start3A_1542 : memref<32x128xf32, #tpu.memory_space<vmem>>) target_semaphore(%arg15 : memref<!tpu.dma_semaphore, #tpu.memory_space<semaphore_mem>>)
      } else {
      }
    }
    %scan3A_338 = arith.constant 32 : i32
    %dma_wait3A = arith.constant 0 : i32
    %dma_wait3A_339 = arith.constant 0 : i32
    %dma_wait3A_340 = arith.constant 0 : i32
    %dma_wait3A_341 = tpu.memref_slice %arg7[%dma_wait3A, %dma_wait3A_339, %dma_wait3A_340] : memref<8x2x32xf32, #tpu.memory_space<vmem>> -> memref<1x2x32xf32, #tpu.memory_space<vmem>>
    %dma_wait3A_342 = tpu.memref_squeeze %dma_wait3A_341 : memref<1x2x32xf32, #tpu.memory_space<vmem>> -> memref<2x32xf32, #tpu.memory_space<vmem>>
    %dma_wait3A_343 = arith.constant 0 : i32
    %dma_wait3A_344 = arith.constant 0 : i32
    %dma_wait3A_345 = tpu.memref_slice %arg4[%dma_wait3A_343, %dma_wait3A_344] : memref<16384x32xf32, #tpu.memory_space<hbm>> -> memref<2x32xf32, #tpu.memory_space<hbm>>
    %dma_wait3A_346 = arith.constant 0 : i32
    %dma_wait3A_347 = arith.constant 0 : i32
    %dma_wait3A_348 = tpu.memref_slice %arg4[%dma_wait3A_346, %dma_wait3A_347] : memref<16384x32xf32, #tpu.memory_space<hbm>> -> memref<2x32xf32, #tpu.memory_space<hbm>>
    %dma_wait3A_349 = arith.constant 0 : i32
    %dma_wait3A_350 = arith.constant 0 : i32
    %dma_wait3A_351 = tpu.memref_slice %arg7[%dma_wait3A, %dma_wait3A_349, %dma_wait3A_350] : memref<8x2x32xf32, #tpu.memory_space<vmem>> -> memref<1x2x32xf32, #tpu.memory_space<vmem>>
    %dma_wait3A_352 = tpu.memref_squeeze %dma_wait3A_351 : memref<1x2x32xf32, #tpu.memory_space<vmem>> -> memref<2x32xf32, #tpu.memory_space<vmem>>
    tpu.wait_dma2 semaphore(%arg16 : memref<!tpu.dma_semaphore, #tpu.memory_space<semaphore_mem>>) src(%dma_wait3A_352 : memref<2x32xf32, #tpu.memory_space<vmem>>) dst(%dma_wait3A_348 : memref<2x32xf32, #tpu.memory_space<hbm>>)
    %dma_wait3A_353 = arith.constant 1 : i32
    %dma_wait3A_354 = arith.constant 0 : i32
    %dma_wait3A_355 = arith.constant 0 : i32
    %dma_wait3A_356 = tpu.memref_slice %arg7[%dma_wait3A_353, %dma_wait3A_354, %dma_wait3A_355] : memref<8x2x32xf32, #tpu.memory_space<vmem>> -> memref<1x2x32xf32, #tpu.memory_space<vmem>>
    %dma_wait3A_357 = tpu.memref_squeeze %dma_wait3A_356 : memref<1x2x32xf32, #tpu.memory_space<vmem>> -> memref<2x32xf32, #tpu.memory_space<vmem>>
    %dma_wait3A_358 = arith.constant 0 : i32
    %dma_wait3A_359 = arith.constant 0 : i32
    %dma_wait3A_360 = tpu.memref_slice %arg4[%dma_wait3A_358, %dma_wait3A_359] : memref<16384x32xf32, #tpu.memory_space<hbm>> -> memref<2x32xf32, #tpu.memory_space<hbm>>
    %dma_wait3A_361 = arith.constant 0 : i32
    %dma_wait3A_362 = arith.constant 0 : i32
    %dma_wait3A_363 = tpu.memref_slice %arg4[%dma_wait3A_361, %dma_wait3A_362] : memref<16384x32xf32, #tpu.memory_space<hbm>> -> memref<2x32xf32, #tpu.memory_space<hbm>>
    %dma_wait3A_364 = arith.constant 0 : i32
    %dma_wait3A_365 = arith.constant 0 : i32
    %dma_wait3A_366 = tpu.memref_slice %arg7[%dma_wait3A_353, %dma_wait3A_364, %dma_wait3A_365] : memref<8x2x32xf32, #tpu.memory_space<vmem>> -> memref<1x2x32xf32, #tpu.memory_space<vmem>>
    %dma_wait3A_367 = tpu.memref_squeeze %dma_wait3A_366 : memref<1x2x32xf32, #tpu.memory_space<vmem>> -> memref<2x32xf32, #tpu.memory_space<vmem>>
    tpu.wait_dma2 semaphore(%arg17 : memref<!tpu.dma_semaphore, #tpu.memory_space<semaphore_mem>>) src(%dma_wait3A_367 : memref<2x32xf32, #tpu.memory_space<vmem>>) dst(%dma_wait3A_363 : memref<2x32xf32, #tpu.memory_space<hbm>>)
    %dma_wait3A_368 = arith.constant 2 : i32
    %dma_wait3A_369 = arith.constant 0 : i32
    %dma_wait3A_370 = arith.constant 0 : i32
    %dma_wait3A_371 = tpu.memref_slice %arg7[%dma_wait3A_368, %dma_wait3A_369, %dma_wait3A_370] : memref<8x2x32xf32, #tpu.memory_space<vmem>> -> memref<1x2x32xf32, #tpu.memory_space<vmem>>
    %dma_wait3A_372 = tpu.memref_squeeze %dma_wait3A_371 : memref<1x2x32xf32, #tpu.memory_space<vmem>> -> memref<2x32xf32, #tpu.memory_space<vmem>>
    %dma_wait3A_373 = arith.constant 0 : i32
    %dma_wait3A_374 = arith.constant 0 : i32
    %dma_wait3A_375 = tpu.memref_slice %arg4[%dma_wait3A_373, %dma_wait3A_374] : memref<16384x32xf32, #tpu.memory_space<hbm>> -> memref<2x32xf32, #tpu.memory_space<hbm>>
    %dma_wait3A_376 = arith.constant 0 : i32
    %dma_wait3A_377 = arith.constant 0 : i32
    %dma_wait3A_378 = tpu.memref_slice %arg4[%dma_wait3A_376, %dma_wait3A_377] : memref<16384x32xf32, #tpu.memory_space<hbm>> -> memref<2x32xf32, #tpu.memory_space<hbm>>
    %dma_wait3A_379 = arith.constant 0 : i32
    %dma_wait3A_380 = arith.constant 0 : i32
    %dma_wait3A_381 = tpu.memref_slice %arg7[%dma_wait3A_368, %dma_wait3A_379, %dma_wait3A_380] : memref<8x2x32xf32, #tpu.memory_space<vmem>> -> memref<1x2x32xf32, #tpu.memory_space<vmem>>
    %dma_wait3A_382 = tpu.memref_squeeze %dma_wait3A_381 : memref<1x2x32xf32, #tpu.memory_space<vmem>> -> memref<2x32xf32, #tpu.memory_space<vmem>>
    tpu.wait_dma2 semaphore(%arg18 : memref<!tpu.dma_semaphore, #tpu.memory_space<semaphore_mem>>) src(%dma_wait3A_382 : memref<2x32xf32, #tpu.memory_space<vmem>>) dst(%dma_wait3A_378 : memref<2x32xf32, #tpu.memory_space<hbm>>)
    %dma_wait3A_383 = arith.constant 3 : i32
    %dma_wait3A_384 = arith.constant 0 : i32
    %dma_wait3A_385 = arith.constant 0 : i32
    %dma_wait3A_386 = tpu.memref_slice %arg7[%dma_wait3A_383, %dma_wait3A_384, %dma_wait3A_385] : memref<8x2x32xf32, #tpu.memory_space<vmem>> -> memref<1x2x32xf32, #tpu.memory_space<vmem>>
    %dma_wait3A_387 = tpu.memref_squeeze %dma_wait3A_386 : memref<1x2x32xf32, #tpu.memory_space<vmem>> -> memref<2x32xf32, #tpu.memory_space<vmem>>
    %dma_wait3A_388 = arith.constant 0 : i32
    %dma_wait3A_389 = arith.constant 0 : i32
    %dma_wait3A_390 = tpu.memref_slice %arg4[%dma_wait3A_388, %dma_wait3A_389] : memref<16384x32xf32, #tpu.memory_space<hbm>> -> memref<2x32xf32, #tpu.memory_space<hbm>>
    %dma_wait3A_391 = arith.constant 0 : i32
    %dma_wait3A_392 = arith.constant 0 : i32
    %dma_wait3A_393 = tpu.memref_slice %arg4[%dma_wait3A_391, %dma_wait3A_392] : memref<16384x32xf32, #tpu.memory_space<hbm>> -> memref<2x32xf32, #tpu.memory_space<hbm>>
    %dma_wait3A_394 = arith.constant 0 : i32
    %dma_wait3A_395 = arith.constant 0 : i32
    %dma_wait3A_396 = tpu.memref_slice %arg7[%dma_wait3A_383, %dma_wait3A_394, %dma_wait3A_395] : memref<8x2x32xf32, #tpu.memory_space<vmem>> -> memref<1x2x32xf32, #tpu.memory_space<vmem>>
    %dma_wait3A_397 = tpu.memref_squeeze %dma_wait3A_396 : memref<1x2x32xf32, #tpu.memory_space<vmem>> -> memref<2x32xf32, #tpu.memory_space<vmem>>
    tpu.wait_dma2 semaphore(%arg19 : memref<!tpu.dma_semaphore, #tpu.memory_space<semaphore_mem>>) src(%dma_wait3A_397 : memref<2x32xf32, #tpu.memory_space<vmem>>) dst(%dma_wait3A_393 : memref<2x32xf32, #tpu.memory_space<hbm>>)
    %dma_wait3A_398 = arith.constant 4 : i32
    %dma_wait3A_399 = arith.constant 0 : i32
    %dma_wait3A_400 = arith.constant 0 : i32
    %dma_wait3A_401 = tpu.memref_slice %arg7[%dma_wait3A_398, %dma_wait3A_399, %dma_wait3A_400] : memref<8x2x32xf32, #tpu.memory_space<vmem>> -> memref<1x2x32xf32, #tpu.memory_space<vmem>>
    %dma_wait3A_402 = tpu.memref_squeeze %dma_wait3A_401 : memref<1x2x32xf32, #tpu.memory_space<vmem>> -> memref<2x32xf32, #tpu.memory_space<vmem>>
    %dma_wait3A_403 = arith.constant 0 : i32
    %dma_wait3A_404 = arith.constant 0 : i32
    %dma_wait3A_405 = tpu.memref_slice %arg4[%dma_wait3A_403, %dma_wait3A_404] : memref<16384x32xf32, #tpu.memory_space<hbm>> -> memref<2x32xf32, #tpu.memory_space<hbm>>
    %dma_wait3A_406 = arith.constant 0 : i32
    %dma_wait3A_407 = arith.constant 0 : i32
    %dma_wait3A_408 = tpu.memref_slice %arg4[%dma_wait3A_406, %dma_wait3A_407] : memref<16384x32xf32, #tpu.memory_space<hbm>> -> memref<2x32xf32, #tpu.memory_space<hbm>>
    %dma_wait3A_409 = arith.constant 0 : i32
    %dma_wait3A_410 = arith.constant 0 : i32
    %dma_wait3A_411 = tpu.memref_slice %arg7[%dma_wait3A_398, %dma_wait3A_409, %dma_wait3A_410] : memref<8x2x32xf32, #tpu.memory_space<vmem>> -> memref<1x2x32xf32, #tpu.memory_space<vmem>>
    %dma_wait3A_412 = tpu.memref_squeeze %dma_wait3A_411 : memref<1x2x32xf32, #tpu.memory_space<vmem>> -> memref<2x32xf32, #tpu.memory_space<vmem>>
    tpu.wait_dma2 semaphore(%arg20 : memref<!tpu.dma_semaphore, #tpu.memory_space<semaphore_mem>>) src(%dma_wait3A_412 : memref<2x32xf32, #tpu.memory_space<vmem>>) dst(%dma_wait3A_408 : memref<2x32xf32, #tpu.memory_space<hbm>>)
    %dma_wait3A_413 = arith.constant 5 : i32
    %dma_wait3A_414 = arith.constant 0 : i32
    %dma_wait3A_415 = arith.constant 0 : i32
    %dma_wait3A_416 = tpu.memref_slice %arg7[%dma_wait3A_413, %dma_wait3A_414, %dma_wait3A_415] : memref<8x2x32xf32, #tpu.memory_space<vmem>> -> memref<1x2x32xf32, #tpu.memory_space<vmem>>
    %dma_wait3A_417 = tpu.memref_squeeze %dma_wait3A_416 : memref<1x2x32xf32, #tpu.memory_space<vmem>> -> memref<2x32xf32, #tpu.memory_space<vmem>>
    %dma_wait3A_418 = arith.constant 0 : i32
    %dma_wait3A_419 = arith.constant 0 : i32
    %dma_wait3A_420 = tpu.memref_slice %arg4[%dma_wait3A_418, %dma_wait3A_419] : memref<16384x32xf32, #tpu.memory_space<hbm>> -> memref<2x32xf32, #tpu.memory_space<hbm>>
    %dma_wait3A_421 = arith.constant 0 : i32
    %dma_wait3A_422 = arith.constant 0 : i32
    %dma_wait3A_423 = tpu.memref_slice %arg4[%dma_wait3A_421, %dma_wait3A_422] : memref<16384x32xf32, #tpu.memory_space<hbm>> -> memref<2x32xf32, #tpu.memory_space<hbm>>
    %dma_wait3A_424 = arith.constant 0 : i32
    %dma_wait3A_425 = arith.constant 0 : i32
    %dma_wait3A_426 = tpu.memref_slice %arg7[%dma_wait3A_413, %dma_wait3A_424, %dma_wait3A_425] : memref<8x2x32xf32, #tpu.memory_space<vmem>> -> memref<1x2x32xf32, #tpu.memory_space<vmem>>
    %dma_wait3A_427 = tpu.memref_squeeze %dma_wait3A_426 : memref<1x2x32xf32, #tpu.memory_space<vmem>> -> memref<2x32xf32, #tpu.memory_space<vmem>>
    tpu.wait_dma2 semaphore(%arg21 : memref<!tpu.dma_semaphore, #tpu.memory_space<semaphore_mem>>) src(%dma_wait3A_427 : memref<2x32xf32, #tpu.memory_space<vmem>>) dst(%dma_wait3A_423 : memref<2x32xf32, #tpu.memory_space<hbm>>)
    %dma_wait3A_428 = arith.constant 6 : i32
    %dma_wait3A_429 = arith.constant 0 : i32
    %dma_wait3A_430 = arith.constant 0 : i32
    %dma_wait3A_431 = tpu.memref_slice %arg7[%dma_wait3A_428, %dma_wait3A_429, %dma_wait3A_430] : memref<8x2x32xf32, #tpu.memory_space<vmem>> -> memref<1x2x32xf32, #tpu.memory_space<vmem>>
    %dma_wait3A_432 = tpu.memref_squeeze %dma_wait3A_431 : memref<1x2x32xf32, #tpu.memory_space<vmem>> -> memref<2x32xf32, #tpu.memory_space<vmem>>
    %dma_wait3A_433 = arith.constant 0 : i32
    %dma_wait3A_434 = arith.constant 0 : i32
    %dma_wait3A_435 = tpu.memref_slice %arg4[%dma_wait3A_433, %dma_wait3A_434] : memref<16384x32xf32, #tpu.memory_space<hbm>> -> memref<2x32xf32, #tpu.memory_space<hbm>>
    %dma_wait3A_436 = arith.constant 0 : i32
    %dma_wait3A_437 = arith.constant 0 : i32
    %dma_wait3A_438 = tpu.memref_slice %arg4[%dma_wait3A_436, %dma_wait3A_437] : memref<16384x32xf32, #tpu.memory_space<hbm>> -> memref<2x32xf32, #tpu.memory_space<hbm>>
    %dma_wait3A_439 = arith.constant 0 : i32
    %dma_wait3A_440 = arith.constant 0 : i32
    %dma_wait3A_441 = tpu.memref_slice %arg7[%dma_wait3A_428, %dma_wait3A_439, %dma_wait3A_440] : memref<8x2x32xf32, #tpu.memory_space<vmem>> -> memref<1x2x32xf32, #tpu.memory_space<vmem>>
    %dma_wait3A_442 = tpu.memref_squeeze %dma_wait3A_441 : memref<1x2x32xf32, #tpu.memory_space<vmem>> -> memref<2x32xf32, #tpu.memory_space<vmem>>
    tpu.wait_dma2 semaphore(%arg22 : memref<!tpu.dma_semaphore, #tpu.memory_space<semaphore_mem>>) src(%dma_wait3A_442 : memref<2x32xf32, #tpu.memory_space<vmem>>) dst(%dma_wait3A_438 : memref<2x32xf32, #tpu.memory_space<hbm>>)
    %dma_wait3A_443 = arith.constant 7 : i32
    %dma_wait3A_444 = arith.constant 0 : i32
    %dma_wait3A_445 = arith.constant 0 : i32
    %dma_wait3A_446 = tpu.memref_slice %arg7[%dma_wait3A_443, %dma_wait3A_444, %dma_wait3A_445] : memref<8x2x32xf32, #tpu.memory_space<vmem>> -> memref<1x2x32xf32, #tpu.memory_space<vmem>>
    %dma_wait3A_447 = tpu.memref_squeeze %dma_wait3A_446 : memref<1x2x32xf32, #tpu.memory_space<vmem>> -> memref<2x32xf32, #tpu.memory_space<vmem>>
    %dma_wait3A_448 = arith.constant 0 : i32
    %dma_wait3A_449 = arith.constant 0 : i32
    %dma_wait3A_450 = tpu.memref_slice %arg4[%dma_wait3A_448, %dma_wait3A_449] : memref<16384x32xf32, #tpu.memory_space<hbm>> -> memref<2x32xf32, #tpu.memory_space<hbm>>
    %dma_wait3A_451 = arith.constant 0 : i32
    %dma_wait3A_452 = arith.constant 0 : i32
    %dma_wait3A_453 = tpu.memref_slice %arg4[%dma_wait3A_451, %dma_wait3A_452] : memref<16384x32xf32, #tpu.memory_space<hbm>> -> memref<2x32xf32, #tpu.memory_space<hbm>>
    %dma_wait3A_454 = arith.constant 0 : i32
    %dma_wait3A_455 = arith.constant 0 : i32
    %dma_wait3A_456 = tpu.memref_slice %arg7[%dma_wait3A_443, %dma_wait3A_454, %dma_wait3A_455] : memref<8x2x32xf32, #tpu.memory_space<vmem>> -> memref<1x2x32xf32, #tpu.memory_space<vmem>>
    %dma_wait3A_457 = tpu.memref_squeeze %dma_wait3A_456 : memref<1x2x32xf32, #tpu.memory_space<vmem>> -> memref<2x32xf32, #tpu.memory_space<vmem>>
    tpu.wait_dma2 semaphore(%arg23 : memref<!tpu.dma_semaphore, #tpu.memory_space<semaphore_mem>>) src(%dma_wait3A_457 : memref<2x32xf32, #tpu.memory_space<vmem>>) dst(%dma_wait3A_453 : memref<2x32xf32, #tpu.memory_space<hbm>>)
    return
  }
}

</mosaic_0001>

<sc_bundles>
// kernel: kernel.3.cloned.1.call-start
scs
__scs_entry_jumppad:
0x0: {  	(pc) =	sbr.rel $0x88, $3  }
0x1: {  	(tag) =	ssettag $0x0;
	lr =	simm.s32 $0x1  }
0x2: {  	[smem:$0x3F9F] =	sst lr;
	_ =	strace $0xD0000000  }
0x3: {  	_ = 	snop  }
0x4: {  	_ = 	snop  }
0x5: {  	_ = 	snop  }
0x6: {  	_ = 	snop  }
0x7: {  	_ = 	snop  }
__scs_overlays_trampoline_lowered:
0x8: {  	[smem:$0x3FAE] =	sst s0  }
0x9: {  	[smem:$0x3FAF] =	sst s1  }
0xa: {  	[smem:$0x3FB0] =	sst s2  }
0xb: {  	[smem:$0x3FB1] =	sst s3  }
0xc: {  	[smem:$0x3FB2] =	sst s4  }
0xd: {  	[smem:$0x3FB3] =	sst s5  }
0xe: {  	[smem:$0x3FB4] =	sst s6  }
0xf: {  	[smem:$0x3FB5] =	sst s7  }
0x10: {  	[smem:$0x3FB6] =	sst s8  }
0x11: {  	[smem:$0x3FB7] =	sst s9;
	s0 =	simm.s32 @!p0 $0x0  }
0x12: {  	s1 =	sld [smem:$0x3F9D];
	s0 =	simm.s32 @p0 $0x1  }
0x13: {  	[smem:$0x3FB8] =	sst s0;
	s0 =	simm.s32 @!p1 $0x0  }
0x14: {  	s2 =	sld [smem:$0x3F9C];
	s0 =	simm.s32 @p1 $0x1  }
0x15: {  	[smem:$0x3FB9] =	sst s0;
	s0 =	simm.s32 @!p2 $0x0  }
0x16: {  	s3 =	sld [smem:$0x3FDB];
	s0 =	simm.s32 @p2 $0x1  }
0x17: {  	s4 =	simm.s32 $0x1BF5;
	[smem:$0x3FBB] =	sst s0  }
0x18: {  	s0 =	sld [smem:$0x3F9E];
	_ =	swait.ge [sflag:s4], $0x0  }
0x19: {  	s7 =	sld [smem:$0x3F9F]  }
0x1a: {  	s8 =	sadd.s32 $0xFFFFE003, lr  }
0x1b: {  	s9 =	sadd.s32 $0xFFFFFEF7, lr;
	s5 =	simm.s32 $0xFFFFFFFF;
	p2 =	slt.u32 s8, $0xFFFFF086  }
0x1c: {  	p1 =	slt.u32 s9, $0xF7A;
	s5 =	simm.s32 @!p2 $0x0  }
0x1d: {  	s5 =	simm.s32 @p1 $0x1;
	p0 =	seq.s32 s7, s2  }
0x1e: {  	s7 =	smul.u32 @!p0 $0xF7A, s2;
	p2 =	seq.s32 @!p0 s5, $0x0  }
0x1f: {  	s9 =	smul.u32 $0xF7A, s1;
	s8 =	simm.s32 @!p0 $0x1BF5;
	p2 =	por !p2, p0  }
0x20: {  	[sflag:s8] =	ssyncset.s32 @!p0 $0xFFFFF086;
	s6 =	sadd.s32 @!p0 s3, s7;
	s7 =	simm.s32 @!p0 $0x108  }
0x21: {  	s3 =	sadd.s32 s3, s9;
	s6 =	sadd.s32 @!p0 $0x88, s6;
	s7 =	simm.s32 @p2 $0x1082  }
0x22: {  	[simem:s7], [sflag:s8] =	dma.local @!p0 [hbm:s6], $0xF7A  }
0x23: {  	s9 =	sor.u32 $0xD0000000, s2;
	s6 =	simm.s32 $0x108;
	_ =	swait.ge @!p0 [sflag:s8], $0x0  }
0x24: {  	s3 =	sadd.s32 $0x88, s3;
	s6 =	simm.s32 @!p1 $0x1082;
	[sflag:s4] =	ssyncset.s32 $0xFFFFF086  }
0x25: {  	[simem:s6], [sflag:s4] =	dma.local [hbm:s3], $0xF7A  }
0x26: {  	[smem:$0x3F9F] =	sst s1;
	(tag) =	ssettag s2;
	_ =	strace s9  }
0x27: {  	s1 =	sld [smem:$0x3FAF]  }
0x28: {  	s2 =	sld [smem:$0x3FB0]  }
0x29: {  	s4 =	sld [smem:$0x3FB2]  }
0x2a: {  	p0 =	seq.s32 s5, $0x0;
	s5 =	sld [smem:$0x3FB3]  }
0x2b: {  	s6 =	sld [smem:$0x3FB4]  }
0x2c: {  	s7 =	sld [smem:$0x3FB5]  }
0x2d: {  	s3 =	simm.s32 $0x108;
	s8 =	sld [smem:$0x3FB6]  }
0x2e: {  	s3 =	simm.s32 @!p0 $0x1082;
	s9 =	sld [smem:$0x3FB7]  }
0x2f: {  	lr =	sadd.s32 s0, s3;
	s0 =	sld [smem:$0x3FAE]  }
0x30: {  	s3 =	sld [smem:$0x3FB1]  }
0x31: {  	[smem:$0x3FBA] =	sst s10  }
0x32: {  	s10 =	sld [smem:$0x3FB8];
	_ =	sdelay $0x3  }
0x33: {  	p0 =	seq.s32 s10, $0x1;
	s10 =	sld [smem:$0x3FBA];
	_ =	sdelay $0x3  }
0x34: {  	[smem:$0x3FBA] =	sst s10  }
0x35: {  	s10 =	sld [smem:$0x3FB9];
	_ =	sdelay $0x3  }
0x36: {  	p1 =	seq.s32 s10, $0x1;
	s10 =	sld [smem:$0x3FBA];
	_ =	sdelay $0x3  }
0x37: {  	[smem:$0x3FBA] =	sst s10  }
0x38: {  	s10 =	sld [smem:$0x3FBB]  }
0x39: {  	_ = 	snop;
	(pc) =	sbr.ind lr, $3  }
0x3a: {  	_ = 	snop  }
0x3b: {  	_ = 	snop  }
0x3c: {  	p2 =	seq.s32 s10, $0x1;
	s10 =	sld [smem:$0x3FBA]  }
0x3d: {  	_ =	shalt  }
0x3e: {  	_ =	shalt  }
0x3f: {  	_ =	shalt  }
0x40: {  	_ =	shalt  }
0x41: {  	_ =	shalt  }
0x42: {  	_ =	shalt  }
0x43: {  	_ =	shalt  }
0x44: {  	_ =	shalt  }
0x45: {  	_ =	shalt  }
0x46: {  	_ =	shalt  }
0x47: {  	_ =	shalt  }
0x48: {  	_ =	shalt  }
0x49: {  	_ =	shalt  }
0x4a: {  	_ =	shalt  }
0x4b: {  	_ =	shalt  }
0x4c: {  	_ =	shalt  }
0x4d: {  	_ =	shalt  }
0x4e: {  	_ =	shalt  }
0x4f: {  	_ =	shalt  }
0x50: {  	_ =	shalt  }
0x51: {  	_ =	shalt  }
0x52: {  	_ =	shalt  }
0x53: {  	_ =	shalt  }
0x54: {  	_ =	shalt  }
0x55: {  	_ =	shalt  }
0x56: {  	_ =	shalt  }
0x57: {  	_ =	shalt  }
0x58: {  	_ =	shalt  }
0x59: {  	_ =	shalt  }
0x5a: {  	_ =	shalt  }
0x5b: {  	_ =	shalt  }
0x5c: {  	_ =	shalt  }
0x5d: {  	_ =	shalt  }
0x5e: {  	_ =	shalt  }
0x5f: {  	_ =	shalt  }
0x60: {  	_ =	shalt  }
0x61: {  	_ =	shalt  }
0x62: {  	_ =	shalt  }
0x63: {  	_ =	shalt  }
0x64: {  	_ =	shalt  }
0x65: {  	_ =	shalt  }
0x66: {  	_ =	shalt  }
0x67: {  	_ =	shalt  }
0x68: {  	_ =	shalt  }
0x69: {  	_ =	shalt  }
0x6a: {  	_ =	shalt  }
0x6b: {  	_ =	shalt  }
0x6c: {  	_ =	shalt  }
0x6d: {  	_ =	shalt  }
0x6e: {  	_ =	shalt  }
0x6f: {  	_ =	shalt  }
0x70: {  	_ =	shalt  }
0x71: {  	_ =	shalt  }
0x72: {  	_ =	shalt  }
0x73: {  	_ =	shalt  }
0x74: {  	_ =	shalt  }
0x75: {  	_ =	shalt  }
0x76: {  	_ =	shalt  }
0x77: {  	_ =	shalt  }
0x78: {  	_ =	shalt  }
0x79: {  	_ =	shalt  }
0x7a: {  	_ =	shalt  }
0x7b: {  	_ =	shalt  }
0x7c: {  	_ =	shalt  }
0x7d: {  	_ =	shalt  }
0x7e: {  	_ =	shalt  }
0x7f: {  	_ =	shalt  }
0x80: {  	_ =	shalt  }
0x81: {  	_ =	shalt  }
0x82: {  	_ =	shalt  }
0x83: {  	_ =	shalt  }
0x84: {  	_ =	shalt  }
0x85: {  	_ =	shalt  }
0x86: {  	_ =	shalt  }
0x87: {  	_ =	shalt  }
.Lfunc_end0:
.L_simem_size_0:
called_computation_lowered:
.L_overlay_start_0:
0x88: {  	s2 =	sld [smem:$0x3FD9]  }
0x89: {  	s3 =	sld [smem:$0x3FFE];
	_ =	sdelay $0x1  }
0x8a: {  	s1 =	srdreg.scid  }
0x8b: {  	s0 =	sand.u32 $0x1, s1  }
0x8c: {  	s17 =	sshll.u32 s0, $0xA;
	s2 =	sadd.s32 s3, s2  }
0x8d: {  	s2 =	sadd.s32 s2, s17  }
0x8e: {  	[smem:$0x3FC6] =	sst s2  }
0x8f: {  	_ = 	snop  }
0x90: {  	s2 =	sld [smem:$0x3FC9]  }
0x91: {  	s18 =	sld [smem:$0x3FC8];
	(tm) =	ssettm $0x1  }
0x92: {  	s4 =	sld [smem:$0x3FFB];
	_ =	sdelay $0x3  }
0x93: {  	_ =	strace s4  }
0x94: {  	s4 =	sld [smem:$0x3FFC];
	_ =	sdelay $0x3  }
0x95: {  	_ =	strace s4  }
0x96: {  	s4 =	sld [smem:$0x3FFD];
	_ =	sdelay $0x3  }
0x97: {  	_ =	strace s4  }
0x98: {  	_ =	strace $0x8FFFFFFF  }
0x99: {  	s19 =	sld [smem:$0x3FDB];
	_ =	sdelay $0x1  }
0x9a: {  	s5 =	simm.s32 $_scs_section_size  }
0x9b: {  	s6 =	simm.s32 $_size__tile_overlayer_lowered;
	s7 =	simm.s32 $_tile_overlayer_lowered  }
0x9c: {  	s22 =	simm.s32 $0x1BFF;
	s21 =	sshll.u32 s7, $0x1;
	s4 =	sadd.s32 s5, s19  }
0x9d: {  	s8 =	simm.s32 $0x0;
	s20 =	sshll.u32 s6, $0x1;
	s6 =	sadd.s32 s21, s4  }
0x9e: {  	[timem:s8], [sflag:s22] =	dma.local [hbm:s6], s20  }
0x9f: {  	_ =	swait.ge [sflag:s22], s20  }
0xa0: {  	s5 =	ssub.s32 $0x0, s20;
	[sflag:s22] =	ssyncset.done $0x0  }
0xa1: {  	[sflag:s22] =	ssyncadd.s32 s5;
	_ =	sdelay $0x1  }
0xa2: {  	s23 =	simm.s32 $0x1B8B  }
0xa3: {  	_ =	swait.ge [sflag:s23], $0x1  }
0xa4: {  	[sflag:s23] =	ssyncset.done $0x0  }
0xa5: {  	s25 =	simm.s32 $0x1B8E;
	s24 =	sld [smem:$0x3FFE];
	[sflag:s23] =	ssyncadd.s32 $0xFFFFFFFF  }
0xa6: {  	s26 =	simm.s32 $execute0_lowered;
	[smem:$0x3FD2] =	sst s25  }
0xa7: {  	s6 =	sshll.u32 s26, $0x1;
	_ =	strace $0x80000046;
	[dreg:$0x1] =	wrdreg $0xFFFFFFFF  }
0xa8: {  	s28 =	simm.s32 $_size_execute0_lowered;
	s4 =	sadd.s32 s4, s6;
	[dreg:$0x0] =	wrdreg $0x0  }
0xa9: {  	s6 =	sshll.u32 s28, $0x1;
	[dreg:$0x2] =	wrdreg s4  }
0xaa: {  	[dreg:$0x3] =	wrdreg s6  }
0xab: {  	[dreg:$0x4] =	wrdreg $0xC0  }
0xac: {  	_ =	task [dreg:s8], $0x5FFFF  }
0xad: {  	[dreg:$0x1] =	wrdreg $0xFFFFFFFF  }
0xae: {  	[dreg:$0x0] =	wrdreg $0x60  }
0xaf: {  	[dreg:$0x2] =	wrdreg s18  }
0xb0: {  	[dreg:$0x3] =	wrdreg s2  }
0xb1: {  	[dreg:$0x4] =	wrdreg s24  }
0xb2: {  	[dreg:$0x5] =	wrdreg $0x9  }
0xb3: {  	_ =	task.clear_ibuf [dreg:s8], $0x6FFFF;
	_ =	strace $0x90000046  }
0xb4: {  	s29 =	simm.s32 $0x9;
	_ =	strace $0x80000048  }
0xb5: {  	_ =	swait.ge [sflag:s29], $0x1  }
0xb6: {  	[sflag:s29] =	ssyncadd.s32 $0xFFFFFFFF  }
0xb7: {  	_ =	strace $0x90000048  }
0xb8: {  	_ =	sfence  }
0xb9: {  	s30 =	sld [smem:$0x0];
	_ =	sdelay $0x2  }
0xba: {  	s31 =	sshll.u32 s1, $0xD;
	s1 =	sshrl.u32 s1, $0x2  }
0xbb: {  	s3 =	sand.u32 $0x4000, s31;
	s1 =	sadd.s32 s1, s30  }
0xbc: {  	s0 =	sor.u32 s3, s0;
	s1 =	sshll.u32 s1, $0x11  }
0xbd: {  	s0 =	sor.u32 s1, s0  }
0xbe: {  	s0 =	sadd.s32 $0x8F2B, s0  }
0xbf: {  	[sflag:s0] =	ssyncadd.remote.s32 $0x1  }
0xc0: {  	_ =	sfence.sel $0xFFFF  }
0xc1: {  	[dreg:$0x0] =	wrdreg $0xFFFFFFFF;
	(pc) =	sbr.abs _section_cstart, $3  }
0xc2: {  	[dreg:$0x1] =	wrdreg $0xFFFFFFFF  }
0xc3: {  	_ =	task.clear_ibuf [dreg:s8], $0x2FFFF;
	_ =	strace $0x9FFFFFFF  }
0xc4: {  	(tm) =	ssettm $0x7FFFFFFF  }
0xc5: {  	_ =	shalt  }
tec
execute0_lowered:
.L_overlay_start_1:
0x0: {  	(tag) =	ssettag $0x1  }
0x1: {  	s1 =	rddreg [dreg:$0x0]  }
0x2: {  	s0 =	rddreg [dreg:$0x1]  }
0x3: {  	s2 =	rddreg [dreg:$0x2]  }
0x4: {  	s3 =	simm.s32 $0x0;
	s7 =	stileid.u32;
	s4 =	srdreg.scid  }
0x5: {  	s9 =	simm.s32 $0x7A1400;
	s10 =	simm.s32 $0x280;
	s12 =	simm.s32 $0x2280  }
0x6: {  	s14 =	simm.s32 $0x4280;
	s16 =	simm.s32 $0x6280;
	s18 =	simm.s32 $0x8280  }
0x7: {  	s20 =	simm.s32 $0xA280;
	s22 =	simm.s32 $0xC280;
	s24 =	simm.s32 $0xE280  }
0x8: {  	s29 =	simm.s32 $0x2;
	s31 =	simm.s32 $0x3;
	s13 =	simm.s32 $0x5  }
0x9: {  	s17 =	simm.s32 $0x6;
	s19 =	simm.s32 $0x10780;
	s21 =	simm.s32 $0x7  }
0xa: {  	s23 =	simm.s32 $0x10880;
	s11 =	simm.s32 $0x0;
	[smem:$0x7FF] =	sst s3  }
0xb: {  	s5 =	sshll.u32 s7, $0xE;
	s4 =	sand.u32 $0x1, s4;
	s7 =	sshll.u32 s7, $0xA  }
0xc: {  	_ =	strace $0x80000047;
	s6 =	ssub.s32 $0x2, s4;
	s8 =	sshll.u32 s4, $0x9  }
0xd: {  	s2 =	sadd.s32 s5, s2;
	s4 =	sshll.u32 s4, $0xD;
	s25 =	sshrl.u32 s6, $0x1  }
.Ltmp0:
0xe: {  	s7 =	sor.u32 s8, s7;
	s30 =	sadd.s32 s4, s2;
	(pc) =	sbr.rel .LBB2_1-.Ltmp0, $4  }
0xf: {  	v0 =	vlaneseq.u32;
	s8 =	simm.s32 $0x400;
	s2 =	simm.s32 $0x4;
	s26 =	sshrl.u32 s7, $0x3  }
0x10: {  	v0 =	vmul.u32 $0x80, v0;
	s4 =	simm.s32 $0x8;
	s5 =	ssub.s32 s6, s25;
	s0 =	sadd.s32 s0, s26  }
0x11: {  	s6 =	sadd.s32 $0x400, s30;
	s28 =	smax.u32 s5, $0x1;
	[dreg:$0x4] =	wrdreg s0  }
0x12: {  	v1 =	vor.u32 $0x800, v0;
	v2 =	vor.u32 $0x1000, v0;
	v3 =	vor.u32 $0x1800, v0;
	s26 =	simm.s32 $0x1;
	s5 =	simm.s32 $0x10980;
	[dreg:$0x5] =	wrdreg s28  }
.LBB2_4:
0x13: {  	s0 =	simm.s32 $0x9  }
0x14: {  	_ =	swait.ge [sflag:s0], $0x100  }
0x15: {  	[sflag:s0] =	ssyncset.done $0x0  }
0x16: {  	s30 =	simm.s32 $0xA;
	[sflag:s0] =	ssyncadd.s32 $0xFFFFFF00  }
0x17: {  	_ =	swait.ge [sflag:s30], $0x100  }
0x18: {  	[sflag:s30] =	ssyncset.done $0x0  }
0x19: {  	s7 =	simm.s32 $0xB;
	[sflag:s30] =	ssyncadd.s32 $0xFFFFFF00  }
0x1a: {  	_ =	swait.ge [sflag:s7], $0x100  }
0x1b: {  	[sflag:s7] =	ssyncset.done $0x0  }
0x1c: {  	s11 =	simm.s32 $0xC;
	[sflag:s7] =	ssyncadd.s32 $0xFFFFFF00  }
0x1d: {  	_ =	swait.ge [sflag:s11], $0x100  }
0x1e: {  	[sflag:s11] =	ssyncset.done $0x0  }
0x1f: {  	s15 =	simm.s32 $0xD;
	[sflag:s11] =	ssyncadd.s32 $0xFFFFFF00  }
0x20: {  	_ =	swait.ge [sflag:s15], $0x100  }
0x21: {  	[sflag:s15] =	ssyncset.done $0x0  }
0x22: {  	s25 =	simm.s32 $0xE;
	[sflag:s15] =	ssyncadd.s32 $0xFFFFFF00  }
0x23: {  	_ =	swait.ge [sflag:s25], $0x100  }
0x24: {  	[sflag:s25] =	ssyncset.done $0x0  }
0x25: {  	s28 =	simm.s32 $0xF;
	[sflag:s25] =	ssyncadd.s32 $0xFFFFFF00  }
0x26: {  	_ =	swait.ge [sflag:s28], $0x100  }
0x27: {  	[sflag:s28] =	ssyncset.done $0x0  }
0x28: {  	s7 =	simm.s32 $0x10;
	[sflag:s28] =	ssyncadd.s32 $0xFFFFFF00  }
0x29: {  	_ =	swait.ge [sflag:s7], $0x100  }
0x2a: {  	s11 =	rddreg [dreg:$0x6]  }
0x2b: {  	s30 =	rddreg [dreg:$0x5];
	s11 =	sadd.s32 $0x1, s11  }
0x2c: {  	p0 =	sne.s32 s11, s30  }
.Ltmp1:
0x2d: {  	_ = 	snop;
	(pc) =	sbr.rel @!p0 .LBB2_5-.Ltmp1, $3  }
0x2e: {  	_ =	sdelay $0x1  }
0x2f: {  	[sflag:s7] =	ssyncset.done $0x0  }
0x30: {  	[sflag:s7] =	ssyncadd.s32 $0xFFFFFF00  }
.LBB2_1:
0x31: {  	[dreg:$0x6] =	wrdreg s11  }
0x32: {  	s0 =	rddreg [dreg:$0x4];
	s7 =	simm.s32 $0x11  }
0x33: {  	[tilespmem:s3], [sflag:$0x11] =	stream.linear.gather [hbm4b:s0+s3], $0x200, $0x38;
	[tilespmem:$0x10A80] =	vst v63  }
0x34: {  	_ =	swait.ge [sflag:s7], $0x200  }
0x35: {  	[sflag:s7] =	ssyncset.done $0x0  }
0x36: {  	[sflag:s7] =	ssyncadd.s32 $0xFFFFFE00  }
0x37: {  	v4 =	vld [tilespmem:$0x0];
	_ =	sdelay $0x4  }
0x38: {  	v4 =	vand.u32 $0xFFFFFF80, v4  }
0x39: {  	v4 =	vadd.s32 s1, v4  }
0x3a: {  	(v2sf) =	vpush v4, $0x0;
	_ =	sdelay $0x1  }
0x3b: {  	(v2sf) =	vpush v4, $0x1;
	_ =	sdelay $0xc  }
0x3c: {  	s11 =	spop (v2sf)  }
0x3d: {  	[tilespmem:s10], [sflag:$0x1] =	stream.strided.gather [hbm4b:s11+s8], $0x1000, s9, s8, $0x38;
	[tilespmem:$0x10A80] =	vst v63  }
0x3e: {  	s7 =	simm.s32 $0x1280;
	s15 =	spop (v2sf)  }
0x3f: {  	[tilespmem:s7], [sflag:$0x1] =	stream.strided.gather [hbm4b:s15+s8], $0x1000, s9, s8, $0x38;
	[tilespmem:$0x10A80] =	vst v63  }
0x40: {  	v4 =	vld [tilespmem:$0x2];
	_ =	sdelay $0x4  }
0x41: {  	v4 =	vand.u32 $0xFFFFFF80, v4  }
0x42: {  	v4 =	vadd.s32 s1, v4  }
0x43: {  	(v2sf) =	vpush v4, $0x0;
	_ =	sdelay $0x1  }
0x44: {  	(v2sf) =	vpush v4, $0x1;
	_ =	sdelay $0xc  }
0x45: {  	s25 =	spop (v2sf)  }
0x46: {  	[tilespmem:s12], [sflag:$0x2] =	stream.strided.gather [hbm4b:s25+s8], $0x1000, s9, s8, $0x38;
	[tilespmem:$0x10A80] =	vst v63  }
0x47: {  	s30 =	simm.s32 $0x3280;
	s28 =	spop (v2sf)  }
0x48: {  	[tilespmem:s30], [sflag:$0x2] =	stream.strided.gather [hbm4b:s28+s8], $0x1000, s9, s8, $0x38;
	[tilespmem:$0x10A80] =	vst v63  }
0x49: {  	v4 =	vld [tilespmem:$0x4];
	_ =	sdelay $0x4  }
0x4a: {  	v4 =	vand.u32 $0xFFFFFF80, v4  }
0x4b: {  	v4 =	vadd.s32 s1, v4  }
0x4c: {  	(v2sf) =	vpush v4, $0x0;
	_ =	sdelay $0x1  }
0x4d: {  	(v2sf) =	vpush v4, $0x1;
	_ =	sdelay $0xc  }
0x4e: {  	s7 =	spop (v2sf)  }
0x4f: {  	[tilespmem:s14], [sflag:$0x3] =	stream.strided.gather [hbm4b:s7+s8], $0x1000, s9, s8, $0x38;
	[tilespmem:$0x10A80] =	vst v63  }
0x50: {  	s15 =	simm.s32 $0x5280;
	s11 =	spop (v2sf)  }
0x51: {  	[tilespmem:s15], [sflag:$0x3] =	stream.strided.gather [hbm4b:s11+s8], $0x1000, s9, s8, $0x38;
	[tilespmem:$0x10A80] =	vst v63  }
0x52: {  	v4 =	vld [tilespmem:$0x6];
	_ =	sdelay $0x4  }
0x53: {  	v4 =	vand.u32 $0xFFFFFF80, v4  }
0x54: {  	v4 =	vadd.s32 s1, v4  }
0x55: {  	(v2sf) =	vpush v4, $0x0;
	_ =	sdelay $0x1  }
0x56: {  	(v2sf) =	vpush v4, $0x1;
	_ =	sdelay $0xc  }
0x57: {  	s25 =	spop (v2sf)  }
0x58: {  	[tilespmem:s16], [sflag:$0x4] =	stream.strided.gather [hbm4b:s25+s8], $0x1000, s9, s8, $0x38;
	[tilespmem:$0x10A80] =	vst v63  }
0x59: {  	s30 =	simm.s32 $0x7280;
	s28 =	spop (v2sf)  }
0x5a: {  	[tilespmem:s30], [sflag:$0x4] =	stream.strided.gather [hbm4b:s28+s8], $0x1000, s9, s8, $0x38;
	[tilespmem:$0x10A80] =	vst v63  }
0x5b: {  	v4 =	vld [tilespmem:$0x8];
	_ =	sdelay $0x4  }
0x5c: {  	v4 =	vand.u32 $0xFFFFFF80, v4  }
0x5d: {  	v4 =	vadd.s32 s1, v4  }
0x5e: {  	(v2sf) =	vpush v4, $0x0;
	_ =	sdelay $0x1  }
0x5f: {  	(v2sf) =	vpush v4, $0x1;
	_ =	sdelay $0xc  }
0x60: {  	s7 =	spop (v2sf)  }
0x61: {  	[tilespmem:s18], [sflag:$0x5] =	stream.strided.gather [hbm4b:s7+s8], $0x1000, s9, s8, $0x38;
	[tilespmem:$0x10A80] =	vst v63  }
0x62: {  	s15 =	simm.s32 $0x9280;
	s11 =	spop (v2sf)  }
0x63: {  	[tilespmem:s15], [sflag:$0x5] =	stream.strided.gather [hbm4b:s11+s8], $0x1000, s9, s8, $0x38;
	[tilespmem:$0x10A80] =	vst v63  }
0x64: {  	v4 =	vld [tilespmem:$0xA];
	_ =	sdelay $0x4  }
0x65: {  	v4 =	vand.u32 $0xFFFFFF80, v4  }
0x66: {  	v4 =	vadd.s32 s1, v4  }
0x67: {  	(v2sf) =	vpush v4, $0x0;
	_ =	sdelay $0x1  }
0x68: {  	(v2sf) =	vpush v4, $0x1;
	_ =	sdelay $0xc  }
0x69: {  	s25 =	spop (v2sf)  }
0x6a: {  	[tilespmem:s20], [sflag:$0x6] =	stream.strided.gather [hbm4b:s25+s8], $0x1000, s9, s8, $0x38;
	[tilespmem:$0x10A80] =	vst v63  }
0x6b: {  	s30 =	simm.s32 $0xB280;
	s28 =	spop (v2sf)  }
0x6c: {  	[tilespmem:s30], [sflag:$0x6] =	stream.strided.gather [hbm4b:s28+s8], $0x1000, s9, s8, $0x38;
	[tilespmem:$0x10A80] =	vst v63  }
0x6d: {  	v4 =	vld [tilespmem:$0xC];
	_ =	sdelay $0x4  }
0x6e: {  	v4 =	vand.u32 $0xFFFFFF80, v4  }
0x6f: {  	v4 =	vadd.s32 s1, v4  }
0x70: {  	(v2sf) =	vpush v4, $0x0;
	_ =	sdelay $0x1  }
0x71: {  	(v2sf) =	vpush v4, $0x1;
	_ =	sdelay $0xc  }
0x72: {  	s7 =	spop (v2sf)  }
0x73: {  	[tilespmem:s22], [sflag:$0x7] =	stream.strided.gather [hbm4b:s7+s8], $0x1000, s9, s8, $0x38;
	[tilespmem:$0x10A80] =	vst v63  }
0x74: {  	s15 =	simm.s32 $0xD280;
	s11 =	spop (v2sf)  }
0x75: {  	[tilespmem:s15], [sflag:$0x7] =	stream.strided.gather [hbm4b:s11+s8], $0x1000, s9, s8, $0x38;
	[tilespmem:$0x10A80] =	vst v63  }
0x76: {  	v4 =	vld [tilespmem:$0xE];
	_ =	sdelay $0x4  }
0x77: {  	v4 =	vand.u32 $0xFFFFFF80, v4  }
0x78: {  	v4 =	vadd.s32 s1, v4  }
0x79: {  	(v2sf) =	vpush v4, $0x0;
	_ =	sdelay $0x1  }
0x7a: {  	(v2sf) =	vpush v4, $0x1;
	_ =	sdelay $0xc  }
0x7b: {  	s30 =	simm.s32 $0xF280;
	s25 =	spop (v2sf)  }
0x7c: {  	[tilespmem:s24], [sflag:$0x8] =	stream.strided.gather [hbm4b:s25+s8], $0x1000, s9, s8, $0x38;
	[tilespmem:$0x10A80] =	vst v63  }
0x7d: {  	s7 =	simm.s32 $0x10;
	s28 =	spop (v2sf);
	s25 =	simm.s32 $0x0  }
0x7e: {  	[tilespmem:s30], [sflag:$0x8] =	stream.strided.gather [hbm4b:s28+s8], $0x1000, s9, s8, $0x38;
	[tilespmem:$0x10A80] =	vst v63  }
.LBB2_2:
0x7f: {  	_ =	swait.ge [sflag:s26], $0x1000  }
0x80: {  	[sflag:s26] =	ssyncset.done $0x0  }
0x81: {  	[sflag:s26] =	ssyncadd.s32 $0xFFFFF000  }
0x82: {  	_ =	swait.ge [sflag:s26], $0x1000  }
0x83: {  	p0 =	seq.s32 s25, $0x0;
	[sflag:s26] =	ssyncset.done $0x0  }
0x84: {  	s0 =	simm.s32 @!p0 $0x9;
	[sflag:s26] =	ssyncadd.s32 $0xFFFFF000  }
0x85: {  	_ =	swait.ge @!p0 [sflag:s0], $0x100  }
0x86: {  	[sflag:s0] =	ssyncset.done @!p0 $0x0  }
0x87: {  	[sflag:s0] =	ssyncadd.s32 @!p0 $0xFFFFFF00  }
0x88: {  	v4 =	vld [tilespmem:s7+$0xFFFFFFF0];
	_ =	sdelay $0x4  }
0x89: {  	v4 =	vand.u32 $0x7F, v4  }
0x8a: {  	v5 =	vbroadcast v4, $0x0;
	_ =	sdelay $0x1  }
0x8b: {  	v6 =	vor.u32 v0, v5  }
0x8c: {  	v5 =	vor.u32 v1, v5;
	_ =	sdelay $0x3  }
0x8d: {  	v4 =	vbroadcast v4, $0x1;
	v6 =	vld.idx.msk [tilespmem:v6+s10+$0x0], $0xffff  }
0x8e: {  	v5 =	vld.idx.msk [tilespmem:v5+s10+$0x0], $0xffff  }
0x8f: {  	v7 =	vor.u32 v2, v4  }
0x90: {  	v4 =	vor.u32 v3, v4;
	_ =	sdelay $0x1  }
0x91: {  	[tilespmem:$0x10280] =	vst v6  }
0x92: {  	[tilespmem:$0x10290] =	vst v5  }
0x93: {  	v5 =	vld.idx.msk [tilespmem:v7+s10+$0x0], $0xffff  }
0x94: {  	v4 =	vld.idx.msk [tilespmem:v4+s10+$0x0], $0xffff;
	_ =	sdelay $0x3  }
0x95: {  	[tilespmem:$0x10300] =	vst v5  }
0x96: {  	s28 =	sadd.s32 s25, s6;
	s11 =	simm.s32 $0x10280;
	p1 =	seq.s32 s25, $0x1F00;
	[tilespmem:$0x10310] =	vst v4  }
0x97: {  	[hbm4b:s28+s3] =	stream.linear.scatter [tilespmem:s11], [sflag:$0x9], $0x100, $0x38;
	[tilespmem:$0x10A80] =	vst v63  }
0x98: {  	v4 =	vld @!p1 [tilespmem:s7+$0x0];
	_ =	sdelay $0x4  }
0x99: {  	v4 =	vand.u32 @!p1 $0xFFFFFF80, v4  }
0x9a: {  	v4 =	vadd.s32 @!p1 s1, v4  }
0x9b: {  	(v2sf) =	vpush @!p1 v4, $0x0;
	_ =	sdelay $0x1  }
0x9c: {  	(v2sf) =	vpush @!p1 v4, $0x1;
	_ =	sdelay $0xb  }
0x9d: {  	s30 =	simm.s32 @!p1 $0x400  }
0x9e: {  	s15 =	simm.s32 @!p1 $0x280;
	s0 =	simm.s32 @!p1 $0x7A1400;
	s11 =	spop @!p1 (v2sf)  }
0x9f: {  	[tilespmem:s15], [sflag:$0x1] =	stream.strided.gather @!p1 [hbm4b:s11+s30], $0x1000, s0, s30, $0x38;
	[tilespmem:$0x10A80] =	vst v63  }
0xa0: {  	s11 =	spop @!p1 (v2sf);
	s15 =	simm.s32 @!p1 $0x1280  }
0xa1: {  	[tilespmem:s15], [sflag:$0x1] =	stream.strided.gather @!p1 [hbm4b:s11+s30], $0x1000, s0, s30, $0x38;
	[tilespmem:$0x10A80] =	vst v63  }
0xa2: {  	_ =	swait.ge [sflag:s29], $0x1000  }
0xa3: {  	[sflag:s29] =	ssyncset.done $0x0  }
0xa4: {  	[sflag:s29] =	ssyncadd.s32 $0xFFFFF000  }
0xa5: {  	_ =	swait.ge [sflag:s29], $0x1000  }
0xa6: {  	[sflag:s29] =	ssyncset.done $0x0  }
0xa7: {  	s11 =	simm.s32 @!p0 $0xA;
	[sflag:s29] =	ssyncadd.s32 $0xFFFFF000  }
0xa8: {  	_ =	swait.ge @!p0 [sflag:s11], $0x100  }
0xa9: {  	[sflag:s11] =	ssyncset.done @!p0 $0x0  }
0xaa: {  	[sflag:s11] =	ssyncadd.s32 @!p0 $0xFFFFFF00  }
0xab: {  	v4 =	vld [tilespmem:s7+$0xFFFFFFF2];
	_ =	sdelay $0x4  }
0xac: {  	v4 =	vand.u32 $0x7F, v4  }
0xad: {  	v5 =	vbroadcast v4, $0x0;
	_ =	sdelay $0x1  }
0xae: {  	v50 =	vor.u32 v0, v5  }
0xaf: {  	v5 =	vor.u32 v1, v5;
	_ =	sdelay $0x3  }
0xb0: {  	v4 =	vbroadcast v4, $0x1;
	v6 =	vld.idx.msk [tilespmem:v50+s12+$0x0], $0xffff  }
0xb1: {  	v5 =	vld.idx.msk [tilespmem:v5+s12+$0x0], $0xffff  }
0xb2: {  	v51 =	vor.u32 v2, v4  }
0xb3: {  	v4 =	vor.u32 v3, v4;
	_ =	sdelay $0x1  }
0xb4: {  	[tilespmem:$0x10380] =	vst v6  }
0xb5: {  	[tilespmem:$0x10390] =	vst v5  }
0xb6: {  	v5 =	vld.idx.msk [tilespmem:v51+s12+$0x0], $0xffff  }
0xb7: {  	v4 =	vld.idx.msk [tilespmem:v4+s12+$0x0], $0xffff;
	_ =	sdelay $0x3  }
0xb8: {  	[tilespmem:$0x10400] =	vst v5  }
0xb9: {  	s15 =	simm.s32 $0x10380;
	s11 =	sadd.s32 $0x20, s28;
	[tilespmem:$0x10410] =	vst v4  }
0xba: {  	[hbm4b:s11+s3] =	stream.linear.scatter [tilespmem:s15], [sflag:$0xA], $0x100, $0x38;
	[tilespmem:$0x10A80] =	vst v63  }
0xbb: {  	v4 =	vld @!p1 [tilespmem:s7+$0x2];
	_ =	sdelay $0x4  }
0xbc: {  	v4 =	vand.u32 @!p1 $0xFFFFFF80, v4  }
0xbd: {  	v4 =	vadd.s32 @!p1 s1, v4  }
0xbe: {  	(v2sf) =	vpush @!p1 v4, $0x0;
	_ =	sdelay $0x1  }
0xbf: {  	(v2sf) =	vpush @!p1 v4, $0x1;
	_ =	sdelay $0xc  }
0xc0: {  	s15 =	simm.s32 @!p1 $0x2280;
	s11 =	spop @!p1 (v2sf)  }
0xc1: {  	[tilespmem:s15], [sflag:$0x2] =	stream.strided.gather @!p1 [hbm4b:s11+s30], $0x1000, s0, s30, $0x38;
	[tilespmem:$0x10A80] =	vst v63  }
0xc2: {  	s11 =	spop @!p1 (v2sf);
	s15 =	simm.s32 @!p1 $0x3280  }
0xc3: {  	[tilespmem:s15], [sflag:$0x2] =	stream.strided.gather @!p1 [hbm4b:s11+s30], $0x1000, s0, s30, $0x38;
	[tilespmem:$0x10A80] =	vst v63  }
0xc4: {  	_ =	swait.ge [sflag:s31], $0x1000  }
0xc5: {  	[sflag:s31] =	ssyncset.done $0x0  }
0xc6: {  	[sflag:s31] =	ssyncadd.s32 $0xFFFFF000  }
0xc7: {  	_ =	swait.ge [sflag:s31], $0x1000  }
0xc8: {  	[sflag:s31] =	ssyncset.done $0x0  }
0xc9: {  	s11 =	simm.s32 @!p0 $0xB;
	[sflag:s31] =	ssyncadd.s32 $0xFFFFF000  }
0xca: {  	_ =	swait.ge @!p0 [sflag:s11], $0x100  }
0xcb: {  	[sflag:s11] =	ssyncset.done @!p0 $0x0  }
0xcc: {  	[sflag:s11] =	ssyncadd.s32 @!p0 $0xFFFFFF00  }
0xcd: {  	v4 =	vld [tilespmem:s7+$0xFFFFFFF4];
	_ =	sdelay $0x4  }
0xce: {  	v4 =	vand.u32 $0x7F, v4  }
0xcf: {  	v5 =	vbroadcast v4, $0x0;
	_ =	sdelay $0x1  }
0xd0: {  	v52 =	vor.u32 v0, v5  }
0xd1: {  	v5 =	vor.u32 v1, v5;
	_ =	sdelay $0x3  }
0xd2: {  	v4 =	vbroadcast v4, $0x1;
	v6 =	vld.idx.msk [tilespmem:v52+s14+$0x0], $0xffff  }
0xd3: {  	v5 =	vld.idx.msk [tilespmem:v5+s14+$0x0], $0xffff  }
0xd4: {  	v53 =	vor.u32 v2, v4  }
0xd5: {  	v4 =	vor.u32 v3, v4;
	_ =	sdelay $0x1  }
0xd6: {  	[tilespmem:$0x10480] =	vst v6  }
0xd7: {  	[tilespmem:$0x10490] =	vst v5  }
0xd8: {  	v5 =	vld.idx.msk [tilespmem:v53+s14+$0x0], $0xffff  }
0xd9: {  	v4 =	vld.idx.msk [tilespmem:v4+s14+$0x0], $0xffff;
	_ =	sdelay $0x3  }
0xda: {  	[tilespmem:$0x10500] =	vst v5  }
0xdb: {  	s15 =	simm.s32 $0x10480;
	s11 =	sadd.s32 $0x40, s28;
	[tilespmem:$0x10510] =	vst v4  }
0xdc: {  	[hbm4b:s11+s3] =	stream.linear.scatter [tilespmem:s15], [sflag:$0xB], $0x100, $0x38;
	[tilespmem:$0x10A80] =	vst v63  }
0xdd: {  	v4 =	vld @!p1 [tilespmem:s7+$0x4];
	_ =	sdelay $0x4  }
0xde: {  	v4 =	vand.u32 @!p1 $0xFFFFFF80, v4  }
0xdf: {  	v4 =	vadd.s32 @!p1 s1, v4  }
0xe0: {  	(v2sf) =	vpush @!p1 v4, $0x0;
	_ =	sdelay $0x1  }
0xe1: {  	(v2sf) =	vpush @!p1 v4, $0x1;
	_ =	sdelay $0xc  }
0xe2: {  	s15 =	simm.s32 @!p1 $0x4280;
	s11 =	spop @!p1 (v2sf)  }
0xe3: {  	[tilespmem:s15], [sflag:$0x3] =	stream.strided.gather @!p1 [hbm4b:s11+s30], $0x1000, s0, s30, $0x38;
	[tilespmem:$0x10A80] =	vst v63  }
0xe4: {  	s11 =	spop @!p1 (v2sf);
	s15 =	simm.s32 @!p1 $0x5280  }
0xe5: {  	[tilespmem:s15], [sflag:$0x3] =	stream.strided.gather @!p1 [hbm4b:s11+s30], $0x1000, s0, s30, $0x38;
	[tilespmem:$0x10A80] =	vst v63  }
0xe6: {  	_ =	swait.ge [sflag:s2], $0x1000  }
0xe7: {  	[sflag:s2] =	ssyncset.done $0x0  }
0xe8: {  	[sflag:s2] =	ssyncadd.s32 $0xFFFFF000  }
0xe9: {  	_ =	swait.ge [sflag:s2], $0x1000  }
0xea: {  	[sflag:s2] =	ssyncset.done $0x0  }
0xeb: {  	s11 =	simm.s32 @!p0 $0xC;
	[sflag:s2] =	ssyncadd.s32 $0xFFFFF000  }
0xec: {  	_ =	swait.ge @!p0 [sflag:s11], $0x100  }
0xed: {  	[sflag:s11] =	ssyncset.done @!p0 $0x0  }
0xee: {  	[sflag:s11] =	ssyncadd.s32 @!p0 $0xFFFFFF00  }
0xef: {  	v4 =	vld [tilespmem:s7+$0xFFFFFFF6];
	_ =	sdelay $0x4  }
0xf0: {  	v4 =	vand.u32 $0x7F, v4  }
0xf1: {  	v5 =	vbroadcast v4, $0x0;
	_ =	sdelay $0x1  }
0xf2: {  	v54 =	vor.u32 v0, v5  }
0xf3: {  	v5 =	vor.u32 v1, v5;
	_ =	sdelay $0x3  }
0xf4: {  	v4 =	vbroadcast v4, $0x1;
	v6 =	vld.idx.msk [tilespmem:v54+s16+$0x0], $0xffff  }
0xf5: {  	v5 =	vld.idx.msk [tilespmem:v5+s16+$0x0], $0xffff  }
0xf6: {  	v55 =	vor.u32 v2, v4  }
0xf7: {  	v4 =	vor.u32 v3, v4;
	_ =	sdelay $0x1  }
0xf8: {  	[tilespmem:$0x10580] =	vst v6  }
0xf9: {  	[tilespmem:$0x10590] =	vst v5  }
0xfa: {  	v5 =	vld.idx.msk [tilespmem:v55+s16+$0x0], $0xffff  }
0xfb: {  	v4 =	vld.idx.msk [tilespmem:v4+s16+$0x0], $0xffff;
	_ =	sdelay $0x3  }
0xfc: {  	[tilespmem:$0x10600] =	vst v5  }
0xfd: {  	s15 =	simm.s32 $0x10580;
	s11 =	sadd.s32 $0x60, s28;
	[tilespmem:$0x10610] =	vst v4  }
0xfe: {  	[hbm4b:s11+s3] =	stream.linear.scatter [tilespmem:s15], [sflag:$0xC], $0x100, $0x38;
	[tilespmem:$0x10A80] =	vst v63  }
0xff: {  	v4 =	vld @!p1 [tilespmem:s7+$0x6];
	_ =	sdelay $0x4  }
0x100: {  	v4 =	vand.u32 @!p1 $0xFFFFFF80, v4  }
0x101: {  	v4 =	vadd.s32 @!p1 s1, v4  }
0x102: {  	(v2sf) =	vpush @!p1 v4, $0x0;
	_ =	sdelay $0x1  }
0x103: {  	(v2sf) =	vpush @!p1 v4, $0x1;
	_ =	sdelay $0xc  }
0x104: {  	s15 =	simm.s32 @!p1 $0x6280;
	s11 =	spop @!p1 (v2sf)  }
0x105: {  	[tilespmem:s15], [sflag:$0x4] =	stream.strided.gather @!p1 [hbm4b:s11+s30], $0x1000, s0, s30, $0x38;
	[tilespmem:$0x10A80] =	vst v63  }
0x106: {  	s11 =	spop @!p1 (v2sf);
	s15 =	simm.s32 @!p1 $0x7280  }
0x107: {  	[tilespmem:s15], [sflag:$0x4] =	stream.strided.gather @!p1 [hbm4b:s11+s30], $0x1000, s0, s30, $0x38;
	[tilespmem:$0x10A80] =	vst v63  }
0x108: {  	_ =	swait.ge [sflag:s13], $0x1000  }
0x109: {  	[sflag:s13] =	ssyncset.done $0x0  }
0x10a: {  	[sflag:s13] =	ssyncadd.s32 $0xFFFFF000  }
0x10b: {  	_ =	swait.ge [sflag:s13], $0x1000  }
0x10c: {  	[sflag:s13] =	ssyncset.done $0x0  }
0x10d: {  	s11 =	simm.s32 @!p0 $0xD;
	[sflag:s13] =	ssyncadd.s32 $0xFFFFF000  }
0x10e: {  	_ =	swait.ge @!p0 [sflag:s11], $0x100  }
0x10f: {  	[sflag:s11] =	ssyncset.done @!p0 $0x0  }
0x110: {  	[sflag:s11] =	ssyncadd.s32 @!p0 $0xFFFFFF00  }
0x111: {  	v4 =	vld [tilespmem:s7+$0xFFFFFFF8];
	_ =	sdelay $0x4  }
0x112: {  	v4 =	vand.u32 $0x7F, v4  }
0x113: {  	v5 =	vbroadcast v4, $0x0;
	_ =	sdelay $0x1  }
0x114: {  	v56 =	vor.u32 v0, v5  }
0x115: {  	v5 =	vor.u32 v1, v5;
	_ =	sdelay $0x3  }
0x116: {  	v4 =	vbroadcast v4, $0x1;
	v6 =	vld.idx.msk [tilespmem:v56+s18+$0x0], $0xffff  }
0x117: {  	v5 =	vld.idx.msk [tilespmem:v5+s18+$0x0], $0xffff  }
0x118: {  	v57 =	vor.u32 v2, v4  }
0x119: {  	v4 =	vor.u32 v3, v4;
	_ =	sdelay $0x1  }
0x11a: {  	[tilespmem:$0x10680] =	vst v6  }
0x11b: {  	[tilespmem:$0x10690] =	vst v5  }
0x11c: {  	v5 =	vld.idx.msk [tilespmem:v57+s18+$0x0], $0xffff  }
0x11d: {  	v4 =	vld.idx.msk [tilespmem:v4+s18+$0x0], $0xffff;
	_ =	sdelay $0x3  }
0x11e: {  	[tilespmem:$0x10700] =	vst v5  }
0x11f: {  	s15 =	simm.s32 $0x10680;
	s11 =	sadd.s32 $0x80, s28;
	[tilespmem:$0x10710] =	vst v4  }
0x120: {  	[hbm4b:s11+s3] =	stream.linear.scatter [tilespmem:s15], [sflag:$0xD], $0x100, $0x38;
	[tilespmem:$0x10A80] =	vst v63  }
0x121: {  	v4 =	vld @!p1 [tilespmem:s7+$0x8];
	_ =	sdelay $0x4  }
0x122: {  	v4 =	vand.u32 @!p1 $0xFFFFFF80, v4  }
0x123: {  	v4 =	vadd.s32 @!p1 s1, v4  }
0x124: {  	(v2sf) =	vpush @!p1 v4, $0x0;
	_ =	sdelay $0x1  }
0x125: {  	(v2sf) =	vpush @!p1 v4, $0x1;
	_ =	sdelay $0xc  }
0x126: {  	s15 =	simm.s32 @!p1 $0x8280;
	s11 =	spop @!p1 (v2sf)  }
0x127: {  	[tilespmem:s15], [sflag:$0x5] =	stream.strided.gather @!p1 [hbm4b:s11+s30], $0x1000, s0, s30, $0x38;
	[tilespmem:$0x10A80] =	vst v63  }
0x128: {  	s11 =	spop @!p1 (v2sf);
	s15 =	simm.s32 @!p1 $0x9280  }
0x129: {  	[tilespmem:s15], [sflag:$0x5] =	stream.strided.gather @!p1 [hbm4b:s11+s30], $0x1000, s0, s30, $0x38;
	[tilespmem:$0x10A80] =	vst v63  }
0x12a: {  	_ =	swait.ge [sflag:s17], $0x1000  }
0x12b: {  	[sflag:s17] =	ssyncset.done $0x0  }
0x12c: {  	[sflag:s17] =	ssyncadd.s32 $0xFFFFF000  }
0x12d: {  	_ =	swait.ge [sflag:s17], $0x1000  }
0x12e: {  	[sflag:s17] =	ssyncset.done $0x0  }
0x12f: {  	s11 =	simm.s32 @!p0 $0xE;
	[sflag:s17] =	ssyncadd.s32 $0xFFFFF000  }
0x130: {  	_ =	swait.ge @!p0 [sflag:s11], $0x100  }
0x131: {  	[sflag:s11] =	ssyncset.done @!p0 $0x0  }
0x132: {  	[sflag:s11] =	ssyncadd.s32 @!p0 $0xFFFFFF00  }
0x133: {  	v4 =	vld [tilespmem:s7+$0xFFFFFFFA];
	_ =	sdelay $0x4  }
0x134: {  	v4 =	vand.u32 $0x7F, v4  }
0x135: {  	v5 =	vbroadcast v4, $0x0;
	_ =	sdelay $0x1  }
0x136: {  	v58 =	vor.u32 v0, v5  }
0x137: {  	v5 =	vor.u32 v1, v5;
	_ =	sdelay $0x3  }
0x138: {  	v4 =	vbroadcast v4, $0x1;
	v6 =	vld.idx.msk [tilespmem:v58+s20+$0x0], $0xffff  }
0x139: {  	v5 =	vld.idx.msk [tilespmem:v5+s20+$0x0], $0xffff  }
0x13a: {  	v59 =	vor.u32 v2, v4  }
0x13b: {  	v4 =	vor.u32 v3, v4;
	_ =	sdelay $0x1  }
0x13c: {  	[tilespmem:$0x10780] =	vst v6  }
0x13d: {  	[tilespmem:$0x10790] =	vst v5  }
0x13e: {  	v5 =	vld.idx.msk [tilespmem:v59+s20+$0x0], $0xffff  }
0x13f: {  	v4 =	vld.idx.msk [tilespmem:v4+s20+$0x0], $0xffff;
	_ =	sdelay $0x3  }
0x140: {  	[tilespmem:$0x10800] =	vst v5  }
0x141: {  	s15 =	sadd.s32 $0xA0, s28;
	[tilespmem:$0x10810] =	vst v4  }
0x142: {  	[hbm4b:s15+s3] =	stream.linear.scatter [tilespmem:s19], [sflag:$0xE], $0x100, $0x38;
	[tilespmem:$0x10A80] =	vst v63  }
0x143: {  	v4 =	vld @!p1 [tilespmem:s7+$0xA];
	_ =	sdelay $0x4  }
0x144: {  	v4 =	vand.u32 @!p1 $0xFFFFFF80, v4  }
0x145: {  	v4 =	vadd.s32 @!p1 s1, v4  }
0x146: {  	(v2sf) =	vpush @!p1 v4, $0x0;
	_ =	sdelay $0x1  }
0x147: {  	(v2sf) =	vpush @!p1 v4, $0x1;
	_ =	sdelay $0xc  }
0x148: {  	s15 =	simm.s32 @!p1 $0xA280;
	s11 =	spop @!p1 (v2sf)  }
0x149: {  	[tilespmem:s15], [sflag:$0x6] =	stream.strided.gather @!p1 [hbm4b:s11+s30], $0x1000, s0, s30, $0x38;
	[tilespmem:$0x10A80] =	vst v63  }
0x14a: {  	s11 =	spop @!p1 (v2sf);
	s15 =	simm.s32 @!p1 $0xB280  }
0x14b: {  	[tilespmem:s15], [sflag:$0x6] =	stream.strided.gather @!p1 [hbm4b:s11+s30], $0x1000, s0, s30, $0x38;
	[tilespmem:$0x10A80] =	vst v63  }
0x14c: {  	_ =	swait.ge [sflag:s21], $0x1000  }
0x14d: {  	[sflag:s21] =	ssyncset.done $0x0  }
0x14e: {  	[sflag:s21] =	ssyncadd.s32 $0xFFFFF000  }
0x14f: {  	_ =	swait.ge [sflag:s21], $0x1000  }
0x150: {  	[sflag:s21] =	ssyncset.done $0x0  }
0x151: {  	s11 =	simm.s32 @!p0 $0xF;
	[sflag:s21] =	ssyncadd.s32 $0xFFFFF000  }
0x152: {  	_ =	swait.ge @!p0 [sflag:s11], $0x100  }
0x153: {  	[sflag:s11] =	ssyncset.done @!p0 $0x0  }
0x154: {  	[sflag:s11] =	ssyncadd.s32 @!p0 $0xFFFFFF00  }
0x155: {  	v4 =	vld [tilespmem:s7+$0xFFFFFFFC];
	_ =	sdelay $0x4  }
0x156: {  	v4 =	vand.u32 $0x7F, v4  }
0x157: {  	v5 =	vbroadcast v4, $0x0;
	_ =	sdelay $0x1  }
0x158: {  	v60 =	vor.u32 v0, v5  }
0x159: {  	v5 =	vor.u32 v1, v5;
	_ =	sdelay $0x3  }
0x15a: {  	v4 =	vbroadcast v4, $0x1;
	v6 =	vld.idx.msk [tilespmem:v60+s22+$0x0], $0xffff  }
0x15b: {  	v5 =	vld.idx.msk [tilespmem:v5+s22+$0x0], $0xffff  }
0x15c: {  	v61 =	vor.u32 v2, v4  }
0x15d: {  	v4 =	vor.u32 v3, v4;
	_ =	sdelay $0x1  }
0x15e: {  	[tilespmem:$0x10880] =	vst v6  }
0x15f: {  	[tilespmem:$0x10890] =	vst v5  }
0x160: {  	v5 =	vld.idx.msk [tilespmem:v61+s22+$0x0], $0xffff  }
0x161: {  	v4 =	vld.idx.msk [tilespmem:v4+s22+$0x0], $0xffff;
	_ =	sdelay $0x3  }
0x162: {  	[tilespmem:$0x10900] =	vst v5  }
0x163: {  	s15 =	sadd.s32 $0xC0, s28;
	[tilespmem:$0x10910] =	vst v4  }
0x164: {  	[hbm4b:s15+s3] =	stream.linear.scatter [tilespmem:s23], [sflag:$0xF], $0x100, $0x38;
	[tilespmem:$0x10A80] =	vst v63  }
0x165: {  	v4 =	vld @!p1 [tilespmem:s7+$0xC];
	_ =	sdelay $0x4  }
0x166: {  	v4 =	vand.u32 @!p1 $0xFFFFFF80, v4  }
0x167: {  	v4 =	vadd.s32 @!p1 s1, v4  }
0x168: {  	(v2sf) =	vpush @!p1 v4, $0x0;
	_ =	sdelay $0x1  }
0x169: {  	(v2sf) =	vpush @!p1 v4, $0x1;
	_ =	sdelay $0xc  }
0x16a: {  	s15 =	simm.s32 @!p1 $0xC280;
	s11 =	spop @!p1 (v2sf)  }
0x16b: {  	[tilespmem:s15], [sflag:$0x7] =	stream.strided.gather @!p1 [hbm4b:s11+s30], $0x1000, s0, s30, $0x38;
	[tilespmem:$0x10A80] =	vst v63  }
0x16c: {  	s11 =	spop @!p1 (v2sf);
	s15 =	simm.s32 @!p1 $0xD280  }
0x16d: {  	[tilespmem:s15], [sflag:$0x7] =	stream.strided.gather @!p1 [hbm4b:s11+s30], $0x1000, s0, s30, $0x38;
	[tilespmem:$0x10A80] =	vst v63  }
0x16e: {  	_ =	swait.ge [sflag:s4], $0x1000  }
0x16f: {  	[sflag:s4] =	ssyncset.done $0x0  }
0x170: {  	[sflag:s4] =	ssyncadd.s32 $0xFFFFF000  }
0x171: {  	_ =	swait.ge [sflag:s4], $0x1000  }
0x172: {  	[sflag:s4] =	ssyncset.done $0x0  }
0x173: {  	s0 =	simm.s32 @!p0 $0x10;
	[sflag:s4] =	ssyncadd.s32 $0xFFFFF000  }
0x174: {  	_ =	swait.ge @!p0 [sflag:s0], $0x100  }
0x175: {  	[sflag:s0] =	ssyncset.done @!p0 $0x0  }
0x176: {  	[sflag:s0] =	ssyncadd.s32 @!p0 $0xFFFFFF00  }
0x177: {  	v4 =	vld [tilespmem:s7+$0xFFFFFFFE];
	_ =	sdelay $0x4  }
0x178: {  	v4 =	vand.u32 $0x7F, v4  }
0x179: {  	v5 =	vbroadcast v4, $0x0;
	_ =	sdelay $0x1  }
0x17a: {  	v62 =	vor.u32 v0, v5  }
0x17b: {  	v5 =	vor.u32 v1, v5;
	_ =	sdelay $0x3  }
0x17c: {  	v4 =	vbroadcast v4, $0x1;
	v6 =	vld.idx.msk [tilespmem:v62+s24+$0x0], $0xffff  }
0x17d: {  	v5 =	vld.idx.msk [tilespmem:v5+s24+$0x0], $0xffff  }
0x17e: {  	v63 =	vor.u32 v2, v4  }
0x17f: {  	v4 =	vor.u32 v3, v4;
	_ =	sdelay $0x1  }
0x180: {  	[tilespmem:$0x10980] =	vst v6  }
0x181: {  	[tilespmem:$0x10990] =	vst v5  }
0x182: {  	v5 =	vld.idx.msk [tilespmem:v63+s24+$0x0], $0xffff  }
0x183: {  	v4 =	vld.idx.msk [tilespmem:v4+s24+$0x0], $0xffff;
	_ =	sdelay $0x1  }
.Ltmp2:
0x184: {  	_ = 	snop;
	(pc) =	sbr.rel @p1 .LBB2_4-.Ltmp2, $4  }
0x185: {  	_ = 	snop  }
0x186: {  	[tilespmem:$0x10A00] =	vst v5  }
0x187: {  	s30 =	sadd.s32 $0xE0, s28;
	[tilespmem:$0x10A10] =	vst v4  }
0x188: {  	[hbm4b:s30+s3] =	stream.linear.scatter [tilespmem:s5], [sflag:$0x10], $0x100, $0x38;
	[tilespmem:$0x10A80] =	vst v63  }
0x189: {  	v4 =	vld [tilespmem:s7+$0xE];
	_ =	sdelay $0x4  }
0x18a: {  	v4 =	vand.u32 $0xFFFFFF80, v4  }
0x18b: {  	v4 =	vadd.s32 s1, v4  }
0x18c: {  	(v2sf) =	vpush v4, $0x0;
	_ =	sdelay $0x1  }
0x18d: {  	(v2sf) =	vpush v4, $0x1;
	_ =	sdelay $0xb  }
.Ltmp3:
0x18e: {  	_ = 	snop;
	(pc) =	sbr.rel .LBB2_2-.Ltmp3, $4  }
0x18f: {  	s11 =	simm.s32 $0xF280;
	s0 =	spop (v2sf)  }
0x190: {  	[tilespmem:s24], [sflag:$0x8] =	stream.strided.gather [hbm4b:s0+s8], $0x1000, s9, s8, $0x38;
	[tilespmem:$0x10A80] =	vst v63  }
0x191: {  	s25 =	sadd.s32 $0x100, s25;
	s7 =	sadd.s32 $0x10, s7;
	s30 =	spop (v2sf)  }
0x192: {  	[tilespmem:s11], [sflag:$0x8] =	stream.strided.gather [hbm4b:s30+s8], $0x1000, s9, s8, $0x38;
	[tilespmem:$0x10A80] =	vst v63  }
.LBB2_5:
0x193: {  	_ =	sfence.sel $0x180000  }
0x194: {  	[bflag:$0x0] =	sbarrier.arrive $0xFFFF  }
0x195: {  	_ =	strace $0x90000047  }
0x196: {  	s0 =	stileid.u32;
	[bflag:$0x2] =	sbarrier.arrive $0xFFFF  }
0x197: {  	p0 =	sne.s32 s0, $0x0;
	s0 =	rddreg [dreg:$0x3]  }
0x198: {  	s0 =	sadd.s32 @!p0 $0x100000, s0  }
0x199: {  	[sflag:s0] =	ssyncadd.tile.s32 @!p0 $0x1;
	_ =	shalt  }
.Lfunc_end2:
_tile_overlayer_lowered:
.L_overlay_start_2:
0x19a: {  	(tag) =	ssettag $0x2  }
0x19b: {  	s0 =	rddreg [dreg:$0x0];
	s2 =	stileid.u32  }
0x19c: {  	s1 =	rddreg [dreg:$0x1];
	p0 =	sne.s32 s2, $0x0  }
0x19d: {  	s3 =	rddreg [dreg:$0x2];
	[bflag:$0x3] =	sbarrier.arrive $0xFFFF;
	s2 =	simm.s32 @!p0 $0x1C11  }
0x19e: {  	[timem:s3], [sflag:s2] =	dma.local @!p0 [hbm:s0], s1  }
0x19f: {  	s0 =	simm.s32 @!p0 $0x11  }
0x1a0: {  	_ =	swait.ge @!p0 [sflag:s0], s1  }
0x1a1: {  	s1 =	ssub.s32 @!p0 $0x0, s1;
	[sflag:s0] =	ssyncset.done @!p0 $0x0  }
0x1a2: {  	[sflag:s0] =	ssyncadd.s32 @!p0 s1  }
0x1a3: {  	[bflag:$0x3] =	sbarrier.arrive $0xFFFF  }
0x1a4: {  	_ =	shalt  }

</sc_bundles>
